<compile_context>
chip_gen: v7x
topology: tpu7x:2x2x1
jax: 0.10.2.dev20260603
libtpu: 0.0.44.dev20260713+nightly
codegen_flags: <defaults>
</compile_context>

<pallas_src>
import functools

import jax
import jax.numpy as jnp
from jax import lax
from jax.experimental import pallas as pl
from jax.experimental.pallas import tpu as pltpu
from jax.experimental.pallas import tpu_sc as plsc

N_TIME = 8192
BINS = 10000
OUT_WIDTH = 2048
BATCH = 4

_TOTAL_ROWS = BATCH * N_TIME
_SEG = N_TIME // 32
_CHUNK = 16
_BLK = 8
_NRING = 6


def _build_sc_call():
    info = plsc.get_sparse_core_info()
    nc, ns, nl = info.num_cores, info.num_subcores, info.num_lanes

    mesh = plsc.VectorSubcoreMesh(core_axis_name="c", subcore_axis_name="s")

    n_chunks = BATCH * (_SEG // _CHUNK)
    chunks_per_seg = _SEG // _CHUNK

    @functools.partial(
        pl.kernel,
        mesh=mesh,
        out_type=jax.ShapeDtypeStruct((_TOTAL_ROWS, OUT_WIDTH), jnp.float32),
        scratch_types=[
            pltpu.VMEM((BATCH, 2, 16), jnp.float32),
            pltpu.VMEM((BATCH * _SEG,), jnp.int32),
            pltpu.VMEM((_NRING * _BLK, OUT_WIDTH), jnp.float32),
            pltpu.SemaphoreType.DMA,
            pltpu.SemaphoreType.DMA,
        ],
    )
    def sc_kernel(params_hbm, table_hbm, out_hbm, params_v, idx_v, ring_v,
                  fsem, wsem):
        wid = lax.axis_index("s") * nc + lax.axis_index("c")
        t_base = wid * _SEG

        pltpu.sync_copy(params_hbm, params_v)

        lane = lax.iota(jnp.int32, nl).astype(jnp.float32)
        tb_f = t_base.astype(jnp.float32)

        for b in range(BATCH):
            sv = params_v[b, 0, :]
            dv = params_v[b, 1, :]

            def idx_body(i, _, sv=sv, dv=dv, b=b):
                tv = tb_f + (i * nl).astype(jnp.float32) + lane
                pos = sv + dv * (tv * (1.0 / N_TIME))
                idx_v[pl.ds(b * _SEG + i * nl, nl)] = (
                    pos * float(BINS)).astype(jnp.int32)
                return 0

            lax.fori_loop(0, _SEG // nl, idx_body, 0)

        def row_wait():
            pltpu.make_async_copy(
                ring_v.at[pl.ds(0, 1)],
                out_hbm.at[pl.ds(t_base, 1)],
                wsem,
            ).wait()

        def fetch_wait():
            pltpu.make_async_copy(
                table_hbm.at[pl.ds(0, _BLK)],
                ring_v.at[pl.ds(0, _BLK)],
                fsem,
            ).wait()

        def start_fetch(bn):
            blk_start = pl.multiple_of(bn * _BLK, _BLK)
            slot = lax.rem(bn, jnp.int32(_NRING))
            pltpu.make_async_copy(
                table_hbm.at[pl.ds(blk_start, _BLK)],
                ring_v.at[pl.ds(pl.multiple_of(slot * _BLK, _BLK), _BLK)],
                fsem,
            ).start()

        def chunk_body(c, carry):
            started_bn, waited_bn = carry
            seg = c // chunks_per_seg
            ck = c - seg * chunks_per_seg
            seg_lo = seg * _SEG

            ends_first = idx_v[pl.ds(seg_lo, nl)]
            ends_last = idx_v[pl.ds(seg_lo + _SEG - nl, nl)]
            rev = ends_first[0] > ends_last[nl - 1]
            is_new_seg = ck == 0

            fwd_base = seg_lo + ck * _CHUNK
            rev_base = seg_lo + (_SEG - _CHUNK) - ck * _CHUNK
            chunk_base = jnp.where(rev, rev_base, fwd_base)
            vec = idx_v[pl.ds(chunk_base, _CHUNK)]

            idx_lo = jnp.minimum(vec[0], vec[_CHUNK - 1])
            idx_hi = jnp.maximum(vec[0], vec[_CHUNK - 1])
            ck_n = jnp.minimum(ck + 1, jnp.int32(chunks_per_seg - 1))
            nxt_base = jnp.where(rev,
                                 seg_lo + (_SEG - _CHUNK) - ck_n * _CHUNK,
                                 seg_lo + ck_n * _CHUNK)
            vec_n = idx_v[pl.ds(nxt_base, _CHUNK)]
            idx_hi_n = jnp.maximum(
                jnp.maximum(vec_n[0], vec_n[_CHUNK - 1]), idx_hi)
            bn_lo = lax.shift_right_logical(idx_lo, 3)
            bn_hi = lax.shift_right_logical(idx_hi, 3)
            bn_hi_n = lax.shift_right_logical(idx_hi_n, 3)

            started_bn = jnp.where(is_new_seg, bn_lo - 1, started_bn)
            waited_bn = jnp.where(is_new_seg, bn_lo - 1, waited_bn)

            @pl.when(c > 0)
            def _():
                for _r in range(_CHUNK):
                    row_wait()

            for _f in range(6):
                need = started_bn < bn_hi_n

                @pl.when(need)
                def _(started_bn=started_bn):
                    start_fetch(started_bn + 1)

                started_bn = jnp.where(need, started_bn + 1, started_bn)

            for _f in range(6):
                need = waited_bn < bn_hi

                @pl.when(need)
                def _():
                    fetch_wait()

                waited_bn = jnp.where(need, waited_bn + 1, waited_bn)

            out_base = pl.multiple_of(
                seg * N_TIME + t_base + (chunk_base - seg_lo), _CHUNK)
            for r in range(_CHUNK):
                row_idx = vec[r]
                slot = lax.rem(lax.shift_right_logical(row_idx, 3),
                               jnp.int32(_NRING))
                off = lax.bitwise_and(row_idx, jnp.int32(_BLK - 1))
                pltpu.make_async_copy(
                    ring_v.at[pl.ds(slot * _BLK + off, 1)],
                    out_hbm.at[pl.ds(out_base + r, 1)],
                    wsem,
                ).start()

            return (started_bn, waited_bn)

        lax.fori_loop(0, n_chunks, chunk_body,
                      (jnp.int32(-1), jnp.int32(-1)))

        for _r in range(_CHUNK):
            row_wait()

    return sc_kernel


def kernel(pos_start, pos_end, emb_weight):
    s = pos_start.reshape(BATCH)
    d = pos_end.reshape(BATCH) - s
    params = jnp.stack([s, d], axis=1)
    params = jnp.broadcast_to(params[:, :, None], (BATCH, 2, 16))
    sc_call = _build_sc_call()
    out = sc_call(params, emb_weight)
    return out.reshape(BATCH, N_TIME, OUT_WIDTH)

# --- scband reference (transcript-rebuilt; emitter-appended) ---
"""Pipeline reference for scband-range-embedding-47957604827308 (READ-ONLY COPY).

The authoritative reference and input builder live on the scoring server;
editing this copy changes nothing except your own understanding.
"""

import jax, jax.numpy as jnp
import numpy as np

N_TIME = 8192
BINS = 10000
POS_MIN = 0.0
POS_MAX = 1.0
OUT_WIDTH = 2048
INIT_SCALE = 1.0
BATCH = 4


def setup_inputs(seed: int = 0) -> dict:
    key = jax.random.key(seed)
    k1, k2, k3 = jax.random.split(key, 3)
    pos_start = jax.random.uniform(k1, (BATCH, 1), dtype=jnp.float32)
    pos_end = jax.random.uniform(k2, (BATCH, 1), dtype=jnp.float32)
    emb_weight = jax.random.normal(k3, (BINS, OUT_WIDTH), dtype=jnp.float32) * (0.01 * INIT_SCALE)
    return {"pos_start": pos_start, "pos_end": pos_end, "emb_weight": emb_weight}


def reference(pos_start, pos_end, emb_weight):
    # n_time != 1 branch: interpolate positions across n_time steps
    interpolation = jnp.arange(0, N_TIME, dtype=jnp.float32).reshape(1, N_TIME) / N_TIME
    position = pos_start + (pos_end - pos_start) * interpolation  # [B, n_time]
    normalised_position = (position - POS_MIN) / (POS_MAX - POS_MIN)
    bins_idx = jnp.floor(BINS * normalised_position).astype(jnp.int32)
    bins_idx = jax.lax.stop_gradient(bins_idx)  # .detach() in torch
    return jnp.take(emb_weight, bins_idx, axis=0)  # [B, n_time, out_width]

if __name__ == "__main__":
    import jax
    _d = setup_inputs()
    print(jax.jit(kernel)(*tuple(_d.values())))

</pallas_src>

<mosaic_0001>
#map = affine_map<(d0, d1) -> (0, 0, 0)>
#map1 = affine_map<(d0, d1) -> (0, 0)>
module attributes {stable_mosaic.version = 14 : i64} {
  func.func @sc_kernel(%arg0: i32, %arg1: i32, %arg2: memref<4x2x16xf32, #tpu.memory_space<hbm>>, %arg3: memref<10000x2048xf32, #tpu.memory_space<hbm>>, %arg4: memref<32768x2048xf32, #tpu.memory_space<hbm>>, %arg5: memref<4x2x16xf32, #tpu.memory_space<vmem>>, %arg6: memref<1024xi32, #tpu.memory_space<vmem>>, %arg7: memref<48x2048xf32, #tpu.memory_space<vmem>>, %arg8: memref<!tpu.dma_semaphore, #tpu.memory_space<semaphore_mem>>, %arg9: memref<!tpu.dma_semaphore, #tpu.memory_space<semaphore_mem>>) attributes {dimension_semantics = [#tpu.dimension_semantics<core_parallel>, #tpu.dimension_semantics<subcore_parallel>], iteration_bounds = array<i64: 2, 16>, scalar_prefetch = 0 : i64, scratch_operands = 5 : i64, tpu.core_type = #tpu.core_type<sc_vector_subcore>, window_params = [{transform_indices = #map}, {transform_indices = #map1}, {transform_indices = #map1}]} {
    %mul3A = arith.constant 2 : i32
    %mul3A_0 = arith.muli %arg1, %mul3A : i32
    %add3A = arith.addi %mul3A_0, %arg0 : i32
    %mul3A_1 = arith.constant 256 : i32
    %mul3A_2 = arith.muli %add3A, %mul3A_1 : i32
    "tpu.region"() ({
      %run_scoped3A = tpu.sem_alloc : memref<!tpu.dma_semaphore, #tpu.memory_space<semaphore_mem>>
      tpu.enqueue_dma source(%arg2 : memref<4x2x16xf32, #tpu.memory_space<hbm>>) target(%arg5 : memref<4x2x16xf32, #tpu.memory_space<vmem>>) target_semaphore(%run_scoped3A : memref<!tpu.dma_semaphore, #tpu.memory_space<semaphore_mem>>)
      tpu.wait_dma2 semaphore(%run_scoped3A : memref<!tpu.dma_semaphore, #tpu.memory_space<semaphore_mem>>) src(%arg2 : memref<4x2x16xf32, #tpu.memory_space<hbm>>) dst(%arg5 : memref<4x2x16xf32, #tpu.memory_space<vmem>>)
      tpu.yield
    }) : () -> ()
    %iota3A = tpu.iota {dimensions = array<i32: 0>} : vector<16xi32>
    %convert_element_type3A = arith.sitofp %iota3A : vector<16xi32> to vector<16xf32>
    %convert_element_type3A_3 = arith.sitofp %mul3A_2 : i32 to f32
    %get3A = arith.constant 0 : i32
    %get3A_4 = arith.constant 0 : i32
    %get3A_5 = arith.index_cast %get3A : i32 to index
    %get3A_6 = arith.index_cast %get3A_4 : i32 to index
    %get3A_7 = arith.constant 0 : index
    %get3A_8 = tpu.vector_load %arg5[%get3A_5, %get3A_6, %get3A_7] {strides = array<i32>} : memref<4x2x16xf32, #tpu.memory_space<vmem>>, vector<1x1x16xf32>,
    %get3A_9 = vector.shape_cast %get3A_8 : vector<1x1x16xf32> to vector<16xf32>
    %get3A_10 = arith.constant 0 : i32
    %get3A_11 = arith.constant 1 : i32
    %get3A_12 = arith.index_cast %get3A_10 : i32 to index
    %get3A_13 = arith.index_cast %get3A_11 : i32 to index
    %get3A_14 = arith.constant 0 : index
    %get3A_15 = tpu.vector_load %arg5[%get3A_12, %get3A_13, %get3A_14] {strides = array<i32>} : memref<4x2x16xf32, #tpu.memory_space<vmem>>, vector<1x1x16xf32>,
    %get3A_16 = vector.shape_cast %get3A_15 : vector<1x1x16xf32> to vector<16xf32>
    %scan3A = arith.constant 0 : i32
    %scan3A_17 = arith.constant 0 : i32
    %scan3A_18 = arith.constant 16 : i32
    %scan3A_19 = arith.addi %scan3A_17, %scan3A_18 : i32
    %scan3A_20 = arith.constant 1 : i32
    %scan3A_21 = scf.for %scan3A_253 = %scan3A_17 to %scan3A_19 step %scan3A_20 iter_args(%scan3A_254 = %scan3A) -> (i32)  : i32 {
      %mul3A_255 = arith.constant 16 : i32
      %mul3A_256 = arith.muli %scan3A_253, %mul3A_255 : i32
      %convert_element_type3A_257 = arith.sitofp %mul3A_256 : i32 to f32
      %add3A_258 = arith.addf %convert_element_type3A_3, %convert_element_type3A_257 : f32
      %add3A_259 = vector.broadcast %add3A_258 : f32 to vector<16xf32>
      %add3A_260 = arith.addf %add3A_259, %convert_element_type3A : vector<16xf32>
      %mul3A_261 = arith.constant 1.22070313E-4 : f32
      %mul3A_262 = vector.broadcast %mul3A_261 : f32 to vector<16xf32>
      %mul3A_263 = arith.mulf %add3A_260, %mul3A_262 : vector<16xf32>
      %mul3A_264 = arith.mulf %get3A_16, %mul3A_263 : vector<16xf32>
      %add3A_265 = arith.addf %get3A_9, %mul3A_264 : vector<16xf32>
      %mul3A_266 = arith.constant 1.000000e+04 : f32
      %mul3A_267 = vector.broadcast %mul3A_266 : f32 to vector<16xf32>
      %mul3A_268 = arith.mulf %add3A_265, %mul3A_267 : vector<16xf32>
      %convert_element_type3A_269 = arith.fptosi %mul3A_268 : vector<16xf32> to vector<16xi32>
      %mul3A_270 = arith.constant 16 : i32
      %mul3A_271 = arith.muli %scan3A_253, %mul3A_270 : i32
      %add3A_272 = arith.constant 0 : i32
      %add3A_273 = arith.addi %add3A_272, %mul3A_271 : i32
      %swap3A = arith.index_cast %add3A_273 : i32 to index
      %swap3A_274 = tpu.vector_load %arg6[%swap3A] {strides = array<i32>} : memref<1024xi32, #tpu.memory_space<vmem>>, vector<16xi32>,
      %swap3A_275 = vector.shape_cast %swap3A_274 : vector<16xi32> to vector<16xi32>
      %swap3A_276 = vector.shape_cast %convert_element_type3A_269 : vector<16xi32> to vector<16xi32>
      tpu.vector_store %arg6[%swap3A], %swap3A_276 {strides = array<i32>} : memref<1024xi32, #tpu.memory_space<vmem>>, vector<16xi32>,
      %scan3A_277 = arith.constant 0 : i32
      scf.yield %scan3A_277 : i32
    }
    %scan3A_22 = arith.constant 16 : i32
    %get3A_23 = arith.constant 1 : i32
    %get3A_24 = arith.constant 0 : i32
    %get3A_25 = arith.index_cast %get3A_23 : i32 to index
    %get3A_26 = arith.index_cast %get3A_24 : i32 to index
    %get3A_27 = arith.constant 0 : index
    %get3A_28 = tpu.vector_load %arg5[%get3A_25, %get3A_26, %get3A_27] {strides = array<i32>} : memref<4x2x16xf32, #tpu.memory_space<vmem>>, vector<1x1x16xf32>,
    %get3A_29 = vector.shape_cast %get3A_28 : vector<1x1x16xf32> to vector<16xf32>
    %get3A_30 = arith.constant 1 : i32
    %get3A_31 = arith.constant 1 : i32
    %get3A_32 = arith.index_cast %get3A_30 : i32 to index
    %get3A_33 = arith.index_cast %get3A_31 : i32 to index
    %get3A_34 = arith.constant 0 : index
    %get3A_35 = tpu.vector_load %arg5[%get3A_32, %get3A_33, %get3A_34] {strides = array<i32>} : memref<4x2x16xf32, #tpu.memory_space<vmem>>, vector<1x1x16xf32>,
    %get3A_36 = vector.shape_cast %get3A_35 : vector<1x1x16xf32> to vector<16xf32>
    %scan3A_37 = arith.constant 0 : i32
    %scan3A_38 = arith.constant 0 : i32
    %scan3A_39 = arith.constant 16 : i32
    %scan3A_40 = arith.addi %scan3A_38, %scan3A_39 : i32
    %scan3A_41 = arith.constant 1 : i32
    %scan3A_42 = scf.for %scan3A_253 = %scan3A_38 to %scan3A_40 step %scan3A_41 iter_args(%scan3A_254 = %scan3A_37) -> (i32)  : i32 {
      %mul3A_255 = arith.constant 16 : i32
      %mul3A_256 = arith.muli %scan3A_253, %mul3A_255 : i32
      %convert_element_type3A_257 = arith.sitofp %mul3A_256 : i32 to f32
      %add3A_258 = arith.addf %convert_element_type3A_3, %convert_element_type3A_257 : f32
      %add3A_259 = vector.broadcast %add3A_258 : f32 to vector<16xf32>
      %add3A_260 = arith.addf %add3A_259, %convert_element_type3A : vector<16xf32>
      %mul3A_261 = arith.constant 1.22070313E-4 : f32
      %mul3A_262 = vector.broadcast %mul3A_261 : f32 to vector<16xf32>
      %mul3A_263 = arith.mulf %add3A_260, %mul3A_262 : vector<16xf32>
      %mul3A_264 = arith.mulf %get3A_36, %mul3A_263 : vector<16xf32>
      %add3A_265 = arith.addf %get3A_29, %mul3A_264 : vector<16xf32>
      %mul3A_266 = arith.constant 1.000000e+04 : f32
      %mul3A_267 = vector.broadcast %mul3A_266 : f32 to vector<16xf32>
      %mul3A_268 = arith.mulf %add3A_265, %mul3A_267 : vector<16xf32>
      %convert_element_type3A_269 = arith.fptosi %mul3A_268 : vector<16xf32> to vector<16xi32>
      %mul3A_270 = arith.constant 16 : i32
      %mul3A_271 = arith.muli %scan3A_253, %mul3A_270 : i32
      %add3A_272 = arith.constant 256 : i32
      %add3A_273 = arith.addi %add3A_272, %mul3A_271 : i32
      %swap3A = arith.index_cast %add3A_273 : i32 to index
      %swap3A_274 = tpu.vector_load %arg6[%swap3A] {strides = array<i32>} : memref<1024xi32, #tpu.memory_space<vmem>>, vector<16xi32>,
      %swap3A_275 = vector.shape_cast %swap3A_274 : vector<16xi32> to vector<16xi32>
      %swap3A_276 = vector.shape_cast %convert_element_type3A_269 : vector<16xi32> to vector<16xi32>
      tpu.vector_store %arg6[%swap3A], %swap3A_276 {strides = array<i32>} : memref<1024xi32, #tpu.memory_space<vmem>>, vector<16xi32>,
      %scan3A_277 = arith.constant 0 : i32
      scf.yield %scan3A_277 : i32
    }
    %scan3A_43 = arith.constant 16 : i32
    %get3A_44 = arith.constant 2 : i32
    %get3A_45 = arith.constant 0 : i32
    %get3A_46 = arith.index_cast %get3A_44 : i32 to index
    %get3A_47 = arith.index_cast %get3A_45 : i32 to index
    %get3A_48 = arith.constant 0 : index
    %get3A_49 = tpu.vector_load %arg5[%get3A_46, %get3A_47, %get3A_48] {strides = array<i32>} : memref<4x2x16xf32, #tpu.memory_space<vmem>>, vector<1x1x16xf32>,
    %get3A_50 = vector.shape_cast %get3A_49 : vector<1x1x16xf32> to vector<16xf32>
    %get3A_51 = arith.constant 2 : i32
    %get3A_52 = arith.constant 1 : i32
    %get3A_53 = arith.index_cast %get3A_51 : i32 to index
    %get3A_54 = arith.index_cast %get3A_52 : i32 to index
    %get3A_55 = arith.constant 0 : index
    %get3A_56 = tpu.vector_load %arg5[%get3A_53, %get3A_54, %get3A_55] {strides = array<i32>} : memref<4x2x16xf32, #tpu.memory_space<vmem>>, vector<1x1x16xf32>,
    %get3A_57 = vector.shape_cast %get3A_56 : vector<1x1x16xf32> to vector<16xf32>
    %scan3A_58 = arith.constant 0 : i32
    %scan3A_59 = arith.constant 0 : i32
    %scan3A_60 = arith.constant 16 : i32
    %scan3A_61 = arith.addi %scan3A_59, %scan3A_60 : i32
    %scan3A_62 = arith.constant 1 : i32
    %scan3A_63 = scf.for %scan3A_253 = %scan3A_59 to %scan3A_61 step %scan3A_62 iter_args(%scan3A_254 = %scan3A_58) -> (i32)  : i32 {
      %mul3A_255 = arith.constant 16 : i32
      %mul3A_256 = arith.muli %scan3A_253, %mul3A_255 : i32
      %convert_element_type3A_257 = arith.sitofp %mul3A_256 : i32 to f32
      %add3A_258 = arith.addf %convert_element_type3A_3, %convert_element_type3A_257 : f32
      %add3A_259 = vector.broadcast %add3A_258 : f32 to vector<16xf32>
      %add3A_260 = arith.addf %add3A_259, %convert_element_type3A : vector<16xf32>
      %mul3A_261 = arith.constant 1.22070313E-4 : f32
      %mul3A_262 = vector.broadcast %mul3A_261 : f32 to vector<16xf32>
      %mul3A_263 = arith.mulf %add3A_260, %mul3A_262 : vector<16xf32>
      %mul3A_264 = arith.mulf %get3A_57, %mul3A_263 : vector<16xf32>
      %add3A_265 = arith.addf %get3A_50, %mul3A_264 : vector<16xf32>
      %mul3A_266 = arith.constant 1.000000e+04 : f32
      %mul3A_267 = vector.broadcast %mul3A_266 : f32 to vector<16xf32>
      %mul3A_268 = arith.mulf %add3A_265, %mul3A_267 : vector<16xf32>
      %convert_element_type3A_269 = arith.fptosi %mul3A_268 : vector<16xf32> to vector<16xi32>
      %mul3A_270 = arith.constant 16 : i32
      %mul3A_271 = arith.muli %scan3A_253, %mul3A_270 : i32
      %add3A_272 = arith.constant 512 : i32
      %add3A_273 = arith.addi %add3A_272, %mul3A_271 : i32
      %swap3A = arith.index_cast %add3A_273 : i32 to index
      %swap3A_274 = tpu.vector_load %arg6[%swap3A] {strides = array<i32>} : memref<1024xi32, #tpu.memory_space<vmem>>, vector<16xi32>,
      %swap3A_275 = vector.shape_cast %swap3A_274 : vector<16xi32> to vector<16xi32>
      %swap3A_276 = vector.shape_cast %convert_element_type3A_269 : vector<16xi32> to vector<16xi32>
      tpu.vector_store %arg6[%swap3A], %swap3A_276 {strides = array<i32>} : memref<1024xi32, #tpu.memory_space<vmem>>, vector<16xi32>,
      %scan3A_277 = arith.constant 0 : i32
      scf.yield %scan3A_277 : i32
    }
    %scan3A_64 = arith.constant 16 : i32
    %get3A_65 = arith.constant 3 : i32
    %get3A_66 = arith.constant 0 : i32
    %get3A_67 = arith.index_cast %get3A_65 : i32 to index
    %get3A_68 = arith.index_cast %get3A_66 : i32 to index
    %get3A_69 = arith.constant 0 : index
    %get3A_70 = tpu.vector_load %arg5[%get3A_67, %get3A_68, %get3A_69] {strides = array<i32>} : memref<4x2x16xf32, #tpu.memory_space<vmem>>, vector<1x1x16xf32>,
    %get3A_71 = vector.shape_cast %get3A_70 : vector<1x1x16xf32> to vector<16xf32>
    %get3A_72 = arith.constant 3 : i32
    %get3A_73 = arith.constant 1 : i32
    %get3A_74 = arith.index_cast %get3A_72 : i32 to index
    %get3A_75 = arith.index_cast %get3A_73 : i32 to index
    %get3A_76 = arith.constant 0 : index
    %get3A_77 = tpu.vector_load %arg5[%get3A_74, %get3A_75, %get3A_76] {strides = array<i32>} : memref<4x2x16xf32, #tpu.memory_space<vmem>>, vector<1x1x16xf32>,
    %get3A_78 = vector.shape_cast %get3A_77 : vector<1x1x16xf32> to vector<16xf32>
    %scan3A_79 = arith.constant 0 : i32
    %scan3A_80 = arith.constant 0 : i32
    %scan3A_81 = arith.constant 16 : i32
    %scan3A_82 = arith.addi %scan3A_80, %scan3A_81 : i32
    %scan3A_83 = arith.constant 1 : i32
    %scan3A_84 = scf.for %scan3A_253 = %scan3A_80 to %scan3A_82 step %scan3A_83 iter_args(%scan3A_254 = %scan3A_79) -> (i32)  : i32 {
      %mul3A_255 = arith.constant 16 : i32
      %mul3A_256 = arith.muli %scan3A_253, %mul3A_255 : i32
      %convert_element_type3A_257 = arith.sitofp %mul3A_256 : i32 to f32
      %add3A_258 = arith.addf %convert_element_type3A_3, %convert_element_type3A_257 : f32
      %add3A_259 = vector.broadcast %add3A_258 : f32 to vector<16xf32>
      %add3A_260 = arith.addf %add3A_259, %convert_element_type3A : vector<16xf32>
      %mul3A_261 = arith.constant 1.22070313E-4 : f32
      %mul3A_262 = vector.broadcast %mul3A_261 : f32 to vector<16xf32>
      %mul3A_263 = arith.mulf %add3A_260, %mul3A_262 : vector<16xf32>
      %mul3A_264 = arith.mulf %get3A_78, %mul3A_263 : vector<16xf32>
      %add3A_265 = arith.addf %get3A_71, %mul3A_264 : vector<16xf32>
      %mul3A_266 = arith.constant 1.000000e+04 : f32
      %mul3A_267 = vector.broadcast %mul3A_266 : f32 to vector<16xf32>
      %mul3A_268 = arith.mulf %add3A_265, %mul3A_267 : vector<16xf32>
      %convert_element_type3A_269 = arith.fptosi %mul3A_268 : vector<16xf32> to vector<16xi32>
      %mul3A_270 = arith.constant 16 : i32
      %mul3A_271 = arith.muli %scan3A_253, %mul3A_270 : i32
      %add3A_272 = arith.constant 768 : i32
      %add3A_273 = arith.addi %add3A_272, %mul3A_271 : i32
      %swap3A = arith.index_cast %add3A_273 : i32 to index
      %swap3A_274 = tpu.vector_load %arg6[%swap3A] {strides = array<i32>} : memref<1024xi32, #tpu.memory_space<vmem>>, vector<16xi32>,
      %swap3A_275 = vector.shape_cast %swap3A_274 : vector<16xi32> to vector<16xi32>
      %swap3A_276 = vector.shape_cast %convert_element_type3A_269 : vector<16xi32> to vector<16xi32>
      tpu.vector_store %arg6[%swap3A], %swap3A_276 {strides = array<i32>} : memref<1024xi32, #tpu.memory_space<vmem>>, vector<16xi32>,
      %scan3A_277 = arith.constant 0 : i32
      scf.yield %scan3A_277 : i32
    }
    %scan3A_85 = arith.constant 16 : i32
    %scan3A_86 = arith.constant -1 : i32
    %scan3A_87 = arith.constant -1 : i32
    %scan3A_88 = arith.constant 0 : i32
    %scan3A_89 = arith.constant 64 : i32
    %scan3A_90 = arith.addi %scan3A_88, %scan3A_89 : i32
    %scan3A_91 = arith.constant 1 : i32
    %scan3A_92:2 = scf.for %scan3A_253 = %scan3A_88 to %scan3A_90 step %scan3A_91 iter_args(%scan3A_254 = %scan3A_86, %scan3A_255 = %scan3A_87) -> (i32, i32)  : i32 {
      %jit3A = arith.constant 16 : i32
      %div3A = arith.divsi %scan3A_253, %jit3A : i32
      %sign3A = arith.constant 0 : i32
      %sign3A_256 = arith.cmpi sgt, %scan3A_253, %sign3A : i32
      %sign3A_257 = arith.extui %sign3A_256 : i1 to i32
      %sign3A_258 = arith.constant 0 : i32
      %sign3A_259 = arith.cmpi slt, %scan3A_253, %sign3A_258 : i32
      %sign3A_260 = arith.extui %sign3A_259 : i1 to i32
      %sign3A_261 = arith.subi %sign3A_257, %sign3A_260 : i32
      %sign3A_262 = arith.constant 0 : i32
      %sign3A_263 = arith.cmpi sgt, %jit3A, %sign3A_262 : i32
      %sign3A_264 = arith.extui %sign3A_263 : i1 to i32
      %sign3A_265 = arith.constant 0 : i32
      %sign3A_266 = arith.cmpi slt, %jit3A, %sign3A_265 : i32
      %sign3A_267 = arith.extui %sign3A_266 : i1 to i32
      %sign3A_268 = arith.subi %sign3A_264, %sign3A_267 : i32
      %ne3A = arith.cmpi ne, %sign3A_261, %sign3A_268 : i32
      %rem3A = arith.remsi %scan3A_253, %jit3A : i32
      %ne3A_269 = arith.constant 0 : i32
      %ne3A_270 = arith.cmpi ne, %rem3A, %ne3A_269 : i32
      %and3A = arith.andi %ne3A, %ne3A_270 : i1
      %sub3A = arith.constant 1 : i32
      %sub3A_271 = arith.subi %div3A, %sub3A : i32
      %select_n3A = arith.select %and3A, %sub3A_271, %div3A : i32
      %mul3A_272 = arith.constant 16 : i32
      %mul3A_273 = arith.muli %select_n3A, %mul3A_272 : i32
      %sub3A_274 = arith.subi %scan3A_253, %mul3A_273 : i32
      %mul3A_275 = arith.constant 256 : i32
      %mul3A_276 = arith.muli %select_n3A, %mul3A_275 : i32
      %get3A_277 = arith.index_cast %mul3A_276 : i32 to index
      %get3A_278 = tpu.vector_load %arg6[%get3A_277] {strides = array<i32>} : memref<1024xi32, #tpu.memory_space<vmem>>, vector<16xi32>,
      %get3A_279 = vector.shape_cast %get3A_278 : vector<16xi32> to vector<16xi32>
      %add3A_280 = arith.constant 256 : i32
      %add3A_281 = arith.addi %mul3A_276, %add3A_280 : i32
      %sub3A_282 = arith.constant 16 : i32
      %sub3A_283 = arith.subi %add3A_281, %sub3A_282 : i32
      %get3A_284 = arith.index_cast %sub3A_283 : i32 to index
      %get3A_285 = tpu.vector_load %arg6[%get3A_284] {strides = array<i32>} : memref<1024xi32, #tpu.memory_space<vmem>>, vector<16xi32>,
      %get3A_286 = vector.shape_cast %get3A_285 : vector<16xi32> to vector<16xi32>
      %slice3A = vector.extract_strided_slice %get3A_279 {offsets = [0], sizes = [1], strides = [1]} : vector<16xi32> to vector<1xi32>
      %squeeze3A = vector.extract %slice3A[0] : i32 from vector<1xi32>
      %slice3A_287 = vector.extract_strided_slice %get3A_286 {offsets = [15], sizes = [1], strides = [1]} : vector<16xi32> to vector<1xi32>
      %squeeze3A_288 = vector.extract %slice3A_287[0] : i32 from vector<1xi32>
      %gt3A = arith.cmpi sgt, %squeeze3A, %squeeze3A_288 : i32
      %eq3A = arith.constant 0 : i32
      %eq3A_289 = arith.cmpi eq, %sub3A_274, %eq3A : i32
      %mul3A_290 = arith.constant 16 : i32
      %mul3A_291 = arith.muli %sub3A_274, %mul3A_290 : i32
      %add3A_292 = arith.addi %mul3A_276, %mul3A_291 : i32
      %add3A_293 = arith.constant 240 : i32
      %add3A_294 = arith.addi %mul3A_276, %add3A_293 : i32
      %mul3A_295 = arith.constant 16 : i32
      %mul3A_296 = arith.muli %sub3A_274, %mul3A_295 : i32
      %sub3A_297 = arith.subi %add3A_294, %mul3A_296 : i32
      %select_n3A_298 = arith.select %gt3A, %sub3A_297, %add3A_292 : i32
      %get3A_299 = arith.index_cast %select_n3A_298 : i32 to index
      %get3A_300 = tpu.vector_load %arg6[%get3A_299] {strides = array<i32>} : memref<1024xi32, #tpu.memory_space<vmem>>, vector<16xi32>,
      %get3A_301 = vector.shape_cast %get3A_300 : vector<16xi32> to vector<16xi32>
      %slice3A_302 = vector.extract_strided_slice %get3A_301 {offsets = [0], sizes = [1], strides = [1]} : vector<16xi32> to vector<1xi32>
      %squeeze3A_303 = vector.extract %slice3A_302[0] : i32 from vector<1xi32>
      %slice3A_304 = vector.extract_strided_slice %get3A_301 {offsets = [15], sizes = [1], strides = [1]} : vector<16xi32> to vector<1xi32>
      %squeeze3A_305 = vector.extract %slice3A_304[0] : i32 from vector<1xi32>
      %min3A = arith.minsi %squeeze3A_303, %squeeze3A_305 : i32
      %slice3A_306 = vector.extract_strided_slice %get3A_301 {offsets = [0], sizes = [1], strides = [1]} : vector<16xi32> to vector<1xi32>
      %squeeze3A_307 = vector.extract %slice3A_306[0] : i32 from vector<1xi32>
      %slice3A_308 = vector.extract_strided_slice %get3A_301 {offsets = [15], sizes = [1], strides = [1]} : vector<16xi32> to vector<1xi32>
      %squeeze3A_309 = vector.extract %slice3A_308[0] : i32 from vector<1xi32>
      %max3A = arith.maxsi %squeeze3A_307, %squeeze3A_309 : i32
      %add3A_310 = arith.constant 1 : i32
      %add3A_311 = arith.addi %sub3A_274, %add3A_310 : i32
      %min3A_312 = arith.constant 15 : i32
      %min3A_313 = arith.minsi %add3A_311, %min3A_312 : i32
      %add3A_314 = arith.constant 240 : i32
      %add3A_315 = arith.addi %mul3A_276, %add3A_314 : i32
      %mul3A_316 = arith.constant 16 : i32
      %mul3A_317 = arith.muli %min3A_313, %mul3A_316 : i32
      %sub3A_318 = arith.subi %add3A_315, %mul3A_317 : i32
      %mul3A_319 = arith.constant 16 : i32
      %mul3A_320 = arith.muli %min3A_313, %mul3A_319 : i32
      %add3A_321 = arith.addi %mul3A_276, %mul3A_320 : i32
      %select_n3A_322 = arith.select %gt3A, %sub3A_318, %add3A_321 : i32
      %get3A_323 = arith.index_cast %select_n3A_322 : i32 to index
      %get3A_324 = tpu.vector_load %arg6[%get3A_323] {strides = array<i32>} : memref<1024xi32, #tpu.memory_space<vmem>>, vector<16xi32>,
      %get3A_325 = vector.shape_cast %get3A_324 : vector<16xi32> to vector<16xi32>
      %slice3A_326 = vector.extract_strided_slice %get3A_325 {offsets = [0], sizes = [1], strides = [1]} : vector<16xi32> to vector<1xi32>
      %squeeze3A_327 = vector.extract %slice3A_326[0] : i32 from vector<1xi32>
      %slice3A_328 = vector.extract_strided_slice %get3A_325 {offsets = [15], sizes = [1], strides = [1]} : vector<16xi32> to vector<1xi32>
      %squeeze3A_329 = vector.extract %slice3A_328[0] : i32 from vector<1xi32>
      %max3A_330 = arith.maxsi %squeeze3A_327, %squeeze3A_329 : i32
      %max3A_331 = arith.maxsi %max3A_330, %max3A : i32
      %shift_right_logical3A = arith.constant 3 : i32
      %shift_right_logical3A_332 = arith.shrui %min3A, %shift_right_logical3A : i32
      %shift_right_logical3A_333 = arith.constant 3 : i32
      %shift_right_logical3A_334 = arith.shrui %max3A, %shift_right_logical3A_333 : i32
      %shift_right_logical3A_335 = arith.constant 3 : i32
      %shift_right_logical3A_336 = arith.shrui %max3A_331, %shift_right_logical3A_335 : i32
      %sub3A_337 = arith.constant 1 : i32
      %sub3A_338 = arith.subi %shift_right_logical3A_332, %sub3A_337 : i32
      %select_n3A_339 = arith.select %eq3A_289, %sub3A_338, %scan3A_254 : i32
      %sub3A_340 = arith.constant 1 : i32
      %sub3A_341 = arith.subi %shift_right_logical3A_332, %sub3A_340 : i32
      %select_n3A_342 = arith.select %eq3A_289, %sub3A_341, %scan3A_255 : i32
      %gt3A_343 = arith.constant 0 : i32
      %gt3A_344 = arith.cmpi sgt, %scan3A_253, %gt3A_343 : i32
      %convert_element_type3A_345 = arith.extui %gt3A_344 : i1 to i32
      %cond3A = arith.constant 0 : i32
      %cond3A_346 = arith.cmpi ne, %convert_element_type3A_345, %cond3A : i32
      scf.if %cond3A_346 {
        %dma_wait3A_770 = arith.constant 0 : i32
        %dma_wait3A_771 = arith.constant 0 : i32
        %dma_wait3A_772 = tpu.memref_slice %arg7[%dma_wait3A_770, %dma_wait3A_771] : memref<48x2048xf32, #tpu.memory_space<vmem>> -> memref<1x2048xf32, #tpu.memory_space<vmem>>
        %dma_wait3A_773 = arith.constant 0 : i32
        %dma_wait3A_774 = tpu.memref_slice %arg4[%mul3A_2, %dma_wait3A_773] : memref<32768x2048xf32, #tpu.memory_space<hbm>> -> memref<1x2048xf32, #tpu.memory_space<hbm>>
        %dma_wait3A_775 = arith.constant 0 : i32
        %dma_wait3A_776 = tpu.memref_slice %arg4[%mul3A_2, %dma_wait3A_775] : memref<32768x2048xf32, #tpu.memory_space<hbm>> -> memref<1x2048xf32, #tpu.memory_space<hbm>>
        %dma_wait3A_777 = arith.constant 0 : i32
        %dma_wait3A_778 = arith.constant 0 : i32
        %dma_wait3A_779 = tpu.memref_slice %arg7[%dma_wait3A_777, %dma_wait3A_778] : memref<48x2048xf32, #tpu.memory_space<vmem>> -> memref<1x2048xf32, #tpu.memory_space<vmem>>
        tpu.wait_dma2 semaphore(%arg9 : memref<!tpu.dma_semaphore, #tpu.memory_space<semaphore_mem>>) src(%dma_wait3A_779 : memref<1x2048xf32, #tpu.memory_space<vmem>>) dst(%dma_wait3A_776 : memref<1x2048xf32, #tpu.memory_space<hbm>>)
        %dma_wait3A_780 = arith.constant 0 : i32
        %dma_wait3A_781 = arith.constant 0 : i32
        %dma_wait3A_782 = tpu.memref_slice %arg7[%dma_wait3A_780, %dma_wait3A_781] : memref<48x2048xf32, #tpu.memory_space<vmem>> -> memref<1x2048xf32, #tpu.memory_space<vmem>>
        %dma_wait3A_783 = arith.constant 0 : i32
        %dma_wait3A_784 = tpu.memref_slice %arg4[%mul3A_2, %dma_wait3A_783] : memref<32768x2048xf32, #tpu.memory_space<hbm>> -> memref<1x2048xf32, #tpu.memory_space<hbm>>
        %dma_wait3A_785 = arith.constant 0 : i32
        %dma_wait3A_786 = tpu.memref_slice %arg4[%mul3A_2, %dma_wait3A_785] : memref<32768x2048xf32, #tpu.memory_space<hbm>> -> memref<1x2048xf32, #tpu.memory_space<hbm>>
        %dma_wait3A_787 = arith.constant 0 : i32
        %dma_wait3A_788 = arith.constant 0 : i32
        %dma_wait3A_789 = tpu.memref_slice %arg7[%dma_wait3A_787, %dma_wait3A_788] : memref<48x2048xf32, #tpu.memory_space<vmem>> -> memref<1x2048xf32, #tpu.memory_space<vmem>>
        tpu.wait_dma2 semaphore(%arg9 : memref<!tpu.dma_semaphore, #tpu.memory_space<semaphore_mem>>) src(%dma_wait3A_789 : memref<1x2048xf32, #tpu.memory_space<vmem>>) dst(%dma_wait3A_786 : memref<1x2048xf32, #tpu.memory_space<hbm>>)
        %dma_wait3A_790 = arith.constant 0 : i32
        %dma_wait3A_791 = arith.constant 0 : i32
        %dma_wait3A_792 = tpu.memref_slice %arg7[%dma_wait3A_790, %dma_wait3A_791] : memref<48x2048xf32, #tpu.memory_space<vmem>> -> memref<1x2048xf32, #tpu.memory_space<vmem>>
        %dma_wait3A_793 = arith.constant 0 : i32
        %dma_wait3A_794 = tpu.memref_slice %arg4[%mul3A_2, %dma_wait3A_793] : memref<32768x2048xf32, #tpu.memory_space<hbm>> -> memref<1x2048xf32, #tpu.memory_space<hbm>>
        %dma_wait3A_795 = arith.constant 0 : i32
        %dma_wait3A_796 = tpu.memref_slice %arg4[%mul3A_2, %dma_wait3A_795] : memref<32768x2048xf32, #tpu.memory_space<hbm>> -> memref<1x2048xf32, #tpu.memory_space<hbm>>
        %dma_wait3A_797 = arith.constant 0 : i32
        %dma_wait3A_798 = arith.constant 0 : i32
        %dma_wait3A_799 = tpu.memref_slice %arg7[%dma_wait3A_797, %dma_wait3A_798] : memref<48x2048xf32, #tpu.memory_space<vmem>> -> memref<1x2048xf32, #tpu.memory_space<vmem>>
        tpu.wait_dma2 semaphore(%arg9 : memref<!tpu.dma_semaphore, #tpu.memory_space<semaphore_mem>>) src(%dma_wait3A_799 : memref<1x2048xf32, #tpu.memory_space<vmem>>) dst(%dma_wait3A_796 : memref<1x2048xf32, #tpu.memory_space<hbm>>)
        %dma_wait3A_800 = arith.constant 0 : i32
        %dma_wait3A_801 = arith.constant 0 : i32
        %dma_wait3A_802 = tpu.memref_slice %arg7[%dma_wait3A_800, %dma_wait3A_801] : memref<48x2048xf32, #tpu.memory_space<vmem>> -> memref<1x2048xf32, #tpu.memory_space<vmem>>
        %dma_wait3A_803 = arith.constant 0 : i32
        %dma_wait3A_804 = tpu.memref_slice %arg4[%mul3A_2, %dma_wait3A_803] : memref<32768x2048xf32, #tpu.memory_space<hbm>> -> memref<1x2048xf32, #tpu.memory_space<hbm>>
        %dma_wait3A_805 = arith.constant 0 : i32
        %dma_wait3A_806 = tpu.memref_slice %arg4[%mul3A_2, %dma_wait3A_805] : memref<32768x2048xf32, #tpu.memory_space<hbm>> -> memref<1x2048xf32, #tpu.memory_space<hbm>>
        %dma_wait3A_807 = arith.constant 0 : i32
        %dma_wait3A_808 = arith.constant 0 : i32
        %dma_wait3A_809 = tpu.memref_slice %arg7[%dma_wait3A_807, %dma_wait3A_808] : memref<48x2048xf32, #tpu.memory_space<vmem>> -> memref<1x2048xf32, #tpu.memory_space<vmem>>
        tpu.wait_dma2 semaphore(%arg9 : memref<!tpu.dma_semaphore, #tpu.memory_space<semaphore_mem>>) src(%dma_wait3A_809 : memref<1x2048xf32, #tpu.memory_space<vmem>>) dst(%dma_wait3A_806 : memref<1x2048xf32, #tpu.memory_space<hbm>>)
        %dma_wait3A_810 = arith.constant 0 : i32
        %dma_wait3A_811 = arith.constant 0 : i32
        %dma_wait3A_812 = tpu.memref_slice %arg7[%dma_wait3A_810, %dma_wait3A_811] : memref<48x2048xf32, #tpu.memory_space<vmem>> -> memref<1x2048xf32, #tpu.memory_space<vmem>>
        %dma_wait3A_813 = arith.constant 0 : i32
        %dma_wait3A_814 = tpu.memref_slice %arg4[%mul3A_2, %dma_wait3A_813] : memref<32768x2048xf32, #tpu.memory_space<hbm>> -> memref<1x2048xf32, #tpu.memory_space<hbm>>
        %dma_wait3A_815 = arith.constant 0 : i32
        %dma_wait3A_816 = tpu.memref_slice %arg4[%mul3A_2, %dma_wait3A_815] : memref<32768x2048xf32, #tpu.memory_space<hbm>> -> memref<1x2048xf32, #tpu.memory_space<hbm>>
        %dma_wait3A_817 = arith.constant 0 : i32
        %dma_wait3A_818 = arith.constant 0 : i32
        %dma_wait3A_819 = tpu.memref_slice %arg7[%dma_wait3A_817, %dma_wait3A_818] : memref<48x2048xf32, #tpu.memory_space<vmem>> -> memref<1x2048xf32, #tpu.memory_space<vmem>>
        tpu.wait_dma2 semaphore(%arg9 : memref<!tpu.dma_semaphore, #tpu.memory_space<semaphore_mem>>) src(%dma_wait3A_819 : memref<1x2048xf32, #tpu.memory_space<vmem>>) dst(%dma_wait3A_816 : memref<1x2048xf32, #tpu.memory_space<hbm>>)
        %dma_wait3A_820 = arith.constant 0 : i32
        %dma_wait3A_821 = arith.constant 0 : i32
        %dma_wait3A_822 = tpu.memref_slice %arg7[%dma_wait3A_820, %dma_wait3A_821] : memref<48x2048xf32, #tpu.memory_space<vmem>> -> memref<1x2048xf32, #tpu.memory_space<vmem>>
        %dma_wait3A_823 = arith.constant 0 : i32
        %dma_wait3A_824 = tpu.memref_slice %arg4[%mul3A_2, %dma_wait3A_823] : memref<32768x2048xf32, #tpu.memory_space<hbm>> -> memref<1x2048xf32, #tpu.memory_space<hbm>>
        %dma_wait3A_825 = arith.constant 0 : i32
        %dma_wait3A_826 = tpu.memref_slice %arg4[%mul3A_2, %dma_wait3A_825] : memref<32768x2048xf32, #tpu.memory_space<hbm>> -> memref<1x2048xf32, #tpu.memory_space<hbm>>
        %dma_wait3A_827 = arith.constant 0 : i32
        %dma_wait3A_828 = arith.constant 0 : i32
        %dma_wait3A_829 = tpu.memref_slice %arg7[%dma_wait3A_827, %dma_wait3A_828] : memref<48x2048xf32, #tpu.memory_space<vmem>> -> memref<1x2048xf32, #tpu.memory_space<vmem>>
        tpu.wait_dma2 semaphore(%arg9 : memref<!tpu.dma_semaphore, #tpu.memory_space<semaphore_mem>>) src(%dma_wait3A_829 : memref<1x2048xf32, #tpu.memory_space<vmem>>) dst(%dma_wait3A_826 : memref<1x2048xf32, #tpu.memory_space<hbm>>)
        %dma_wait3A_830 = arith.constant 0 : i32
        %dma_wait3A_831 = arith.constant 0 : i32
        %dma_wait3A_832 = tpu.memref_slice %arg7[%dma_wait3A_830, %dma_wait3A_831] : memref<48x2048xf32, #tpu.memory_space<vmem>> -> memref<1x2048xf32, #tpu.memory_space<vmem>>
        %dma_wait3A_833 = arith.constant 0 : i32
        %dma_wait3A_834 = tpu.memref_slice %arg4[%mul3A_2, %dma_wait3A_833] : memref<32768x2048xf32, #tpu.memory_space<hbm>> -> memref<1x2048xf32, #tpu.memory_space<hbm>>
        %dma_wait3A_835 = arith.constant 0 : i32
        %dma_wait3A_836 = tpu.memref_slice %arg4[%mul3A_2, %dma_wait3A_835] : memref<32768x2048xf32, #tpu.memory_space<hbm>> -> memref<1x2048xf32, #tpu.memory_space<hbm>>
        %dma_wait3A_837 = arith.constant 0 : i32
        %dma_wait3A_838 = arith.constant 0 : i32
        %dma_wait3A_839 = tpu.memref_slice %arg7[%dma_wait3A_837, %dma_wait3A_838] : memref<48x2048xf32, #tpu.memory_space<vmem>> -> memref<1x2048xf32, #tpu.memory_space<vmem>>
        tpu.wait_dma2 semaphore(%arg9 : memref<!tpu.dma_semaphore, #tpu.memory_space<semaphore_mem>>) src(%dma_wait3A_839 : memref<1x2048xf32, #tpu.memory_space<vmem>>) dst(%dma_wait3A_836 : memref<1x2048xf32, #tpu.memory_space<hbm>>)
        %dma_wait3A_840 = arith.constant 0 : i32
        %dma_wait3A_841 = arith.constant 0 : i32
        %dma_wait3A_842 = tpu.memref_slice %arg7[%dma_wait3A_840, %dma_wait3A_841] : memref<48x2048xf32, #tpu.memory_space<vmem>> -> memref<1x2048xf32, #tpu.memory_space<vmem>>
        %dma_wait3A_843 = arith.constant 0 : i32
        %dma_wait3A_844 = tpu.memref_slice %arg4[%mul3A_2, %dma_wait3A_843] : memref<32768x2048xf32, #tpu.memory_space<hbm>> -> memref<1x2048xf32, #tpu.memory_space<hbm>>
        %dma_wait3A_845 = arith.constant 0 : i32
        %dma_wait3A_846 = tpu.memref_slice %arg4[%mul3A_2, %dma_wait3A_845] : memref<32768x2048xf32, #tpu.memory_space<hbm>> -> memref<1x2048xf32, #tpu.memory_space<hbm>>
        %dma_wait3A_847 = arith.constant 0 : i32
        %dma_wait3A_848 = arith.constant 0 : i32
        %dma_wait3A_849 = tpu.memref_slice %arg7[%dma_wait3A_847, %dma_wait3A_848] : memref<48x2048xf32, #tpu.memory_space<vmem>> -> memref<1x2048xf32, #tpu.memory_space<vmem>>
        tpu.wait_dma2 semaphore(%arg9 : memref<!tpu.dma_semaphore, #tpu.memory_space<semaphore_mem>>) src(%dma_wait3A_849 : memref<1x2048xf32, #tpu.memory_space<vmem>>) dst(%dma_wait3A_846 : memref<1x2048xf32, #tpu.memory_space<hbm>>)
        %dma_wait3A_850 = arith.constant 0 : i32
        %dma_wait3A_851 = arith.constant 0 : i32
        %dma_wait3A_852 = tpu.memref_slice %arg7[%dma_wait3A_850, %dma_wait3A_851] : memref<48x2048xf32, #tpu.memory_space<vmem>> -> memref<1x2048xf32, #tpu.memory_space<vmem>>
        %dma_wait3A_853 = arith.constant 0 : i32
        %dma_wait3A_854 = tpu.memref_slice %arg4[%mul3A_2, %dma_wait3A_853] : memref<32768x2048xf32, #tpu.memory_space<hbm>> -> memref<1x2048xf32, #tpu.memory_space<hbm>>
        %dma_wait3A_855 = arith.constant 0 : i32
        %dma_wait3A_856 = tpu.memref_slice %arg4[%mul3A_2, %dma_wait3A_855] : memref<32768x2048xf32, #tpu.memory_space<hbm>> -> memref<1x2048xf32, #tpu.memory_space<hbm>>
        %dma_wait3A_857 = arith.constant 0 : i32
        %dma_wait3A_858 = arith.constant 0 : i32
        %dma_wait3A_859 = tpu.memref_slice %arg7[%dma_wait3A_857, %dma_wait3A_858] : memref<48x2048xf32, #tpu.memory_space<vmem>> -> memref<1x2048xf32, #tpu.memory_space<vmem>>
        tpu.wait_dma2 semaphore(%arg9 : memref<!tpu.dma_semaphore, #tpu.memory_space<semaphore_mem>>) src(%dma_wait3A_859 : memref<1x2048xf32, #tpu.memory_space<vmem>>) dst(%dma_wait3A_856 : memref<1x2048xf32, #tpu.memory_space<hbm>>)
        %dma_wait3A_860 = arith.constant 0 : i32
        %dma_wait3A_861 = arith.constant 0 : i32
        %dma_wait3A_862 = tpu.memref_slice %arg7[%dma_wait3A_860, %dma_wait3A_861] : memref<48x2048xf32, #tpu.memory_space<vmem>> -> memref<1x2048xf32, #tpu.memory_space<vmem>>
        %dma_wait3A_863 = arith.constant 0 : i32
        %dma_wait3A_864 = tpu.memref_slice %arg4[%mul3A_2, %dma_wait3A_863] : memref<32768x2048xf32, #tpu.memory_space<hbm>> -> memref<1x2048xf32, #tpu.memory_space<hbm>>
        %dma_wait3A_865 = arith.constant 0 : i32
        %dma_wait3A_866 = tpu.memref_slice %arg4[%mul3A_2, %dma_wait3A_865] : memref<32768x2048xf32, #tpu.memory_space<hbm>> -> memref<1x2048xf32, #tpu.memory_space<hbm>>
        %dma_wait3A_867 = arith.constant 0 : i32
        %dma_wait3A_868 = arith.constant 0 : i32
        %dma_wait3A_869 = tpu.memref_slice %arg7[%dma_wait3A_867, %dma_wait3A_868] : memref<48x2048xf32, #tpu.memory_space<vmem>> -> memref<1x2048xf32, #tpu.memory_space<vmem>>
        tpu.wait_dma2 semaphore(%arg9 : memref<!tpu.dma_semaphore, #tpu.memory_space<semaphore_mem>>) src(%dma_wait3A_869 : memref<1x2048xf32, #tpu.memory_space<vmem>>) dst(%dma_wait3A_866 : memref<1x2048xf32, #tpu.memory_space<hbm>>)
        %dma_wait3A_870 = arith.constant 0 : i32
        %dma_wait3A_871 = arith.constant 0 : i32
        %dma_wait3A_872 = tpu.memref_slice %arg7[%dma_wait3A_870, %dma_wait3A_871] : memref<48x2048xf32, #tpu.memory_space<vmem>> -> memref<1x2048xf32, #tpu.memory_space<vmem>>
        %dma_wait3A_873 = arith.constant 0 : i32
        %dma_wait3A_874 = tpu.memref_slice %arg4[%mul3A_2, %dma_wait3A_873] : memref<32768x2048xf32, #tpu.memory_space<hbm>> -> memref<1x2048xf32, #tpu.memory_space<hbm>>
        %dma_wait3A_875 = arith.constant 0 : i32
        %dma_wait3A_876 = tpu.memref_slice %arg4[%mul3A_2, %dma_wait3A_875] : memref<32768x2048xf32, #tpu.memory_space<hbm>> -> memref<1x2048xf32, #tpu.memory_space<hbm>>
        %dma_wait3A_877 = arith.constant 0 : i32
        %dma_wait3A_878 = arith.constant 0 : i32
        %dma_wait3A_879 = tpu.memref_slice %arg7[%dma_wait3A_877, %dma_wait3A_878] : memref<48x2048xf32, #tpu.memory_space<vmem>> -> memref<1x2048xf32, #tpu.memory_space<vmem>>
        tpu.wait_dma2 semaphore(%arg9 : memref<!tpu.dma_semaphore, #tpu.memory_space<semaphore_mem>>) src(%dma_wait3A_879 : memref<1x2048xf32, #tpu.memory_space<vmem>>) dst(%dma_wait3A_876 : memref<1x2048xf32, #tpu.memory_space<hbm>>)
        %dma_wait3A_880 = arith.constant 0 : i32
        %dma_wait3A_881 = arith.constant 0 : i32
        %dma_wait3A_882 = tpu.memref_slice %arg7[%dma_wait3A_880, %dma_wait3A_881] : memref<48x2048xf32, #tpu.memory_space<vmem>> -> memref<1x2048xf32, #tpu.memory_space<vmem>>
        %dma_wait3A_883 = arith.constant 0 : i32
        %dma_wait3A_884 = tpu.memref_slice %arg4[%mul3A_2, %dma_wait3A_883] : memref<32768x2048xf32, #tpu.memory_space<hbm>> -> memref<1x2048xf32, #tpu.memory_space<hbm>>
        %dma_wait3A_885 = arith.constant 0 : i32
        %dma_wait3A_886 = tpu.memref_slice %arg4[%mul3A_2, %dma_wait3A_885] : memref<32768x2048xf32, #tpu.memory_space<hbm>> -> memref<1x2048xf32, #tpu.memory_space<hbm>>
        %dma_wait3A_887 = arith.constant 0 : i32
        %dma_wait3A_888 = arith.constant 0 : i32
        %dma_wait3A_889 = tpu.memref_slice %arg7[%dma_wait3A_887, %dma_wait3A_888] : memref<48x2048xf32, #tpu.memory_space<vmem>> -> memref<1x2048xf32, #tpu.memory_space<vmem>>
        tpu.wait_dma2 semaphore(%arg9 : memref<!tpu.dma_semaphore, #tpu.memory_space<semaphore_mem>>) src(%dma_wait3A_889 : memref<1x2048xf32, #tpu.memory_space<vmem>>) dst(%dma_wait3A_886 : memref<1x2048xf32, #tpu.memory_space<hbm>>)
        %dma_wait3A_890 = arith.constant 0 : i32
        %dma_wait3A_891 = arith.constant 0 : i32
        %dma_wait3A_892 = tpu.memref_slice %arg7[%dma_wait3A_890, %dma_wait3A_891] : memref<48x2048xf32, #tpu.memory_space<vmem>> -> memref<1x2048xf32, #tpu.memory_space<vmem>>
        %dma_wait3A_893 = arith.constant 0 : i32
        %dma_wait3A_894 = tpu.memref_slice %arg4[%mul3A_2, %dma_wait3A_893] : memref<32768x2048xf32, #tpu.memory_space<hbm>> -> memref<1x2048xf32, #tpu.memory_space<hbm>>
        %dma_wait3A_895 = arith.constant 0 : i32
        %dma_wait3A_896 = tpu.memref_slice %arg4[%mul3A_2, %dma_wait3A_895] : memref<32768x2048xf32, #tpu.memory_space<hbm>> -> memref<1x2048xf32, #tpu.memory_space<hbm>>
        %dma_wait3A_897 = arith.constant 0 : i32
        %dma_wait3A_898 = arith.constant 0 : i32
        %dma_wait3A_899 = tpu.memref_slice %arg7[%dma_wait3A_897, %dma_wait3A_898] : memref<48x2048xf32, #tpu.memory_space<vmem>> -> memref<1x2048xf32, #tpu.memory_space<vmem>>
        tpu.wait_dma2 semaphore(%arg9 : memref<!tpu.dma_semaphore, #tpu.memory_space<semaphore_mem>>) src(%dma_wait3A_899 : memref<1x2048xf32, #tpu.memory_space<vmem>>) dst(%dma_wait3A_896 : memref<1x2048xf32, #tpu.memory_space<hbm>>)
        %dma_wait3A_900 = arith.constant 0 : i32
        %dma_wait3A_901 = arith.constant 0 : i32
        %dma_wait3A_902 = tpu.memref_slice %arg7[%dma_wait3A_900, %dma_wait3A_901] : memref<48x2048xf32, #tpu.memory_space<vmem>> -> memref<1x2048xf32, #tpu.memory_space<vmem>>
        %dma_wait3A_903 = arith.constant 0 : i32
        %dma_wait3A_904 = tpu.memref_slice %arg4[%mul3A_2, %dma_wait3A_903] : memref<32768x2048xf32, #tpu.memory_space<hbm>> -> memref<1x2048xf32, #tpu.memory_space<hbm>>
        %dma_wait3A_905 = arith.constant 0 : i32
        %dma_wait3A_906 = tpu.memref_slice %arg4[%mul3A_2, %dma_wait3A_905] : memref<32768x2048xf32, #tpu.memory_space<hbm>> -> memref<1x2048xf32, #tpu.memory_space<hbm>>
        %dma_wait3A_907 = arith.constant 0 : i32
        %dma_wait3A_908 = arith.constant 0 : i32
        %dma_wait3A_909 = tpu.memref_slice %arg7[%dma_wait3A_907, %dma_wait3A_908] : memref<48x2048xf32, #tpu.memory_space<vmem>> -> memref<1x2048xf32, #tpu.memory_space<vmem>>
        tpu.wait_dma2 semaphore(%arg9 : memref<!tpu.dma_semaphore, #tpu.memory_space<semaphore_mem>>) src(%dma_wait3A_909 : memref<1x2048xf32, #tpu.memory_space<vmem>>) dst(%dma_wait3A_906 : memref<1x2048xf32, #tpu.memory_space<hbm>>)
        %dma_wait3A_910 = arith.constant 0 : i32
        %dma_wait3A_911 = arith.constant 0 : i32
        %dma_wait3A_912 = tpu.memref_slice %arg7[%dma_wait3A_910, %dma_wait3A_911] : memref<48x2048xf32, #tpu.memory_space<vmem>> -> memref<1x2048xf32, #tpu.memory_space<vmem>>
        %dma_wait3A_913 = arith.constant 0 : i32
        %dma_wait3A_914 = tpu.memref_slice %arg4[%mul3A_2, %dma_wait3A_913] : memref<32768x2048xf32, #tpu.memory_space<hbm>> -> memref<1x2048xf32, #tpu.memory_space<hbm>>
        %dma_wait3A_915 = arith.constant 0 : i32
        %dma_wait3A_916 = tpu.memref_slice %arg4[%mul3A_2, %dma_wait3A_915] : memref<32768x2048xf32, #tpu.memory_space<hbm>> -> memref<1x2048xf32, #tpu.memory_space<hbm>>
        %dma_wait3A_917 = arith.constant 0 : i32
        %dma_wait3A_918 = arith.constant 0 : i32
        %dma_wait3A_919 = tpu.memref_slice %arg7[%dma_wait3A_917, %dma_wait3A_918] : memref<48x2048xf32, #tpu.memory_space<vmem>> -> memref<1x2048xf32, #tpu.memory_space<vmem>>
        tpu.wait_dma2 semaphore(%arg9 : memref<!tpu.dma_semaphore, #tpu.memory_space<semaphore_mem>>) src(%dma_wait3A_919 : memref<1x2048xf32, #tpu.memory_space<vmem>>) dst(%dma_wait3A_916 : memref<1x2048xf32, #tpu.memory_space<hbm>>)
        %dma_wait3A_920 = arith.constant 0 : i32
        %dma_wait3A_921 = arith.constant 0 : i32
        %dma_wait3A_922 = tpu.memref_slice %arg7[%dma_wait3A_920, %dma_wait3A_921] : memref<48x2048xf32, #tpu.memory_space<vmem>> -> memref<1x2048xf32, #tpu.memory_space<vmem>>
        %dma_wait3A_923 = arith.constant 0 : i32
        %dma_wait3A_924 = tpu.memref_slice %arg4[%mul3A_2, %dma_wait3A_923] : memref<32768x2048xf32, #tpu.memory_space<hbm>> -> memref<1x2048xf32, #tpu.memory_space<hbm>>
        %dma_wait3A_925 = arith.constant 0 : i32
        %dma_wait3A_926 = tpu.memref_slice %arg4[%mul3A_2, %dma_wait3A_925] : memref<32768x2048xf32, #tpu.memory_space<hbm>> -> memref<1x2048xf32, #tpu.memory_space<hbm>>
        %dma_wait3A_927 = arith.constant 0 : i32
        %dma_wait3A_928 = arith.constant 0 : i32
        %dma_wait3A_929 = tpu.memref_slice %arg7[%dma_wait3A_927, %dma_wait3A_928] : memref<48x2048xf32, #tpu.memory_space<vmem>> -> memref<1x2048xf32, #tpu.memory_space<vmem>>
        tpu.wait_dma2 semaphore(%arg9 : memref<!tpu.dma_semaphore, #tpu.memory_space<semaphore_mem>>) src(%dma_wait3A_929 : memref<1x2048xf32, #tpu.memory_space<vmem>>) dst(%dma_wait3A_926 : memref<1x2048xf32, #tpu.memory_space<hbm>>)
      } else {
      }
      %lt3A = arith.cmpi slt, %select_n3A_339, %shift_right_logical3A_336 : i32
      %convert_element_type3A_347 = arith.extui %lt3A : i1 to i32
      %cond3A_348 = arith.constant 0 : i32
      %cond3A_349 = arith.cmpi ne, %convert_element_type3A_347, %cond3A_348 : i32
      scf.if %cond3A_349 {
        %add3A_770 = arith.constant 1 : i32
        %add3A_771 = arith.addi %select_n3A_339, %add3A_770 : i32
        %mul3A_772 = arith.constant 8 : i32
        %mul3A_773 = arith.muli %add3A_771, %mul3A_772 : i32
        %multiple_of3A_774 = tpu.assume_multiple %mul3A_773, 8 : i32
        %rem3A_775 = arith.constant 6 : i32
        %rem3A_776 = arith.remsi %add3A_771, %rem3A_775 : i32
        %mul3A_777 = arith.constant 8 : i32
        %mul3A_778 = arith.muli %rem3A_776, %mul3A_777 : i32
        %multiple_of3A_779 = tpu.assume_multiple %mul3A_778, 8 : i32
        %dma_start3A_780 = arith.constant 0 : i32
        %dma_start3A_781 = tpu.memref_slice %arg7[%multiple_of3A_779, %dma_start3A_780] : memref<48x2048xf32, #tpu.memory_space<vmem>> -> memref<8x2048xf32, #tpu.memory_space<vmem>>
        %dma_start3A_782 = arith.constant 0 : i32
        %dma_start3A_783 = tpu.memref_slice %arg3[%multiple_of3A_774, %dma_start3A_782] : memref<10000x2048xf32, #tpu.memory_space<hbm>> -> memref<8x2048xf32, #tpu.memory_space<hbm>>
        %dma_start3A_784 = arith.constant 0 : i32
        %dma_start3A_785 = tpu.memref_slice %arg7[%multiple_of3A_779, %dma_start3A_784] : memref<48x2048xf32, #tpu.memory_space<vmem>> -> memref<8x2048xf32, #tpu.memory_space<vmem>>
        %dma_start3A_786 = arith.constant 0 : i32
        %dma_start3A_787 = tpu.memref_slice %arg3[%multiple_of3A_774, %dma_start3A_786] : memref<10000x2048xf32, #tpu.memory_space<hbm>> -> memref<8x2048xf32, #tpu.memory_space<hbm>>
        tpu.enqueue_dma source(%dma_start3A_787 : memref<8x2048xf32, #tpu.memory_space<hbm>>) target(%dma_start3A_785 : memref<8x2048xf32, #tpu.memory_space<vmem>>) target_semaphore(%arg8 : memref<!tpu.dma_semaphore, #tpu.memory_space<semaphore_mem>>)
      } else {
      }
      %add3A_350 = arith.constant 1 : i32
      %add3A_351 = arith.addi %select_n3A_339, %add3A_350 : i32
      %select_n3A_352 = arith.select %lt3A, %add3A_351, %select_n3A_339 : i32
      %lt3A_353 = arith.cmpi slt, %select_n3A_352, %shift_right_logical3A_336 : i32
      %convert_element_type3A_354 = arith.extui %lt3A_353 : i1 to i32
      %cond3A_355 = arith.constant 0 : i32
      %cond3A_356 = arith.cmpi ne, %convert_element_type3A_354, %cond3A_355 : i32
      scf.if %cond3A_356 {
        %add3A_770 = arith.constant 1 : i32
        %add3A_771 = arith.addi %select_n3A_352, %add3A_770 : i32
        %mul3A_772 = arith.constant 8 : i32
        %mul3A_773 = arith.muli %add3A_771, %mul3A_772 : i32
        %multiple_of3A_774 = tpu.assume_multiple %mul3A_773, 8 : i32
        %rem3A_775 = arith.constant 6 : i32
        %rem3A_776 = arith.remsi %add3A_771, %rem3A_775 : i32
        %mul3A_777 = arith.constant 8 : i32
        %mul3A_778 = arith.muli %rem3A_776, %mul3A_777 : i32
        %multiple_of3A_779 = tpu.assume_multiple %mul3A_778, 8 : i32
        %dma_start3A_780 = arith.constant 0 : i32
        %dma_start3A_781 = tpu.memref_slice %arg7[%multiple_of3A_779, %dma_start3A_780] : memref<48x2048xf32, #tpu.memory_space<vmem>> -> memref<8x2048xf32, #tpu.memory_space<vmem>>
        %dma_start3A_782 = arith.constant 0 : i32
        %dma_start3A_783 = tpu.memref_slice %arg3[%multiple_of3A_774, %dma_start3A_782] : memref<10000x2048xf32, #tpu.memory_space<hbm>> -> memref<8x2048xf32, #tpu.memory_space<hbm>>
        %dma_start3A_784 = arith.constant 0 : i32
        %dma_start3A_785 = tpu.memref_slice %arg7[%multiple_of3A_779, %dma_start3A_784] : memref<48x2048xf32, #tpu.memory_space<vmem>> -> memref<8x2048xf32, #tpu.memory_space<vmem>>
        %dma_start3A_786 = arith.constant 0 : i32
        %dma_start3A_787 = tpu.memref_slice %arg3[%multiple_of3A_774, %dma_start3A_786] : memref<10000x2048xf32, #tpu.memory_space<hbm>> -> memref<8x2048xf32, #tpu.memory_space<hbm>>
        tpu.enqueue_dma source(%dma_start3A_787 : memref<8x2048xf32, #tpu.memory_space<hbm>>) target(%dma_start3A_785 : memref<8x2048xf32, #tpu.memory_space<vmem>>) target_semaphore(%arg8 : memref<!tpu.dma_semaphore, #tpu.memory_space<semaphore_mem>>)
      } else {
      }
      %add3A_357 = arith.constant 1 : i32
      %add3A_358 = arith.addi %select_n3A_352, %add3A_357 : i32
      %select_n3A_359 = arith.select %lt3A_353, %add3A_358, %select_n3A_352 : i32
      %lt3A_360 = arith.cmpi slt, %select_n3A_359, %shift_right_logical3A_336 : i32
      %convert_element_type3A_361 = arith.extui %lt3A_360 : i1 to i32
      %cond3A_362 = arith.constant 0 : i32
      %cond3A_363 = arith.cmpi ne, %convert_element_type3A_361, %cond3A_362 : i32
      scf.if %cond3A_363 {
        %add3A_770 = arith.constant 1 : i32
        %add3A_771 = arith.addi %select_n3A_359, %add3A_770 : i32
        %mul3A_772 = arith.constant 8 : i32
        %mul3A_773 = arith.muli %add3A_771, %mul3A_772 : i32
        %multiple_of3A_774 = tpu.assume_multiple %mul3A_773, 8 : i32
        %rem3A_775 = arith.constant 6 : i32
        %rem3A_776 = arith.remsi %add3A_771, %rem3A_775 : i32
        %mul3A_777 = arith.constant 8 : i32
        %mul3A_778 = arith.muli %rem3A_776, %mul3A_777 : i32
        %multiple_of3A_779 = tpu.assume_multiple %mul3A_778, 8 : i32
        %dma_start3A_780 = arith.constant 0 : i32
        %dma_start3A_781 = tpu.memref_slice %arg7[%multiple_of3A_779, %dma_start3A_780] : memref<48x2048xf32, #tpu.memory_space<vmem>> -> memref<8x2048xf32, #tpu.memory_space<vmem>>
        %dma_start3A_782 = arith.constant 0 : i32
        %dma_start3A_783 = tpu.memref_slice %arg3[%multiple_of3A_774, %dma_start3A_782] : memref<10000x2048xf32, #tpu.memory_space<hbm>> -> memref<8x2048xf32, #tpu.memory_space<hbm>>
        %dma_start3A_784 = arith.constant 0 : i32
        %dma_start3A_785 = tpu.memref_slice %arg7[%multiple_of3A_779, %dma_start3A_784] : memref<48x2048xf32, #tpu.memory_space<vmem>> -> memref<8x2048xf32, #tpu.memory_space<vmem>>
        %dma_start3A_786 = arith.constant 0 : i32
        %dma_start3A_787 = tpu.memref_slice %arg3[%multiple_of3A_774, %dma_start3A_786] : memref<10000x2048xf32, #tpu.memory_space<hbm>> -> memref<8x2048xf32, #tpu.memory_space<hbm>>
        tpu.enqueue_dma source(%dma_start3A_787 : memref<8x2048xf32, #tpu.memory_space<hbm>>) target(%dma_start3A_785 : memref<8x2048xf32, #tpu.memory_space<vmem>>) target_semaphore(%arg8 : memref<!tpu.dma_semaphore, #tpu.memory_space<semaphore_mem>>)
      } else {
      }
      %add3A_364 = arith.constant 1 : i32
      %add3A_365 = arith.addi %select_n3A_359, %add3A_364 : i32
      %select_n3A_366 = arith.select %lt3A_360, %add3A_365, %select_n3A_359 : i32
      %lt3A_367 = arith.cmpi slt, %select_n3A_366, %shift_right_logical3A_336 : i32
      %convert_element_type3A_368 = arith.extui %lt3A_367 : i1 to i32
      %cond3A_369 = arith.constant 0 : i32
      %cond3A_370 = arith.cmpi ne, %convert_element_type3A_368, %cond3A_369 : i32
      scf.if %cond3A_370 {
        %add3A_770 = arith.constant 1 : i32
        %add3A_771 = arith.addi %select_n3A_366, %add3A_770 : i32
        %mul3A_772 = arith.constant 8 : i32
        %mul3A_773 = arith.muli %add3A_771, %mul3A_772 : i32
        %multiple_of3A_774 = tpu.assume_multiple %mul3A_773, 8 : i32
        %rem3A_775 = arith.constant 6 : i32
        %rem3A_776 = arith.remsi %add3A_771, %rem3A_775 : i32
        %mul3A_777 = arith.constant 8 : i32
        %mul3A_778 = arith.muli %rem3A_776, %mul3A_777 : i32
        %multiple_of3A_779 = tpu.assume_multiple %mul3A_778, 8 : i32
        %dma_start3A_780 = arith.constant 0 : i32
        %dma_start3A_781 = tpu.memref_slice %arg7[%multiple_of3A_779, %dma_start3A_780] : memref<48x2048xf32, #tpu.memory_space<vmem>> -> memref<8x2048xf32, #tpu.memory_space<vmem>>
        %dma_start3A_782 = arith.constant 0 : i32
        %dma_start3A_783 = tpu.memref_slice %arg3[%multiple_of3A_774, %dma_start3A_782] : memref<10000x2048xf32, #tpu.memory_space<hbm>> -> memref<8x2048xf32, #tpu.memory_space<hbm>>
        %dma_start3A_784 = arith.constant 0 : i32
        %dma_start3A_785 = tpu.memref_slice %arg7[%multiple_of3A_779, %dma_start3A_784] : memref<48x2048xf32, #tpu.memory_space<vmem>> -> memref<8x2048xf32, #tpu.memory_space<vmem>>
        %dma_start3A_786 = arith.constant 0 : i32
        %dma_start3A_787 = tpu.memref_slice %arg3[%multiple_of3A_774, %dma_start3A_786] : memref<10000x2048xf32, #tpu.memory_space<hbm>> -> memref<8x2048xf32, #tpu.memory_space<hbm>>
        tpu.enqueue_dma source(%dma_start3A_787 : memref<8x2048xf32, #tpu.memory_space<hbm>>) target(%dma_start3A_785 : memref<8x2048xf32, #tpu.memory_space<vmem>>) target_semaphore(%arg8 : memref<!tpu.dma_semaphore, #tpu.memory_space<semaphore_mem>>)
      } else {
      }
      %add3A_371 = arith.constant 1 : i32
      %add3A_372 = arith.addi %select_n3A_366, %add3A_371 : i32
      %select_n3A_373 = arith.select %lt3A_367, %add3A_372, %select_n3A_366 : i32
      %lt3A_374 = arith.cmpi slt, %select_n3A_373, %shift_right_logical3A_336 : i32
      %convert_element_type3A_375 = arith.extui %lt3A_374 : i1 to i32
      %cond3A_376 = arith.constant 0 : i32
      %cond3A_377 = arith.cmpi ne, %convert_element_type3A_375, %cond3A_376 : i32
      scf.if %cond3A_377 {
        %add3A_770 = arith.constant 1 : i32
        %add3A_771 = arith.addi %select_n3A_373, %add3A_770 : i32
        %mul3A_772 = arith.constant 8 : i32
        %mul3A_773 = arith.muli %add3A_771, %mul3A_772 : i32
        %multiple_of3A_774 = tpu.assume_multiple %mul3A_773, 8 : i32
        %rem3A_775 = arith.constant 6 : i32
        %rem3A_776 = arith.remsi %add3A_771, %rem3A_775 : i32
        %mul3A_777 = arith.constant 8 : i32
        %mul3A_778 = arith.muli %rem3A_776, %mul3A_777 : i32
        %multiple_of3A_779 = tpu.assume_multiple %mul3A_778, 8 : i32
        %dma_start3A_780 = arith.constant 0 : i32
        %dma_start3A_781 = tpu.memref_slice %arg7[%multiple_of3A_779, %dma_start3A_780] : memref<48x2048xf32, #tpu.memory_space<vmem>> -> memref<8x2048xf32, #tpu.memory_space<vmem>>
        %dma_start3A_782 = arith.constant 0 : i32
        %dma_start3A_783 = tpu.memref_slice %arg3[%multiple_of3A_774, %dma_start3A_782] : memref<10000x2048xf32, #tpu.memory_space<hbm>> -> memref<8x2048xf32, #tpu.memory_space<hbm>>
        %dma_start3A_784 = arith.constant 0 : i32
        %dma_start3A_785 = tpu.memref_slice %arg7[%multiple_of3A_779, %dma_start3A_784] : memref<48x2048xf32, #tpu.memory_space<vmem>> -> memref<8x2048xf32, #tpu.memory_space<vmem>>
        %dma_start3A_786 = arith.constant 0 : i32
        %dma_start3A_787 = tpu.memref_slice %arg3[%multiple_of3A_774, %dma_start3A_786] : memref<10000x2048xf32, #tpu.memory_space<hbm>> -> memref<8x2048xf32, #tpu.memory_space<hbm>>
        tpu.enqueue_dma source(%dma_start3A_787 : memref<8x2048xf32, #tpu.memory_space<hbm>>) target(%dma_start3A_785 : memref<8x2048xf32, #tpu.memory_space<vmem>>) target_semaphore(%arg8 : memref<!tpu.dma_semaphore, #tpu.memory_space<semaphore_mem>>)
      } else {
      }
      %add3A_378 = arith.constant 1 : i32
      %add3A_379 = arith.addi %select_n3A_373, %add3A_378 : i32
      %select_n3A_380 = arith.select %lt3A_374, %add3A_379, %select_n3A_373 : i32
      %lt3A_381 = arith.cmpi slt, %select_n3A_380, %shift_right_logical3A_336 : i32
      %convert_element_type3A_382 = arith.extui %lt3A_381 : i1 to i32
      %cond3A_383 = arith.constant 0 : i32
      %cond3A_384 = arith.cmpi ne, %convert_element_type3A_382, %cond3A_383 : i32
      scf.if %cond3A_384 {
        %add3A_770 = arith.constant 1 : i32
        %add3A_771 = arith.addi %select_n3A_380, %add3A_770 : i32
        %mul3A_772 = arith.constant 8 : i32
        %mul3A_773 = arith.muli %add3A_771, %mul3A_772 : i32
        %multiple_of3A_774 = tpu.assume_multiple %mul3A_773, 8 : i32
        %rem3A_775 = arith.constant 6 : i32
        %rem3A_776 = arith.remsi %add3A_771, %rem3A_775 : i32
        %mul3A_777 = arith.constant 8 : i32
        %mul3A_778 = arith.muli %rem3A_776, %mul3A_777 : i32
        %multiple_of3A_779 = tpu.assume_multiple %mul3A_778, 8 : i32
        %dma_start3A_780 = arith.constant 0 : i32
        %dma_start3A_781 = tpu.memref_slice %arg7[%multiple_of3A_779, %dma_start3A_780] : memref<48x2048xf32, #tpu.memory_space<vmem>> -> memref<8x2048xf32, #tpu.memory_space<vmem>>
        %dma_start3A_782 = arith.constant 0 : i32
        %dma_start3A_783 = tpu.memref_slice %arg3[%multiple_of3A_774, %dma_start3A_782] : memref<10000x2048xf32, #tpu.memory_space<hbm>> -> memref<8x2048xf32, #tpu.memory_space<hbm>>
        %dma_start3A_784 = arith.constant 0 : i32
        %dma_start3A_785 = tpu.memref_slice %arg7[%multiple_of3A_779, %dma_start3A_784] : memref<48x2048xf32, #tpu.memory_space<vmem>> -> memref<8x2048xf32, #tpu.memory_space<vmem>>
        %dma_start3A_786 = arith.constant 0 : i32
        %dma_start3A_787 = tpu.memref_slice %arg3[%multiple_of3A_774, %dma_start3A_786] : memref<10000x2048xf32, #tpu.memory_space<hbm>> -> memref<8x2048xf32, #tpu.memory_space<hbm>>
        tpu.enqueue_dma source(%dma_start3A_787 : memref<8x2048xf32, #tpu.memory_space<hbm>>) target(%dma_start3A_785 : memref<8x2048xf32, #tpu.memory_space<vmem>>) target_semaphore(%arg8 : memref<!tpu.dma_semaphore, #tpu.memory_space<semaphore_mem>>)
      } else {
      }
      %add3A_385 = arith.constant 1 : i32
      %add3A_386 = arith.addi %select_n3A_380, %add3A_385 : i32
      %select_n3A_387 = arith.select %lt3A_381, %add3A_386, %select_n3A_380 : i32
      %lt3A_388 = arith.cmpi slt, %select_n3A_342, %shift_right_logical3A_334 : i32
      %convert_element_type3A_389 = arith.extui %lt3A_388 : i1 to i32
      %cond3A_390 = arith.constant 0 : i32
      %cond3A_391 = arith.cmpi ne, %convert_element_type3A_389, %cond3A_390 : i32
      scf.if %cond3A_391 {
        %dma_wait3A_770 = arith.constant 0 : i32
        %dma_wait3A_771 = arith.constant 0 : i32
        %dma_wait3A_772 = tpu.memref_slice %arg7[%dma_wait3A_770, %dma_wait3A_771] : memref<48x2048xf32, #tpu.memory_space<vmem>> -> memref<8x2048xf32, #tpu.memory_space<vmem>>
        %dma_wait3A_773 = arith.constant 0 : i32
        %dma_wait3A_774 = arith.constant 0 : i32
        %dma_wait3A_775 = tpu.memref_slice %arg3[%dma_wait3A_773, %dma_wait3A_774] : memref<10000x2048xf32, #tpu.memory_space<hbm>> -> memref<8x2048xf32, #tpu.memory_space<hbm>>
        %dma_wait3A_776 = arith.constant 0 : i32
        %dma_wait3A_777 = arith.constant 0 : i32
        %dma_wait3A_778 = tpu.memref_slice %arg7[%dma_wait3A_776, %dma_wait3A_777] : memref<48x2048xf32, #tpu.memory_space<vmem>> -> memref<8x2048xf32, #tpu.memory_space<vmem>>
        %dma_wait3A_779 = arith.constant 0 : i32
        %dma_wait3A_780 = arith.constant 0 : i32
        %dma_wait3A_781 = tpu.memref_slice %arg3[%dma_wait3A_779, %dma_wait3A_780] : memref<10000x2048xf32, #tpu.memory_space<hbm>> -> memref<8x2048xf32, #tpu.memory_space<hbm>>
        tpu.wait_dma2 semaphore(%arg8 : memref<!tpu.dma_semaphore, #tpu.memory_space<semaphore_mem>>) src(%dma_wait3A_781 : memref<8x2048xf32, #tpu.memory_space<hbm>>) dst(%dma_wait3A_778 : memref<8x2048xf32, #tpu.memory_space<vmem>>)
      } else {
      }
      %add3A_392 = arith.constant 1 : i32
      %add3A_393 = arith.addi %select_n3A_342, %add3A_392 : i32
      %select_n3A_394 = arith.select %lt3A_388, %add3A_393, %select_n3A_342 : i32
      %lt3A_395 = arith.cmpi slt, %select_n3A_394, %shift_right_logical3A_334 : i32
      %convert_element_type3A_396 = arith.extui %lt3A_395 : i1 to i32
      %cond3A_397 = arith.constant 0 : i32
      %cond3A_398 = arith.cmpi ne, %convert_element_type3A_396, %cond3A_397 : i32
      scf.if %cond3A_398 {
        %dma_wait3A_770 = arith.constant 0 : i32
        %dma_wait3A_771 = arith.constant 0 : i32
        %dma_wait3A_772 = tpu.memref_slice %arg7[%dma_wait3A_770, %dma_wait3A_771] : memref<48x2048xf32, #tpu.memory_space<vmem>> -> memref<8x2048xf32, #tpu.memory_space<vmem>>
        %dma_wait3A_773 = arith.constant 0 : i32
        %dma_wait3A_774 = arith.constant 0 : i32
        %dma_wait3A_775 = tpu.memref_slice %arg3[%dma_wait3A_773, %dma_wait3A_774] : memref<10000x2048xf32, #tpu.memory_space<hbm>> -> memref<8x2048xf32, #tpu.memory_space<hbm>>
        %dma_wait3A_776 = arith.constant 0 : i32
        %dma_wait3A_777 = arith.constant 0 : i32
        %dma_wait3A_778 = tpu.memref_slice %arg7[%dma_wait3A_776, %dma_wait3A_777] : memref<48x2048xf32, #tpu.memory_space<vmem>> -> memref<8x2048xf32, #tpu.memory_space<vmem>>
        %dma_wait3A_779 = arith.constant 0 : i32
        %dma_wait3A_780 = arith.constant 0 : i32
        %dma_wait3A_781 = tpu.memref_slice %arg3[%dma_wait3A_779, %dma_wait3A_780] : memref<10000x2048xf32, #tpu.memory_space<hbm>> -> memref<8x2048xf32, #tpu.memory_space<hbm>>
        tpu.wait_dma2 semaphore(%arg8 : memref<!tpu.dma_semaphore, #tpu.memory_space<semaphore_mem>>) src(%dma_wait3A_781 : memref<8x2048xf32, #tpu.memory_space<hbm>>) dst(%dma_wait3A_778 : memref<8x2048xf32, #tpu.memory_space<vmem>>)
      } else {
      }
      %add3A_399 = arith.constant 1 : i32
      %add3A_400 = arith.addi %select_n3A_394, %add3A_399 : i32
      %select_n3A_401 = arith.select %lt3A_395, %add3A_400, %select_n3A_394 : i32
      %lt3A_402 = arith.cmpi slt, %select_n3A_401, %shift_right_logical3A_334 : i32
      %convert_element_type3A_403 = arith.extui %lt3A_402 : i1 to i32
      %cond3A_404 = arith.constant 0 : i32
      %cond3A_405 = arith.cmpi ne, %convert_element_type3A_403, %cond3A_404 : i32
      scf.if %cond3A_405 {
        %dma_wait3A_770 = arith.constant 0 : i32
        %dma_wait3A_771 = arith.constant 0 : i32
        %dma_wait3A_772 = tpu.memref_slice %arg7[%dma_wait3A_770, %dma_wait3A_771] : memref<48x2048xf32, #tpu.memory_space<vmem>> -> memref<8x2048xf32, #tpu.memory_space<vmem>>
        %dma_wait3A_773 = arith.constant 0 : i32
        %dma_wait3A_774 = arith.constant 0 : i32
        %dma_wait3A_775 = tpu.memref_slice %arg3[%dma_wait3A_773, %dma_wait3A_774] : memref<10000x2048xf32, #tpu.memory_space<hbm>> -> memref<8x2048xf32, #tpu.memory_space<hbm>>
        %dma_wait3A_776 = arith.constant 0 : i32
        %dma_wait3A_777 = arith.constant 0 : i32
        %dma_wait3A_778 = tpu.memref_slice %arg7[%dma_wait3A_776, %dma_wait3A_777] : memref<48x2048xf32, #tpu.memory_space<vmem>> -> memref<8x2048xf32, #tpu.memory_space<vmem>>
        %dma_wait3A_779 = arith.constant 0 : i32
        %dma_wait3A_780 = arith.constant 0 : i32
        %dma_wait3A_781 = tpu.memref_slice %arg3[%dma_wait3A_779, %dma_wait3A_780] : memref<10000x2048xf32, #tpu.memory_space<hbm>> -> memref<8x2048xf32, #tpu.memory_space<hbm>>
        tpu.wait_dma2 semaphore(%arg8 : memref<!tpu.dma_semaphore, #tpu.memory_space<semaphore_mem>>) src(%dma_wait3A_781 : memref<8x2048xf32, #tpu.memory_space<hbm>>) dst(%dma_wait3A_778 : memref<8x2048xf32, #tpu.memory_space<vmem>>)
      } else {
      }
      %add3A_406 = arith.constant 1 : i32
      %add3A_407 = arith.addi %select_n3A_401, %add3A_406 : i32
      %select_n3A_408 = arith.select %lt3A_402, %add3A_407, %select_n3A_401 : i32
      %lt3A_409 = arith.cmpi slt, %select_n3A_408, %shift_right_logical3A_334 : i32
      %convert_element_type3A_410 = arith.extui %lt3A_409 : i1 to i32
      %cond3A_411 = arith.constant 0 : i32
      %cond3A_412 = arith.cmpi ne, %convert_element_type3A_410, %cond3A_411 : i32
      scf.if %cond3A_412 {
        %dma_wait3A_770 = arith.constant 0 : i32
        %dma_wait3A_771 = arith.constant 0 : i32
        %dma_wait3A_772 = tpu.memref_slice %arg7[%dma_wait3A_770, %dma_wait3A_771] : memref<48x2048xf32, #tpu.memory_space<vmem>> -> memref<8x2048xf32, #tpu.memory_space<vmem>>
        %dma_wait3A_773 = arith.constant 0 : i32
        %dma_wait3A_774 = arith.constant 0 : i32
        %dma_wait3A_775 = tpu.memref_slice %arg3[%dma_wait3A_773, %dma_wait3A_774] : memref<10000x2048xf32, #tpu.memory_space<hbm>> -> memref<8x2048xf32, #tpu.memory_space<hbm>>
        %dma_wait3A_776 = arith.constant 0 : i32
        %dma_wait3A_777 = arith.constant 0 : i32
        %dma_wait3A_778 = tpu.memref_slice %arg7[%dma_wait3A_776, %dma_wait3A_777] : memref<48x2048xf32, #tpu.memory_space<vmem>> -> memref<8x2048xf32, #tpu.memory_space<vmem>>
        %dma_wait3A_779 = arith.constant 0 : i32
        %dma_wait3A_780 = arith.constant 0 : i32
        %dma_wait3A_781 = tpu.memref_slice %arg3[%dma_wait3A_779, %dma_wait3A_780] : memref<10000x2048xf32, #tpu.memory_space<hbm>> -> memref<8x2048xf32, #tpu.memory_space<hbm>>
        tpu.wait_dma2 semaphore(%arg8 : memref<!tpu.dma_semaphore, #tpu.memory_space<semaphore_mem>>) src(%dma_wait3A_781 : memref<8x2048xf32, #tpu.memory_space<hbm>>) dst(%dma_wait3A_778 : memref<8x2048xf32, #tpu.memory_space<vmem>>)
      } else {
      }
      %add3A_413 = arith.constant 1 : i32
      %add3A_414 = arith.addi %select_n3A_408, %add3A_413 : i32
      %select_n3A_415 = arith.select %lt3A_409, %add3A_414, %select_n3A_408 : i32
      %lt3A_416 = arith.cmpi slt, %select_n3A_415, %shift_right_logical3A_334 : i32
      %convert_element_type3A_417 = arith.extui %lt3A_416 : i1 to i32
      %cond3A_418 = arith.constant 0 : i32
      %cond3A_419 = arith.cmpi ne, %convert_element_type3A_417, %cond3A_418 : i32
      scf.if %cond3A_419 {
        %dma_wait3A_770 = arith.constant 0 : i32
        %dma_wait3A_771 = arith.constant 0 : i32
        %dma_wait3A_772 = tpu.memref_slice %arg7[%dma_wait3A_770, %dma_wait3A_771] : memref<48x2048xf32, #tpu.memory_space<vmem>> -> memref<8x2048xf32, #tpu.memory_space<vmem>>
        %dma_wait3A_773 = arith.constant 0 : i32
        %dma_wait3A_774 = arith.constant 0 : i32
        %dma_wait3A_775 = tpu.memref_slice %arg3[%dma_wait3A_773, %dma_wait3A_774] : memref<10000x2048xf32, #tpu.memory_space<hbm>> -> memref<8x2048xf32, #tpu.memory_space<hbm>>
        %dma_wait3A_776 = arith.constant 0 : i32
        %dma_wait3A_777 = arith.constant 0 : i32
        %dma_wait3A_778 = tpu.memref_slice %arg7[%dma_wait3A_776, %dma_wait3A_777] : memref<48x2048xf32, #tpu.memory_space<vmem>> -> memref<8x2048xf32, #tpu.memory_space<vmem>>
        %dma_wait3A_779 = arith.constant 0 : i32
        %dma_wait3A_780 = arith.constant 0 : i32
        %dma_wait3A_781 = tpu.memref_slice %arg3[%dma_wait3A_779, %dma_wait3A_780] : memref<10000x2048xf32, #tpu.memory_space<hbm>> -> memref<8x2048xf32, #tpu.memory_space<hbm>>
        tpu.wait_dma2 semaphore(%arg8 : memref<!tpu.dma_semaphore, #tpu.memory_space<semaphore_mem>>) src(%dma_wait3A_781 : memref<8x2048xf32, #tpu.memory_space<hbm>>) dst(%dma_wait3A_778 : memref<8x2048xf32, #tpu.memory_space<vmem>>)
      } else {
      }
      %add3A_420 = arith.constant 1 : i32
      %add3A_421 = arith.addi %select_n3A_415, %add3A_420 : i32
      %select_n3A_422 = arith.select %lt3A_416, %add3A_421, %select_n3A_415 : i32
      %lt3A_423 = arith.cmpi slt, %select_n3A_422, %shift_right_logical3A_334 : i32
      %convert_element_type3A_424 = arith.extui %lt3A_423 : i1 to i32
      %cond3A_425 = arith.constant 0 : i32
      %cond3A_426 = arith.cmpi ne, %convert_element_type3A_424, %cond3A_425 : i32
      scf.if %cond3A_426 {
        %dma_wait3A_770 = arith.constant 0 : i32
        %dma_wait3A_771 = arith.constant 0 : i32
        %dma_wait3A_772 = tpu.memref_slice %arg7[%dma_wait3A_770, %dma_wait3A_771] : memref<48x2048xf32, #tpu.memory_space<vmem>> -> memref<8x2048xf32, #tpu.memory_space<vmem>>
        %dma_wait3A_773 = arith.constant 0 : i32
        %dma_wait3A_774 = arith.constant 0 : i32
        %dma_wait3A_775 = tpu.memref_slice %arg3[%dma_wait3A_773, %dma_wait3A_774] : memref<10000x2048xf32, #tpu.memory_space<hbm>> -> memref<8x2048xf32, #tpu.memory_space<hbm>>
        %dma_wait3A_776 = arith.constant 0 : i32
        %dma_wait3A_777 = arith.constant 0 : i32
        %dma_wait3A_778 = tpu.memref_slice %arg7[%dma_wait3A_776, %dma_wait3A_777] : memref<48x2048xf32, #tpu.memory_space<vmem>> -> memref<8x2048xf32, #tpu.memory_space<vmem>>
        %dma_wait3A_779 = arith.constant 0 : i32
        %dma_wait3A_780 = arith.constant 0 : i32
        %dma_wait3A_781 = tpu.memref_slice %arg3[%dma_wait3A_779, %dma_wait3A_780] : memref<10000x2048xf32, #tpu.memory_space<hbm>> -> memref<8x2048xf32, #tpu.memory_space<hbm>>
        tpu.wait_dma2 semaphore(%arg8 : memref<!tpu.dma_semaphore, #tpu.memory_space<semaphore_mem>>) src(%dma_wait3A_781 : memref<8x2048xf32, #tpu.memory_space<hbm>>) dst(%dma_wait3A_778 : memref<8x2048xf32, #tpu.memory_space<vmem>>)
      } else {
      }
      %add3A_427 = arith.constant 1 : i32
      %add3A_428 = arith.addi %select_n3A_422, %add3A_427 : i32
      %select_n3A_429 = arith.select %lt3A_423, %add3A_428, %select_n3A_422 : i32
      %mul3A_430 = arith.constant 8192 : i32
      %mul3A_431 = arith.muli %select_n3A, %mul3A_430 : i32
      %add3A_432 = arith.addi %mul3A_431, %mul3A_2 : i32
      %sub3A_433 = arith.subi %select_n3A_298, %mul3A_276 : i32
      %add3A_434 = arith.addi %add3A_432, %sub3A_433 : i32
      %multiple_of3A = tpu.assume_multiple %add3A_434, 16 : i32
      %slice3A_435 = vector.extract_strided_slice %get3A_301 {offsets = [0], sizes = [1], strides = [1]} : vector<16xi32> to vector<1xi32>
      %squeeze3A_436 = vector.extract %slice3A_435[0] : i32 from vector<1xi32>
      %shift_right_logical3A_437 = arith.constant 3 : i32
      %shift_right_logical3A_438 = arith.shrui %squeeze3A_436, %shift_right_logical3A_437 : i32
      %rem3A_439 = arith.constant 6 : i32
      %rem3A_440 = arith.remsi %shift_right_logical3A_438, %rem3A_439 : i32
      %and3A_441 = arith.constant 7 : i32
      %and3A_442 = arith.andi %squeeze3A_436, %and3A_441 : i32
      %mul3A_443 = arith.constant 8 : i32
      %mul3A_444 = arith.muli %rem3A_440, %mul3A_443 : i32
      %add3A_445 = arith.addi %mul3A_444, %and3A_442 : i32
      %add3A_446 = arith.constant 0 : i32
      %add3A_447 = arith.addi %multiple_of3A, %add3A_446 : i32
      %dma_start3A = arith.constant 0 : i32
      %dma_start3A_448 = tpu.memref_slice %arg7[%add3A_445, %dma_start3A] : memref<48x2048xf32, #tpu.memory_space<vmem>> -> memref<1x2048xf32, #tpu.memory_space<vmem>>
      %dma_start3A_449 = arith.constant 0 : i32
      %dma_start3A_450 = tpu.memref_slice %arg4[%add3A_447, %dma_start3A_449] : memref<32768x2048xf32, #tpu.memory_space<hbm>> -> memref<1x2048xf32, #tpu.memory_space<hbm>>
      %dma_start3A_451 = arith.constant 0 : i32
      %dma_start3A_452 = tpu.memref_slice %arg4[%add3A_447, %dma_start3A_451] : memref<32768x2048xf32, #tpu.memory_space<hbm>> -> memref<1x2048xf32, #tpu.memory_space<hbm>>
      %dma_start3A_453 = arith.constant 0 : i32
      %dma_start3A_454 = tpu.memref_slice %arg7[%add3A_445, %dma_start3A_453] : memref<48x2048xf32, #tpu.memory_space<vmem>> -> memref<1x2048xf32, #tpu.memory_space<vmem>>
      tpu.enqueue_dma source(%dma_start3A_454 : memref<1x2048xf32, #tpu.memory_space<vmem>>) target(%dma_start3A_452 : memref<1x2048xf32, #tpu.memory_space<hbm>>) target_semaphore(%arg9 : memref<!tpu.dma_semaphore, #tpu.memory_space<semaphore_mem>>)
      %slice3A_455 = vector.extract_strided_slice %get3A_301 {offsets = [1], sizes = [1], strides = [1]} : vector<16xi32> to vector<1xi32>
      %squeeze3A_456 = vector.extract %slice3A_455[0] : i32 from vector<1xi32>
      %shift_right_logical3A_457 = arith.constant 3 : i32
      %shift_right_logical3A_458 = arith.shrui %squeeze3A_456, %shift_right_logical3A_457 : i32
      %rem3A_459 = arith.constant 6 : i32
      %rem3A_460 = arith.remsi %shift_right_logical3A_458, %rem3A_459 : i32
      %and3A_461 = arith.constant 7 : i32
      %and3A_462 = arith.andi %squeeze3A_456, %and3A_461 : i32
      %mul3A_463 = arith.constant 8 : i32
      %mul3A_464 = arith.muli %rem3A_460, %mul3A_463 : i32
      %add3A_465 = arith.addi %mul3A_464, %and3A_462 : i32
      %add3A_466 = arith.constant 1 : i32
      %add3A_467 = arith.addi %multiple_of3A, %add3A_466 : i32
      %dma_start3A_468 = arith.constant 0 : i32
      %dma_start3A_469 = tpu.memref_slice %arg7[%add3A_465, %dma_start3A_468] : memref<48x2048xf32, #tpu.memory_space<vmem>> -> memref<1x2048xf32, #tpu.memory_space<vmem>>
      %dma_start3A_470 = arith.constant 0 : i32
      %dma_start3A_471 = tpu.memref_slice %arg4[%add3A_467, %dma_start3A_470] : memref<32768x2048xf32, #tpu.memory_space<hbm>> -> memref<1x2048xf32, #tpu.memory_space<hbm>>
      %dma_start3A_472 = arith.constant 0 : i32
      %dma_start3A_473 = tpu.memref_slice %arg4[%add3A_467, %dma_start3A_472] : memref<32768x2048xf32, #tpu.memory_space<hbm>> -> memref<1x2048xf32, #tpu.memory_space<hbm>>
      %dma_start3A_474 = arith.constant 0 : i32
      %dma_start3A_475 = tpu.memref_slice %arg7[%add3A_465, %dma_start3A_474] : memref<48x2048xf32, #tpu.memory_space<vmem>> -> memref<1x2048xf32, #tpu.memory_space<vmem>>
      tpu.enqueue_dma source(%dma_start3A_475 : memref<1x2048xf32, #tpu.memory_space<vmem>>) target(%dma_start3A_473 : memref<1x2048xf32, #tpu.memory_space<hbm>>) target_semaphore(%arg9 : memref<!tpu.dma_semaphore, #tpu.memory_space<semaphore_mem>>)
      %slice3A_476 = vector.extract_strided_slice %get3A_301 {offsets = [2], sizes = [1], strides = [1]} : vector<16xi32> to vector<1xi32>
      %squeeze3A_477 = vector.extract %slice3A_476[0] : i32 from vector<1xi32>
      %shift_right_logical3A_478 = arith.constant 3 : i32
      %shift_right_logical3A_479 = arith.shrui %squeeze3A_477, %shift_right_logical3A_478 : i32
      %rem3A_480 = arith.constant 6 : i32
      %rem3A_481 = arith.remsi %shift_right_logical3A_479, %rem3A_480 : i32
      %and3A_482 = arith.constant 7 : i32
      %and3A_483 = arith.andi %squeeze3A_477, %and3A_482 : i32
      %mul3A_484 = arith.constant 8 : i32
      %mul3A_485 = arith.muli %rem3A_481, %mul3A_484 : i32
      %add3A_486 = arith.addi %mul3A_485, %and3A_483 : i32
      %add3A_487 = arith.constant 2 : i32
      %add3A_488 = arith.addi %multiple_of3A, %add3A_487 : i32
      %dma_start3A_489 = arith.constant 0 : i32
      %dma_start3A_490 = tpu.memref_slice %arg7[%add3A_486, %dma_start3A_489] : memref<48x2048xf32, #tpu.memory_space<vmem>> -> memref<1x2048xf32, #tpu.memory_space<vmem>>
      %dma_start3A_491 = arith.constant 0 : i32
      %dma_start3A_492 = tpu.memref_slice %arg4[%add3A_488, %dma_start3A_491] : memref<32768x2048xf32, #tpu.memory_space<hbm>> -> memref<1x2048xf32, #tpu.memory_space<hbm>>
      %dma_start3A_493 = arith.constant 0 : i32
      %dma_start3A_494 = tpu.memref_slice %arg4[%add3A_488, %dma_start3A_493] : memref<32768x2048xf32, #tpu.memory_space<hbm>> -> memref<1x2048xf32, #tpu.memory_space<hbm>>
      %dma_start3A_495 = arith.constant 0 : i32
      %dma_start3A_496 = tpu.memref_slice %arg7[%add3A_486, %dma_start3A_495] : memref<48x2048xf32, #tpu.memory_space<vmem>> -> memref<1x2048xf32, #tpu.memory_space<vmem>>
      tpu.enqueue_dma source(%dma_start3A_496 : memref<1x2048xf32, #tpu.memory_space<vmem>>) target(%dma_start3A_494 : memref<1x2048xf32, #tpu.memory_space<hbm>>) target_semaphore(%arg9 : memref<!tpu.dma_semaphore, #tpu.memory_space<semaphore_mem>>)
      %slice3A_497 = vector.extract_strided_slice %get3A_301 {offsets = [3], sizes = [1], strides = [1]} : vector<16xi32> to vector<1xi32>
      %squeeze3A_498 = vector.extract %slice3A_497[0] : i32 from vector<1xi32>
      %shift_right_logical3A_499 = arith.constant 3 : i32
      %shift_right_logical3A_500 = arith.shrui %squeeze3A_498, %shift_right_logical3A_499 : i32
      %rem3A_501 = arith.constant 6 : i32
      %rem3A_502 = arith.remsi %shift_right_logical3A_500, %rem3A_501 : i32
      %and3A_503 = arith.constant 7 : i32
      %and3A_504 = arith.andi %squeeze3A_498, %and3A_503 : i32
      %mul3A_505 = arith.constant 8 : i32
      %mul3A_506 = arith.muli %rem3A_502, %mul3A_505 : i32
      %add3A_507 = arith.addi %mul3A_506, %and3A_504 : i32
      %add3A_508 = arith.constant 3 : i32
      %add3A_509 = arith.addi %multiple_of3A, %add3A_508 : i32
      %dma_start3A_510 = arith.constant 0 : i32
      %dma_start3A_511 = tpu.memref_slice %arg7[%add3A_507, %dma_start3A_510] : memref<48x2048xf32, #tpu.memory_space<vmem>> -> memref<1x2048xf32, #tpu.memory_space<vmem>>
      %dma_start3A_512 = arith.constant 0 : i32
      %dma_start3A_513 = tpu.memref_slice %arg4[%add3A_509, %dma_start3A_512] : memref<32768x2048xf32, #tpu.memory_space<hbm>> -> memref<1x2048xf32, #tpu.memory_space<hbm>>
      %dma_start3A_514 = arith.constant 0 : i32
      %dma_start3A_515 = tpu.memref_slice %arg4[%add3A_509, %dma_start3A_514] : memref<32768x2048xf32, #tpu.memory_space<hbm>> -> memref<1x2048xf32, #tpu.memory_space<hbm>>
      %dma_start3A_516 = arith.constant 0 : i32
      %dma_start3A_517 = tpu.memref_slice %arg7[%add3A_507, %dma_start3A_516] : memref<48x2048xf32, #tpu.memory_space<vmem>> -> memref<1x2048xf32, #tpu.memory_space<vmem>>
      tpu.enqueue_dma source(%dma_start3A_517 : memref<1x2048xf32, #tpu.memory_space<vmem>>) target(%dma_start3A_515 : memref<1x2048xf32, #tpu.memory_space<hbm>>) target_semaphore(%arg9 : memref<!tpu.dma_semaphore, #tpu.memory_space<semaphore_mem>>)
      %slice3A_518 = vector.extract_strided_slice %get3A_301 {offsets = [4], sizes = [1], strides = [1]} : vector<16xi32> to vector<1xi32>
      %squeeze3A_519 = vector.extract %slice3A_518[0] : i32 from vector<1xi32>
      %shift_right_logical3A_520 = arith.constant 3 : i32
      %shift_right_logical3A_521 = arith.shrui %squeeze3A_519, %shift_right_logical3A_520 : i32
      %rem3A_522 = arith.constant 6 : i32
      %rem3A_523 = arith.remsi %shift_right_logical3A_521, %rem3A_522 : i32
      %and3A_524 = arith.constant 7 : i32
      %and3A_525 = arith.andi %squeeze3A_519, %and3A_524 : i32
      %mul3A_526 = arith.constant 8 : i32
      %mul3A_527 = arith.muli %rem3A_523, %mul3A_526 : i32
      %add3A_528 = arith.addi %mul3A_527, %and3A_525 : i32
      %add3A_529 = arith.constant 4 : i32
      %add3A_530 = arith.addi %multiple_of3A, %add3A_529 : i32
      %dma_start3A_531 = arith.constant 0 : i32
      %dma_start3A_532 = tpu.memref_slice %arg7[%add3A_528, %dma_start3A_531] : memref<48x2048xf32, #tpu.memory_space<vmem>> -> memref<1x2048xf32, #tpu.memory_space<vmem>>
      %dma_start3A_533 = arith.constant 0 : i32
      %dma_start3A_534 = tpu.memref_slice %arg4[%add3A_530, %dma_start3A_533] : memref<32768x2048xf32, #tpu.memory_space<hbm>> -> memref<1x2048xf32, #tpu.memory_space<hbm>>
      %dma_start3A_535 = arith.constant 0 : i32
      %dma_start3A_536 = tpu.memref_slice %arg4[%add3A_530, %dma_start3A_535] : memref<32768x2048xf32, #tpu.memory_space<hbm>> -> memref<1x2048xf32, #tpu.memory_space<hbm>>
      %dma_start3A_537 = arith.constant 0 : i32
      %dma_start3A_538 = tpu.memref_slice %arg7[%add3A_528, %dma_start3A_537] : memref<48x2048xf32, #tpu.memory_space<vmem>> -> memref<1x2048xf32, #tpu.memory_space<vmem>>
      tpu.enqueue_dma source(%dma_start3A_538 : memref<1x2048xf32, #tpu.memory_space<vmem>>) target(%dma_start3A_536 : memref<1x2048xf32, #tpu.memory_space<hbm>>) target_semaphore(%arg9 : memref<!tpu.dma_semaphore, #tpu.memory_space<semaphore_mem>>)
      %slice3A_539 = vector.extract_strided_slice %get3A_301 {offsets = [5], sizes = [1], strides = [1]} : vector<16xi32> to vector<1xi32>
      %squeeze3A_540 = vector.extract %slice3A_539[0] : i32 from vector<1xi32>
      %shift_right_logical3A_541 = arith.constant 3 : i32
      %shift_right_logical3A_542 = arith.shrui %squeeze3A_540, %shift_right_logical3A_541 : i32
      %rem3A_543 = arith.constant 6 : i32
      %rem3A_544 = arith.remsi %shift_right_logical3A_542, %rem3A_543 : i32
      %and3A_545 = arith.constant 7 : i32
      %and3A_546 = arith.andi %squeeze3A_540, %and3A_545 : i32
      %mul3A_547 = arith.constant 8 : i32
      %mul3A_548 = arith.muli %rem3A_544, %mul3A_547 : i32
      %add3A_549 = arith.addi %mul3A_548, %and3A_546 : i32
      %add3A_550 = arith.constant 5 : i32
      %add3A_551 = arith.addi %multiple_of3A, %add3A_550 : i32
      %dma_start3A_552 = arith.constant 0 : i32
      %dma_start3A_553 = tpu.memref_slice %arg7[%add3A_549, %dma_start3A_552] : memref<48x2048xf32, #tpu.memory_space<vmem>> -> memref<1x2048xf32, #tpu.memory_space<vmem>>
      %dma_start3A_554 = arith.constant 0 : i32
      %dma_start3A_555 = tpu.memref_slice %arg4[%add3A_551, %dma_start3A_554] : memref<32768x2048xf32, #tpu.memory_space<hbm>> -> memref<1x2048xf32, #tpu.memory_space<hbm>>
      %dma_start3A_556 = arith.constant 0 : i32
      %dma_start3A_557 = tpu.memref_slice %arg4[%add3A_551, %dma_start3A_556] : memref<32768x2048xf32, #tpu.memory_space<hbm>> -> memref<1x2048xf32, #tpu.memory_space<hbm>>
      %dma_start3A_558 = arith.constant 0 : i32
      %dma_start3A_559 = tpu.memref_slice %arg7[%add3A_549, %dma_start3A_558] : memref<48x2048xf32, #tpu.memory_space<vmem>> -> memref<1x2048xf32, #tpu.memory_space<vmem>>
      tpu.enqueue_dma source(%dma_start3A_559 : memref<1x2048xf32, #tpu.memory_space<vmem>>) target(%dma_start3A_557 : memref<1x2048xf32, #tpu.memory_space<hbm>>) target_semaphore(%arg9 : memref<!tpu.dma_semaphore, #tpu.memory_space<semaphore_mem>>)
      %slice3A_560 = vector.extract_strided_slice %get3A_301 {offsets = [6], sizes = [1], strides = [1]} : vector<16xi32> to vector<1xi32>
      %squeeze3A_561 = vector.extract %slice3A_560[0] : i32 from vector<1xi32>
      %shift_right_logical3A_562 = arith.constant 3 : i32
      %shift_right_logical3A_563 = arith.shrui %squeeze3A_561, %shift_right_logical3A_562 : i32
      %rem3A_564 = arith.constant 6 : i32
      %rem3A_565 = arith.remsi %shift_right_logical3A_563, %rem3A_564 : i32
      %and3A_566 = arith.constant 7 : i32
      %and3A_567 = arith.andi %squeeze3A_561, %and3A_566 : i32
      %mul3A_568 = arith.constant 8 : i32
      %mul3A_569 = arith.muli %rem3A_565, %mul3A_568 : i32
      %add3A_570 = arith.addi %mul3A_569, %and3A_567 : i32
      %add3A_571 = arith.constant 6 : i32
      %add3A_572 = arith.addi %multiple_of3A, %add3A_571 : i32
      %dma_start3A_573 = arith.constant 0 : i32
      %dma_start3A_574 = tpu.memref_slice %arg7[%add3A_570, %dma_start3A_573] : memref<48x2048xf32, #tpu.memory_space<vmem>> -> memref<1x2048xf32, #tpu.memory_space<vmem>>
      %dma_start3A_575 = arith.constant 0 : i32
      %dma_start3A_576 = tpu.memref_slice %arg4[%add3A_572, %dma_start3A_575] : memref<32768x2048xf32, #tpu.memory_space<hbm>> -> memref<1x2048xf32, #tpu.memory_space<hbm>>
      %dma_start3A_577 = arith.constant 0 : i32
      %dma_start3A_578 = tpu.memref_slice %arg4[%add3A_572, %dma_start3A_577] : memref<32768x2048xf32, #tpu.memory_space<hbm>> -> memref<1x2048xf32, #tpu.memory_space<hbm>>
      %dma_start3A_579 = arith.constant 0 : i32
      %dma_start3A_580 = tpu.memref_slice %arg7[%add3A_570, %dma_start3A_579] : memref<48x2048xf32, #tpu.memory_space<vmem>> -> memref<1x2048xf32, #tpu.memory_space<vmem>>
      tpu.enqueue_dma source(%dma_start3A_580 : memref<1x2048xf32, #tpu.memory_space<vmem>>) target(%dma_start3A_578 : memref<1x2048xf32, #tpu.memory_space<hbm>>) target_semaphore(%arg9 : memref<!tpu.dma_semaphore, #tpu.memory_space<semaphore_mem>>)
      %slice3A_581 = vector.extract_strided_slice %get3A_301 {offsets = [7], sizes = [1], strides = [1]} : vector<16xi32> to vector<1xi32>
      %squeeze3A_582 = vector.extract %slice3A_581[0] : i32 from vector<1xi32>
      %shift_right_logical3A_583 = arith.constant 3 : i32
      %shift_right_logical3A_584 = arith.shrui %squeeze3A_582, %shift_right_logical3A_583 : i32
      %rem3A_585 = arith.constant 6 : i32
      %rem3A_586 = arith.remsi %shift_right_logical3A_584, %rem3A_585 : i32
      %and3A_587 = arith.constant 7 : i32
      %and3A_588 = arith.andi %squeeze3A_582, %and3A_587 : i32
      %mul3A_589 = arith.constant 8 : i32
      %mul3A_590 = arith.muli %rem3A_586, %mul3A_589 : i32
      %add3A_591 = arith.addi %mul3A_590, %and3A_588 : i32
      %add3A_592 = arith.constant 7 : i32
      %add3A_593 = arith.addi %multiple_of3A, %add3A_592 : i32
      %dma_start3A_594 = arith.constant 0 : i32
      %dma_start3A_595 = tpu.memref_slice %arg7[%add3A_591, %dma_start3A_594] : memref<48x2048xf32, #tpu.memory_space<vmem>> -> memref<1x2048xf32, #tpu.memory_space<vmem>>
      %dma_start3A_596 = arith.constant 0 : i32
      %dma_start3A_597 = tpu.memref_slice %arg4[%add3A_593, %dma_start3A_596] : memref<32768x2048xf32, #tpu.memory_space<hbm>> -> memref<1x2048xf32, #tpu.memory_space<hbm>>
      %dma_start3A_598 = arith.constant 0 : i32
      %dma_start3A_599 = tpu.memref_slice %arg4[%add3A_593, %dma_start3A_598] : memref<32768x2048xf32, #tpu.memory_space<hbm>> -> memref<1x2048xf32, #tpu.memory_space<hbm>>
      %dma_start3A_600 = arith.constant 0 : i32
      %dma_start3A_601 = tpu.memref_slice %arg7[%add3A_591, %dma_start3A_600] : memref<48x2048xf32, #tpu.memory_space<vmem>> -> memref<1x2048xf32, #tpu.memory_space<vmem>>
      tpu.enqueue_dma source(%dma_start3A_601 : memref<1x2048xf32, #tpu.memory_space<vmem>>) target(%dma_start3A_599 : memref<1x2048xf32, #tpu.memory_space<hbm>>) target_semaphore(%arg9 : memref<!tpu.dma_semaphore, #tpu.memory_space<semaphore_mem>>)
      %slice3A_602 = vector.extract_strided_slice %get3A_301 {offsets = [8], sizes = [1], strides = [1]} : vector<16xi32> to vector<1xi32>
      %squeeze3A_603 = vector.extract %slice3A_602[0] : i32 from vector<1xi32>
      %shift_right_logical3A_604 = arith.constant 3 : i32
      %shift_right_logical3A_605 = arith.shrui %squeeze3A_603, %shift_right_logical3A_604 : i32
      %rem3A_606 = arith.constant 6 : i32
      %rem3A_607 = arith.remsi %shift_right_logical3A_605, %rem3A_606 : i32
      %and3A_608 = arith.constant 7 : i32
      %and3A_609 = arith.andi %squeeze3A_603, %and3A_608 : i32
      %mul3A_610 = arith.constant 8 : i32
      %mul3A_611 = arith.muli %rem3A_607, %mul3A_610 : i32
      %add3A_612 = arith.addi %mul3A_611, %and3A_609 : i32
      %add3A_613 = arith.constant 8 : i32
      %add3A_614 = arith.addi %multiple_of3A, %add3A_613 : i32
      %dma_start3A_615 = arith.constant 0 : i32
      %dma_start3A_616 = tpu.memref_slice %arg7[%add3A_612, %dma_start3A_615] : memref<48x2048xf32, #tpu.memory_space<vmem>> -> memref<1x2048xf32, #tpu.memory_space<vmem>>
      %dma_start3A_617 = arith.constant 0 : i32
      %dma_start3A_618 = tpu.memref_slice %arg4[%add3A_614, %dma_start3A_617] : memref<32768x2048xf32, #tpu.memory_space<hbm>> -> memref<1x2048xf32, #tpu.memory_space<hbm>>
      %dma_start3A_619 = arith.constant 0 : i32
      %dma_start3A_620 = tpu.memref_slice %arg4[%add3A_614, %dma_start3A_619] : memref<32768x2048xf32, #tpu.memory_space<hbm>> -> memref<1x2048xf32, #tpu.memory_space<hbm>>
      %dma_start3A_621 = arith.constant 0 : i32
      %dma_start3A_622 = tpu.memref_slice %arg7[%add3A_612, %dma_start3A_621] : memref<48x2048xf32, #tpu.memory_space<vmem>> -> memref<1x2048xf32, #tpu.memory_space<vmem>>
      tpu.enqueue_dma source(%dma_start3A_622 : memref<1x2048xf32, #tpu.memory_space<vmem>>) target(%dma_start3A_620 : memref<1x2048xf32, #tpu.memory_space<hbm>>) target_semaphore(%arg9 : memref<!tpu.dma_semaphore, #tpu.memory_space<semaphore_mem>>)
      %slice3A_623 = vector.extract_strided_slice %get3A_301 {offsets = [9], sizes = [1], strides = [1]} : vector<16xi32> to vector<1xi32>
      %squeeze3A_624 = vector.extract %slice3A_623[0] : i32 from vector<1xi32>
      %shift_right_logical3A_625 = arith.constant 3 : i32
      %shift_right_logical3A_626 = arith.shrui %squeeze3A_624, %shift_right_logical3A_625 : i32
      %rem3A_627 = arith.constant 6 : i32
      %rem3A_628 = arith.remsi %shift_right_logical3A_626, %rem3A_627 : i32
      %and3A_629 = arith.constant 7 : i32
      %and3A_630 = arith.andi %squeeze3A_624, %and3A_629 : i32
      %mul3A_631 = arith.constant 8 : i32
      %mul3A_632 = arith.muli %rem3A_628, %mul3A_631 : i32
      %add3A_633 = arith.addi %mul3A_632, %and3A_630 : i32
      %add3A_634 = arith.constant 9 : i32
      %add3A_635 = arith.addi %multiple_of3A, %add3A_634 : i32
      %dma_start3A_636 = arith.constant 0 : i32
      %dma_start3A_637 = tpu.memref_slice %arg7[%add3A_633, %dma_start3A_636] : memref<48x2048xf32, #tpu.memory_space<vmem>> -> memref<1x2048xf32, #tpu.memory_space<vmem>>
      %dma_start3A_638 = arith.constant 0 : i32
      %dma_start3A_639 = tpu.memref_slice %arg4[%add3A_635, %dma_start3A_638] : memref<32768x2048xf32, #tpu.memory_space<hbm>> -> memref<1x2048xf32, #tpu.memory_space<hbm>>
      %dma_start3A_640 = arith.constant 0 : i32
      %dma_start3A_641 = tpu.memref_slice %arg4[%add3A_635, %dma_start3A_640] : memref<32768x2048xf32, #tpu.memory_space<hbm>> -> memref<1x2048xf32, #tpu.memory_space<hbm>>
      %dma_start3A_642 = arith.constant 0 : i32
      %dma_start3A_643 = tpu.memref_slice %arg7[%add3A_633, %dma_start3A_642] : memref<48x2048xf32, #tpu.memory_space<vmem>> -> memref<1x2048xf32, #tpu.memory_space<vmem>>
      tpu.enqueue_dma source(%dma_start3A_643 : memref<1x2048xf32, #tpu.memory_space<vmem>>) target(%dma_start3A_641 : memref<1x2048xf32, #tpu.memory_space<hbm>>) target_semaphore(%arg9 : memref<!tpu.dma_semaphore, #tpu.memory_space<semaphore_mem>>)
      %slice3A_644 = vector.extract_strided_slice %get3A_301 {offsets = [10], sizes = [1], strides = [1]} : vector<16xi32> to vector<1xi32>
      %squeeze3A_645 = vector.extract %slice3A_644[0] : i32 from vector<1xi32>
      %shift_right_logical3A_646 = arith.constant 3 : i32
      %shift_right_logical3A_647 = arith.shrui %squeeze3A_645, %shift_right_logical3A_646 : i32
      %rem3A_648 = arith.constant 6 : i32
      %rem3A_649 = arith.remsi %shift_right_logical3A_647, %rem3A_648 : i32
      %and3A_650 = arith.constant 7 : i32
      %and3A_651 = arith.andi %squeeze3A_645, %and3A_650 : i32
      %mul3A_652 = arith.constant 8 : i32
      %mul3A_653 = arith.muli %rem3A_649, %mul3A_652 : i32
      %add3A_654 = arith.addi %mul3A_653, %and3A_651 : i32
      %add3A_655 = arith.constant 10 : i32
      %add3A_656 = arith.addi %multiple_of3A, %add3A_655 : i32
      %dma_start3A_657 = arith.constant 0 : i32
      %dma_start3A_658 = tpu.memref_slice %arg7[%add3A_654, %dma_start3A_657] : memref<48x2048xf32, #tpu.memory_space<vmem>> -> memref<1x2048xf32, #tpu.memory_space<vmem>>
      %dma_start3A_659 = arith.constant 0 : i32
      %dma_start3A_660 = tpu.memref_slice %arg4[%add3A_656, %dma_start3A_659] : memref<32768x2048xf32, #tpu.memory_space<hbm>> -> memref<1x2048xf32, #tpu.memory_space<hbm>>
      %dma_start3A_661 = arith.constant 0 : i32
      %dma_start3A_662 = tpu.memref_slice %arg4[%add3A_656, %dma_start3A_661] : memref<32768x2048xf32, #tpu.memory_space<hbm>> -> memref<1x2048xf32, #tpu.memory_space<hbm>>
      %dma_start3A_663 = arith.constant 0 : i32
      %dma_start3A_664 = tpu.memref_slice %arg7[%add3A_654, %dma_start3A_663] : memref<48x2048xf32, #tpu.memory_space<vmem>> -> memref<1x2048xf32, #tpu.memory_space<vmem>>
      tpu.enqueue_dma source(%dma_start3A_664 : memref<1x2048xf32, #tpu.memory_space<vmem>>) target(%dma_start3A_662 : memref<1x2048xf32, #tpu.memory_space<hbm>>) target_semaphore(%arg9 : memref<!tpu.dma_semaphore, #tpu.memory_space<semaphore_mem>>)
      %slice3A_665 = vector.extract_strided_slice %get3A_301 {offsets = [11], sizes = [1], strides = [1]} : vector<16xi32> to vector<1xi32>
      %squeeze3A_666 = vector.extract %slice3A_665[0] : i32 from vector<1xi32>
      %shift_right_logical3A_667 = arith.constant 3 : i32
      %shift_right_logical3A_668 = arith.shrui %squeeze3A_666, %shift_right_logical3A_667 : i32
      %rem3A_669 = arith.constant 6 : i32
      %rem3A_670 = arith.remsi %shift_right_logical3A_668, %rem3A_669 : i32
      %and3A_671 = arith.constant 7 : i32
      %and3A_672 = arith.andi %squeeze3A_666, %and3A_671 : i32
      %mul3A_673 = arith.constant 8 : i32
      %mul3A_674 = arith.muli %rem3A_670, %mul3A_673 : i32
      %add3A_675 = arith.addi %mul3A_674, %and3A_672 : i32
      %add3A_676 = arith.constant 11 : i32
      %add3A_677 = arith.addi %multiple_of3A, %add3A_676 : i32
      %dma_start3A_678 = arith.constant 0 : i32
      %dma_start3A_679 = tpu.memref_slice %arg7[%add3A_675, %dma_start3A_678] : memref<48x2048xf32, #tpu.memory_space<vmem>> -> memref<1x2048xf32, #tpu.memory_space<vmem>>
      %dma_start3A_680 = arith.constant 0 : i32
      %dma_start3A_681 = tpu.memref_slice %arg4[%add3A_677, %dma_start3A_680] : memref<32768x2048xf32, #tpu.memory_space<hbm>> -> memref<1x2048xf32, #tpu.memory_space<hbm>>
      %dma_start3A_682 = arith.constant 0 : i32
      %dma_start3A_683 = tpu.memref_slice %arg4[%add3A_677, %dma_start3A_682] : memref<32768x2048xf32, #tpu.memory_space<hbm>> -> memref<1x2048xf32, #tpu.memory_space<hbm>>
      %dma_start3A_684 = arith.constant 0 : i32
      %dma_start3A_685 = tpu.memref_slice %arg7[%add3A_675, %dma_start3A_684] : memref<48x2048xf32, #tpu.memory_space<vmem>> -> memref<1x2048xf32, #tpu.memory_space<vmem>>
      tpu.enqueue_dma source(%dma_start3A_685 : memref<1x2048xf32, #tpu.memory_space<vmem>>) target(%dma_start3A_683 : memref<1x2048xf32, #tpu.memory_space<hbm>>) target_semaphore(%arg9 : memref<!tpu.dma_semaphore, #tpu.memory_space<semaphore_mem>>)
      %slice3A_686 = vector.extract_strided_slice %get3A_301 {offsets = [12], sizes = [1], strides = [1]} : vector<16xi32> to vector<1xi32>
      %squeeze3A_687 = vector.extract %slice3A_686[0] : i32 from vector<1xi32>
      %shift_right_logical3A_688 = arith.constant 3 : i32
      %shift_right_logical3A_689 = arith.shrui %squeeze3A_687, %shift_right_logical3A_688 : i32
      %rem3A_690 = arith.constant 6 : i32
      %rem3A_691 = arith.remsi %shift_right_logical3A_689, %rem3A_690 : i32
      %and3A_692 = arith.constant 7 : i32
      %and3A_693 = arith.andi %squeeze3A_687, %and3A_692 : i32
      %mul3A_694 = arith.constant 8 : i32
      %mul3A_695 = arith.muli %rem3A_691, %mul3A_694 : i32
      %add3A_696 = arith.addi %mul3A_695, %and3A_693 : i32
      %add3A_697 = arith.constant 12 : i32
      %add3A_698 = arith.addi %multiple_of3A, %add3A_697 : i32
      %dma_start3A_699 = arith.constant 0 : i32
      %dma_start3A_700 = tpu.memref_slice %arg7[%add3A_696, %dma_start3A_699] : memref<48x2048xf32, #tpu.memory_space<vmem>> -> memref<1x2048xf32, #tpu.memory_space<vmem>>
      %dma_start3A_701 = arith.constant 0 : i32
      %dma_start3A_702 = tpu.memref_slice %arg4[%add3A_698, %dma_start3A_701] : memref<32768x2048xf32, #tpu.memory_space<hbm>> -> memref<1x2048xf32, #tpu.memory_space<hbm>>
      %dma_start3A_703 = arith.constant 0 : i32
      %dma_start3A_704 = tpu.memref_slice %arg4[%add3A_698, %dma_start3A_703] : memref<32768x2048xf32, #tpu.memory_space<hbm>> -> memref<1x2048xf32, #tpu.memory_space<hbm>>
      %dma_start3A_705 = arith.constant 0 : i32
      %dma_start3A_706 = tpu.memref_slice %arg7[%add3A_696, %dma_start3A_705] : memref<48x2048xf32, #tpu.memory_space<vmem>> -> memref<1x2048xf32, #tpu.memory_space<vmem>>
      tpu.enqueue_dma source(%dma_start3A_706 : memref<1x2048xf32, #tpu.memory_space<vmem>>) target(%dma_start3A_704 : memref<1x2048xf32, #tpu.memory_space<hbm>>) target_semaphore(%arg9 : memref<!tpu.dma_semaphore, #tpu.memory_space<semaphore_mem>>)
      %slice3A_707 = vector.extract_strided_slice %get3A_301 {offsets = [13], sizes = [1], strides = [1]} : vector<16xi32> to vector<1xi32>
      %squeeze3A_708 = vector.extract %slice3A_707[0] : i32 from vector<1xi32>
      %shift_right_logical3A_709 = arith.constant 3 : i32
      %shift_right_logical3A_710 = arith.shrui %squeeze3A_708, %shift_right_logical3A_709 : i32
      %rem3A_711 = arith.constant 6 : i32
      %rem3A_712 = arith.remsi %shift_right_logical3A_710, %rem3A_711 : i32
      %and3A_713 = arith.constant 7 : i32
      %and3A_714 = arith.andi %squeeze3A_708, %and3A_713 : i32
      %mul3A_715 = arith.constant 8 : i32
      %mul3A_716 = arith.muli %rem3A_712, %mul3A_715 : i32
      %add3A_717 = arith.addi %mul3A_716, %and3A_714 : i32
      %add3A_718 = arith.constant 13 : i32
      %add3A_719 = arith.addi %multiple_of3A, %add3A_718 : i32
      %dma_start3A_720 = arith.constant 0 : i32
      %dma_start3A_721 = tpu.memref_slice %arg7[%add3A_717, %dma_start3A_720] : memref<48x2048xf32, #tpu.memory_space<vmem>> -> memref<1x2048xf32, #tpu.memory_space<vmem>>
      %dma_start3A_722 = arith.constant 0 : i32
      %dma_start3A_723 = tpu.memref_slice %arg4[%add3A_719, %dma_start3A_722] : memref<32768x2048xf32, #tpu.memory_space<hbm>> -> memref<1x2048xf32, #tpu.memory_space<hbm>>
      %dma_start3A_724 = arith.constant 0 : i32
      %dma_start3A_725 = tpu.memref_slice %arg4[%add3A_719, %dma_start3A_724] : memref<32768x2048xf32, #tpu.memory_space<hbm>> -> memref<1x2048xf32, #tpu.memory_space<hbm>>
      %dma_start3A_726 = arith.constant 0 : i32
      %dma_start3A_727 = tpu.memref_slice %arg7[%add3A_717, %dma_start3A_726] : memref<48x2048xf32, #tpu.memory_space<vmem>> -> memref<1x2048xf32, #tpu.memory_space<vmem>>
      tpu.enqueue_dma source(%dma_start3A_727 : memref<1x2048xf32, #tpu.memory_space<vmem>>) target(%dma_start3A_725 : memref<1x2048xf32, #tpu.memory_space<hbm>>) target_semaphore(%arg9 : memref<!tpu.dma_semaphore, #tpu.memory_space<semaphore_mem>>)
      %slice3A_728 = vector.extract_strided_slice %get3A_301 {offsets = [14], sizes = [1], strides = [1]} : vector<16xi32> to vector<1xi32>
      %squeeze3A_729 = vector.extract %slice3A_728[0] : i32 from vector<1xi32>
      %shift_right_logical3A_730 = arith.constant 3 : i32
      %shift_right_logical3A_731 = arith.shrui %squeeze3A_729, %shift_right_logical3A_730 : i32
      %rem3A_732 = arith.constant 6 : i32
      %rem3A_733 = arith.remsi %shift_right_logical3A_731, %rem3A_732 : i32
      %and3A_734 = arith.constant 7 : i32
      %and3A_735 = arith.andi %squeeze3A_729, %and3A_734 : i32
      %mul3A_736 = arith.constant 8 : i32
      %mul3A_737 = arith.muli %rem3A_733, %mul3A_736 : i32
      %add3A_738 = arith.addi %mul3A_737, %and3A_735 : i32
      %add3A_739 = arith.constant 14 : i32
      %add3A_740 = arith.addi %multiple_of3A, %add3A_739 : i32
      %dma_start3A_741 = arith.constant 0 : i32
      %dma_start3A_742 = tpu.memref_slice %arg7[%add3A_738, %dma_start3A_741] : memref<48x2048xf32, #tpu.memory_space<vmem>> -> memref<1x2048xf32, #tpu.memory_space<vmem>>
      %dma_start3A_743 = arith.constant 0 : i32
      %dma_start3A_744 = tpu.memref_slice %arg4[%add3A_740, %dma_start3A_743] : memref<32768x2048xf32, #tpu.memory_space<hbm>> -> memref<1x2048xf32, #tpu.memory_space<hbm>>
      %dma_start3A_745 = arith.constant 0 : i32
      %dma_start3A_746 = tpu.memref_slice %arg4[%add3A_740, %dma_start3A_745] : memref<32768x2048xf32, #tpu.memory_space<hbm>> -> memref<1x2048xf32, #tpu.memory_space<hbm>>
      %dma_start3A_747 = arith.constant 0 : i32
      %dma_start3A_748 = tpu.memref_slice %arg7[%add3A_738, %dma_start3A_747] : memref<48x2048xf32, #tpu.memory_space<vmem>> -> memref<1x2048xf32, #tpu.memory_space<vmem>>
      tpu.enqueue_dma source(%dma_start3A_748 : memref<1x2048xf32, #tpu.memory_space<vmem>>) target(%dma_start3A_746 : memref<1x2048xf32, #tpu.memory_space<hbm>>) target_semaphore(%arg9 : memref<!tpu.dma_semaphore, #tpu.memory_space<semaphore_mem>>)
      %slice3A_749 = vector.extract_strided_slice %get3A_301 {offsets = [15], sizes = [1], strides = [1]} : vector<16xi32> to vector<1xi32>
      %squeeze3A_750 = vector.extract %slice3A_749[0] : i32 from vector<1xi32>
      %shift_right_logical3A_751 = arith.constant 3 : i32
      %shift_right_logical3A_752 = arith.shrui %squeeze3A_750, %shift_right_logical3A_751 : i32
      %rem3A_753 = arith.constant 6 : i32
      %rem3A_754 = arith.remsi %shift_right_logical3A_752, %rem3A_753 : i32
      %and3A_755 = arith.constant 7 : i32
      %and3A_756 = arith.andi %squeeze3A_750, %and3A_755 : i32
      %mul3A_757 = arith.constant 8 : i32
      %mul3A_758 = arith.muli %rem3A_754, %mul3A_757 : i32
      %add3A_759 = arith.addi %mul3A_758, %and3A_756 : i32
      %add3A_760 = arith.constant 15 : i32
      %add3A_761 = arith.addi %multiple_of3A, %add3A_760 : i32
      %dma_start3A_762 = arith.constant 0 : i32
      %dma_start3A_763 = tpu.memref_slice %arg7[%add3A_759, %dma_start3A_762] : memref<48x2048xf32, #tpu.memory_space<vmem>> -> memref<1x2048xf32, #tpu.memory_space<vmem>>
      %dma_start3A_764 = arith.constant 0 : i32
      %dma_start3A_765 = tpu.memref_slice %arg4[%add3A_761, %dma_start3A_764] : memref<32768x2048xf32, #tpu.memory_space<hbm>> -> memref<1x2048xf32, #tpu.memory_space<hbm>>
      %dma_start3A_766 = arith.constant 0 : i32
      %dma_start3A_767 = tpu.memref_slice %arg4[%add3A_761, %dma_start3A_766] : memref<32768x2048xf32, #tpu.memory_space<hbm>> -> memref<1x2048xf32, #tpu.memory_space<hbm>>
      %dma_start3A_768 = arith.constant 0 : i32
      %dma_start3A_769 = tpu.memref_slice %arg7[%add3A_759, %dma_start3A_768] : memref<48x2048xf32, #tpu.memory_space<vmem>> -> memref<1x2048xf32, #tpu.memory_space<vmem>>
      tpu.enqueue_dma source(%dma_start3A_769 : memref<1x2048xf32, #tpu.memory_space<vmem>>) target(%dma_start3A_767 : memref<1x2048xf32, #tpu.memory_space<hbm>>) target_semaphore(%arg9 : memref<!tpu.dma_semaphore, #tpu.memory_space<semaphore_mem>>)
      scf.yield %select_n3A_387, %select_n3A_429 : i32, i32
    }
    %scan3A_93 = arith.constant 64 : i32
    %dma_wait3A = arith.constant 0 : i32
    %dma_wait3A_94 = arith.constant 0 : i32
    %dma_wait3A_95 = tpu.memref_slice %arg7[%dma_wait3A, %dma_wait3A_94] : memref<48x2048xf32, #tpu.memory_space<vmem>> -> memref<1x2048xf32, #tpu.memory_space<vmem>>
    %dma_wait3A_96 = arith.constant 0 : i32
    %dma_wait3A_97 = tpu.memref_slice %arg4[%mul3A_2, %dma_wait3A_96] : memref<32768x2048xf32, #tpu.memory_space<hbm>> -> memref<1x2048xf32, #tpu.memory_space<hbm>>
    %dma_wait3A_98 = arith.constant 0 : i32
    %dma_wait3A_99 = tpu.memref_slice %arg4[%mul3A_2, %dma_wait3A_98] : memref<32768x2048xf32, #tpu.memory_space<hbm>> -> memref<1x2048xf32, #tpu.memory_space<hbm>>
    %dma_wait3A_100 = arith.constant 0 : i32
    %dma_wait3A_101 = arith.constant 0 : i32
    %dma_wait3A_102 = tpu.memref_slice %arg7[%dma_wait3A_100, %dma_wait3A_101] : memref<48x2048xf32, #tpu.memory_space<vmem>> -> memref<1x2048xf32, #tpu.memory_space<vmem>>
    tpu.wait_dma2 semaphore(%arg9 : memref<!tpu.dma_semaphore, #tpu.memory_space<semaphore_mem>>) src(%dma_wait3A_102 : memref<1x2048xf32, #tpu.memory_space<vmem>>) dst(%dma_wait3A_99 : memref<1x2048xf32, #tpu.memory_space<hbm>>)
    %dma_wait3A_103 = arith.constant 0 : i32
    %dma_wait3A_104 = arith.constant 0 : i32
    %dma_wait3A_105 = tpu.memref_slice %arg7[%dma_wait3A_103, %dma_wait3A_104] : memref<48x2048xf32, #tpu.memory_space<vmem>> -> memref<1x2048xf32, #tpu.memory_space<vmem>>
    %dma_wait3A_106 = arith.constant 0 : i32
    %dma_wait3A_107 = tpu.memref_slice %arg4[%mul3A_2, %dma_wait3A_106] : memref<32768x2048xf32, #tpu.memory_space<hbm>> -> memref<1x2048xf32, #tpu.memory_space<hbm>>
    %dma_wait3A_108 = arith.constant 0 : i32
    %dma_wait3A_109 = tpu.memref_slice %arg4[%mul3A_2, %dma_wait3A_108] : memref<32768x2048xf32, #tpu.memory_space<hbm>> -> memref<1x2048xf32, #tpu.memory_space<hbm>>
    %dma_wait3A_110 = arith.constant 0 : i32
    %dma_wait3A_111 = arith.constant 0 : i32
    %dma_wait3A_112 = tpu.memref_slice %arg7[%dma_wait3A_110, %dma_wait3A_111] : memref<48x2048xf32, #tpu.memory_space<vmem>> -> memref<1x2048xf32, #tpu.memory_space<vmem>>
    tpu.wait_dma2 semaphore(%arg9 : memref<!tpu.dma_semaphore, #tpu.memory_space<semaphore_mem>>) src(%dma_wait3A_112 : memref<1x2048xf32, #tpu.memory_space<vmem>>) dst(%dma_wait3A_109 : memref<1x2048xf32, #tpu.memory_space<hbm>>)
    %dma_wait3A_113 = arith.constant 0 : i32
    %dma_wait3A_114 = arith.constant 0 : i32
    %dma_wait3A_115 = tpu.memref_slice %arg7[%dma_wait3A_113, %dma_wait3A_114] : memref<48x2048xf32, #tpu.memory_space<vmem>> -> memref<1x2048xf32, #tpu.memory_space<vmem>>
    %dma_wait3A_116 = arith.constant 0 : i32
    %dma_wait3A_117 = tpu.memref_slice %arg4[%mul3A_2, %dma_wait3A_116] : memref<32768x2048xf32, #tpu.memory_space<hbm>> -> memref<1x2048xf32, #tpu.memory_space<hbm>>
    %dma_wait3A_118 = arith.constant 0 : i32
    %dma_wait3A_119 = tpu.memref_slice %arg4[%mul3A_2, %dma_wait3A_118] : memref<32768x2048xf32, #tpu.memory_space<hbm>> -> memref<1x2048xf32, #tpu.memory_space<hbm>>
    %dma_wait3A_120 = arith.constant 0 : i32
    %dma_wait3A_121 = arith.constant 0 : i32
    %dma_wait3A_122 = tpu.memref_slice %arg7[%dma_wait3A_120, %dma_wait3A_121] : memref<48x2048xf32, #tpu.memory_space<vmem>> -> memref<1x2048xf32, #tpu.memory_space<vmem>>
    tpu.wait_dma2 semaphore(%arg9 : memref<!tpu.dma_semaphore, #tpu.memory_space<semaphore_mem>>) src(%dma_wait3A_122 : memref<1x2048xf32, #tpu.memory_space<vmem>>) dst(%dma_wait3A_119 : memref<1x2048xf32, #tpu.memory_space<hbm>>)
    %dma_wait3A_123 = arith.constant 0 : i32
    %dma_wait3A_124 = arith.constant 0 : i32
    %dma_wait3A_125 = tpu.memref_slice %arg7[%dma_wait3A_123, %dma_wait3A_124] : memref<48x2048xf32, #tpu.memory_space<vmem>> -> memref<1x2048xf32, #tpu.memory_space<vmem>>
    %dma_wait3A_126 = arith.constant 0 : i32
    %dma_wait3A_127 = tpu.memref_slice %arg4[%mul3A_2, %dma_wait3A_126] : memref<32768x2048xf32, #tpu.memory_space<hbm>> -> memref<1x2048xf32, #tpu.memory_space<hbm>>
    %dma_wait3A_128 = arith.constant 0 : i32
    %dma_wait3A_129 = tpu.memref_slice %arg4[%mul3A_2, %dma_wait3A_128] : memref<32768x2048xf32, #tpu.memory_space<hbm>> -> memref<1x2048xf32, #tpu.memory_space<hbm>>
    %dma_wait3A_130 = arith.constant 0 : i32
    %dma_wait3A_131 = arith.constant 0 : i32
    %dma_wait3A_132 = tpu.memref_slice %arg7[%dma_wait3A_130, %dma_wait3A_131] : memref<48x2048xf32, #tpu.memory_space<vmem>> -> memref<1x2048xf32, #tpu.memory_space<vmem>>
    tpu.wait_dma2 semaphore(%arg9 : memref<!tpu.dma_semaphore, #tpu.memory_space<semaphore_mem>>) src(%dma_wait3A_132 : memref<1x2048xf32, #tpu.memory_space<vmem>>) dst(%dma_wait3A_129 : memref<1x2048xf32, #tpu.memory_space<hbm>>)
    %dma_wait3A_133 = arith.constant 0 : i32
    %dma_wait3A_134 = arith.constant 0 : i32
    %dma_wait3A_135 = tpu.memref_slice %arg7[%dma_wait3A_133, %dma_wait3A_134] : memref<48x2048xf32, #tpu.memory_space<vmem>> -> memref<1x2048xf32, #tpu.memory_space<vmem>>
    %dma_wait3A_136 = arith.constant 0 : i32
    %dma_wait3A_137 = tpu.memref_slice %arg4[%mul3A_2, %dma_wait3A_136] : memref<32768x2048xf32, #tpu.memory_space<hbm>> -> memref<1x2048xf32, #tpu.memory_space<hbm>>
    %dma_wait3A_138 = arith.constant 0 : i32
    %dma_wait3A_139 = tpu.memref_slice %arg4[%mul3A_2, %dma_wait3A_138] : memref<32768x2048xf32, #tpu.memory_space<hbm>> -> memref<1x2048xf32, #tpu.memory_space<hbm>>
    %dma_wait3A_140 = arith.constant 0 : i32
    %dma_wait3A_141 = arith.constant 0 : i32
    %dma_wait3A_142 = tpu.memref_slice %arg7[%dma_wait3A_140, %dma_wait3A_141] : memref<48x2048xf32, #tpu.memory_space<vmem>> -> memref<1x2048xf32, #tpu.memory_space<vmem>>
    tpu.wait_dma2 semaphore(%arg9 : memref<!tpu.dma_semaphore, #tpu.memory_space<semaphore_mem>>) src(%dma_wait3A_142 : memref<1x2048xf32, #tpu.memory_space<vmem>>) dst(%dma_wait3A_139 : memref<1x2048xf32, #tpu.memory_space<hbm>>)
    %dma_wait3A_143 = arith.constant 0 : i32
    %dma_wait3A_144 = arith.constant 0 : i32
    %dma_wait3A_145 = tpu.memref_slice %arg7[%dma_wait3A_143, %dma_wait3A_144] : memref<48x2048xf32, #tpu.memory_space<vmem>> -> memref<1x2048xf32, #tpu.memory_space<vmem>>
    %dma_wait3A_146 = arith.constant 0 : i32
    %dma_wait3A_147 = tpu.memref_slice %arg4[%mul3A_2, %dma_wait3A_146] : memref<32768x2048xf32, #tpu.memory_space<hbm>> -> memref<1x2048xf32, #tpu.memory_space<hbm>>
    %dma_wait3A_148 = arith.constant 0 : i32
    %dma_wait3A_149 = tpu.memref_slice %arg4[%mul3A_2, %dma_wait3A_148] : memref<32768x2048xf32, #tpu.memory_space<hbm>> -> memref<1x2048xf32, #tpu.memory_space<hbm>>
    %dma_wait3A_150 = arith.constant 0 : i32
    %dma_wait3A_151 = arith.constant 0 : i32
    %dma_wait3A_152 = tpu.memref_slice %arg7[%dma_wait3A_150, %dma_wait3A_151] : memref<48x2048xf32, #tpu.memory_space<vmem>> -> memref<1x2048xf32, #tpu.memory_space<vmem>>
    tpu.wait_dma2 semaphore(%arg9 : memref<!tpu.dma_semaphore, #tpu.memory_space<semaphore_mem>>) src(%dma_wait3A_152 : memref<1x2048xf32, #tpu.memory_space<vmem>>) dst(%dma_wait3A_149 : memref<1x2048xf32, #tpu.memory_space<hbm>>)
    %dma_wait3A_153 = arith.constant 0 : i32
    %dma_wait3A_154 = arith.constant 0 : i32
    %dma_wait3A_155 = tpu.memref_slice %arg7[%dma_wait3A_153, %dma_wait3A_154] : memref<48x2048xf32, #tpu.memory_space<vmem>> -> memref<1x2048xf32, #tpu.memory_space<vmem>>
    %dma_wait3A_156 = arith.constant 0 : i32
    %dma_wait3A_157 = tpu.memref_slice %arg4[%mul3A_2, %dma_wait3A_156] : memref<32768x2048xf32, #tpu.memory_space<hbm>> -> memref<1x2048xf32, #tpu.memory_space<hbm>>
    %dma_wait3A_158 = arith.constant 0 : i32
    %dma_wait3A_159 = tpu.memref_slice %arg4[%mul3A_2, %dma_wait3A_158] : memref<32768x2048xf32, #tpu.memory_space<hbm>> -> memref<1x2048xf32, #tpu.memory_space<hbm>>
    %dma_wait3A_160 = arith.constant 0 : i32
    %dma_wait3A_161 = arith.constant 0 : i32
    %dma_wait3A_162 = tpu.memref_slice %arg7[%dma_wait3A_160, %dma_wait3A_161] : memref<48x2048xf32, #tpu.memory_space<vmem>> -> memref<1x2048xf32, #tpu.memory_space<vmem>>
    tpu.wait_dma2 semaphore(%arg9 : memref<!tpu.dma_semaphore, #tpu.memory_space<semaphore_mem>>) src(%dma_wait3A_162 : memref<1x2048xf32, #tpu.memory_space<vmem>>) dst(%dma_wait3A_159 : memref<1x2048xf32, #tpu.memory_space<hbm>>)
    %dma_wait3A_163 = arith.constant 0 : i32
    %dma_wait3A_164 = arith.constant 0 : i32
    %dma_wait3A_165 = tpu.memref_slice %arg7[%dma_wait3A_163, %dma_wait3A_164] : memref<48x2048xf32, #tpu.memory_space<vmem>> -> memref<1x2048xf32, #tpu.memory_space<vmem>>
    %dma_wait3A_166 = arith.constant 0 : i32
    %dma_wait3A_167 = tpu.memref_slice %arg4[%mul3A_2, %dma_wait3A_166] : memref<32768x2048xf32, #tpu.memory_space<hbm>> -> memref<1x2048xf32, #tpu.memory_space<hbm>>
    %dma_wait3A_168 = arith.constant 0 : i32
    %dma_wait3A_169 = tpu.memref_slice %arg4[%mul3A_2, %dma_wait3A_168] : memref<32768x2048xf32, #tpu.memory_space<hbm>> -> memref<1x2048xf32, #tpu.memory_space<hbm>>
    %dma_wait3A_170 = arith.constant 0 : i32
    %dma_wait3A_171 = arith.constant 0 : i32
    %dma_wait3A_172 = tpu.memref_slice %arg7[%dma_wait3A_170, %dma_wait3A_171] : memref<48x2048xf32, #tpu.memory_space<vmem>> -> memref<1x2048xf32, #tpu.memory_space<vmem>>
    tpu.wait_dma2 semaphore(%arg9 : memref<!tpu.dma_semaphore, #tpu.memory_space<semaphore_mem>>) src(%dma_wait3A_172 : memref<1x2048xf32, #tpu.memory_space<vmem>>) dst(%dma_wait3A_169 : memref<1x2048xf32, #tpu.memory_space<hbm>>)
    %dma_wait3A_173 = arith.constant 0 : i32
    %dma_wait3A_174 = arith.constant 0 : i32
    %dma_wait3A_175 = tpu.memref_slice %arg7[%dma_wait3A_173, %dma_wait3A_174] : memref<48x2048xf32, #tpu.memory_space<vmem>> -> memref<1x2048xf32, #tpu.memory_space<vmem>>
    %dma_wait3A_176 = arith.constant 0 : i32
    %dma_wait3A_177 = tpu.memref_slice %arg4[%mul3A_2, %dma_wait3A_176] : memref<32768x2048xf32, #tpu.memory_space<hbm>> -> memref<1x2048xf32, #tpu.memory_space<hbm>>
    %dma_wait3A_178 = arith.constant 0 : i32
    %dma_wait3A_179 = tpu.memref_slice %arg4[%mul3A_2, %dma_wait3A_178] : memref<32768x2048xf32, #tpu.memory_space<hbm>> -> memref<1x2048xf32, #tpu.memory_space<hbm>>
    %dma_wait3A_180 = arith.constant 0 : i32
    %dma_wait3A_181 = arith.constant 0 : i32
    %dma_wait3A_182 = tpu.memref_slice %arg7[%dma_wait3A_180, %dma_wait3A_181] : memref<48x2048xf32, #tpu.memory_space<vmem>> -> memref<1x2048xf32, #tpu.memory_space<vmem>>
    tpu.wait_dma2 semaphore(%arg9 : memref<!tpu.dma_semaphore, #tpu.memory_space<semaphore_mem>>) src(%dma_wait3A_182 : memref<1x2048xf32, #tpu.memory_space<vmem>>) dst(%dma_wait3A_179 : memref<1x2048xf32, #tpu.memory_space<hbm>>)
    %dma_wait3A_183 = arith.constant 0 : i32
    %dma_wait3A_184 = arith.constant 0 : i32
    %dma_wait3A_185 = tpu.memref_slice %arg7[%dma_wait3A_183, %dma_wait3A_184] : memref<48x2048xf32, #tpu.memory_space<vmem>> -> memref<1x2048xf32, #tpu.memory_space<vmem>>
    %dma_wait3A_186 = arith.constant 0 : i32
    %dma_wait3A_187 = tpu.memref_slice %arg4[%mul3A_2, %dma_wait3A_186] : memref<32768x2048xf32, #tpu.memory_space<hbm>> -> memref<1x2048xf32, #tpu.memory_space<hbm>>
    %dma_wait3A_188 = arith.constant 0 : i32
    %dma_wait3A_189 = tpu.memref_slice %arg4[%mul3A_2, %dma_wait3A_188] : memref<32768x2048xf32, #tpu.memory_space<hbm>> -> memref<1x2048xf32, #tpu.memory_space<hbm>>
    %dma_wait3A_190 = arith.constant 0 : i32
    %dma_wait3A_191 = arith.constant 0 : i32
    %dma_wait3A_192 = tpu.memref_slice %arg7[%dma_wait3A_190, %dma_wait3A_191] : memref<48x2048xf32, #tpu.memory_space<vmem>> -> memref<1x2048xf32, #tpu.memory_space<vmem>>
    tpu.wait_dma2 semaphore(%arg9 : memref<!tpu.dma_semaphore, #tpu.memory_space<semaphore_mem>>) src(%dma_wait3A_192 : memref<1x2048xf32, #tpu.memory_space<vmem>>) dst(%dma_wait3A_189 : memref<1x2048xf32, #tpu.memory_space<hbm>>)
    %dma_wait3A_193 = arith.constant 0 : i32
    %dma_wait3A_194 = arith.constant 0 : i32
    %dma_wait3A_195 = tpu.memref_slice %arg7[%dma_wait3A_193, %dma_wait3A_194] : memref<48x2048xf32, #tpu.memory_space<vmem>> -> memref<1x2048xf32, #tpu.memory_space<vmem>>
    %dma_wait3A_196 = arith.constant 0 : i32
    %dma_wait3A_197 = tpu.memref_slice %arg4[%mul3A_2, %dma_wait3A_196] : memref<32768x2048xf32, #tpu.memory_space<hbm>> -> memref<1x2048xf32, #tpu.memory_space<hbm>>
    %dma_wait3A_198 = arith.constant 0 : i32
    %dma_wait3A_199 = tpu.memref_slice %arg4[%mul3A_2, %dma_wait3A_198] : memref<32768x2048xf32, #tpu.memory_space<hbm>> -> memref<1x2048xf32, #tpu.memory_space<hbm>>
    %dma_wait3A_200 = arith.constant 0 : i32
    %dma_wait3A_201 = arith.constant 0 : i32
    %dma_wait3A_202 = tpu.memref_slice %arg7[%dma_wait3A_200, %dma_wait3A_201] : memref<48x2048xf32, #tpu.memory_space<vmem>> -> memref<1x2048xf32, #tpu.memory_space<vmem>>
    tpu.wait_dma2 semaphore(%arg9 : memref<!tpu.dma_semaphore, #tpu.memory_space<semaphore_mem>>) src(%dma_wait3A_202 : memref<1x2048xf32, #tpu.memory_space<vmem>>) dst(%dma_wait3A_199 : memref<1x2048xf32, #tpu.memory_space<hbm>>)
    %dma_wait3A_203 = arith.constant 0 : i32
    %dma_wait3A_204 = arith.constant 0 : i32
    %dma_wait3A_205 = tpu.memref_slice %arg7[%dma_wait3A_203, %dma_wait3A_204] : memref<48x2048xf32, #tpu.memory_space<vmem>> -> memref<1x2048xf32, #tpu.memory_space<vmem>>
    %dma_wait3A_206 = arith.constant 0 : i32
    %dma_wait3A_207 = tpu.memref_slice %arg4[%mul3A_2, %dma_wait3A_206] : memref<32768x2048xf32, #tpu.memory_space<hbm>> -> memref<1x2048xf32, #tpu.memory_space<hbm>>
    %dma_wait3A_208 = arith.constant 0 : i32
    %dma_wait3A_209 = tpu.memref_slice %arg4[%mul3A_2, %dma_wait3A_208] : memref<32768x2048xf32, #tpu.memory_space<hbm>> -> memref<1x2048xf32, #tpu.memory_space<hbm>>
    %dma_wait3A_210 = arith.constant 0 : i32
    %dma_wait3A_211 = arith.constant 0 : i32
    %dma_wait3A_212 = tpu.memref_slice %arg7[%dma_wait3A_210, %dma_wait3A_211] : memref<48x2048xf32, #tpu.memory_space<vmem>> -> memref<1x2048xf32, #tpu.memory_space<vmem>>
    tpu.wait_dma2 semaphore(%arg9 : memref<!tpu.dma_semaphore, #tpu.memory_space<semaphore_mem>>) src(%dma_wait3A_212 : memref<1x2048xf32, #tpu.memory_space<vmem>>) dst(%dma_wait3A_209 : memref<1x2048xf32, #tpu.memory_space<hbm>>)
    %dma_wait3A_213 = arith.constant 0 : i32
    %dma_wait3A_214 = arith.constant 0 : i32
    %dma_wait3A_215 = tpu.memref_slice %arg7[%dma_wait3A_213, %dma_wait3A_214] : memref<48x2048xf32, #tpu.memory_space<vmem>> -> memref<1x2048xf32, #tpu.memory_space<vmem>>
    %dma_wait3A_216 = arith.constant 0 : i32
    %dma_wait3A_217 = tpu.memref_slice %arg4[%mul3A_2, %dma_wait3A_216] : memref<32768x2048xf32, #tpu.memory_space<hbm>> -> memref<1x2048xf32, #tpu.memory_space<hbm>>
    %dma_wait3A_218 = arith.constant 0 : i32
    %dma_wait3A_219 = tpu.memref_slice %arg4[%mul3A_2, %dma_wait3A_218] : memref<32768x2048xf32, #tpu.memory_space<hbm>> -> memref<1x2048xf32, #tpu.memory_space<hbm>>
    %dma_wait3A_220 = arith.constant 0 : i32
    %dma_wait3A_221 = arith.constant 0 : i32
    %dma_wait3A_222 = tpu.memref_slice %arg7[%dma_wait3A_220, %dma_wait3A_221] : memref<48x2048xf32, #tpu.memory_space<vmem>> -> memref<1x2048xf32, #tpu.memory_space<vmem>>
    tpu.wait_dma2 semaphore(%arg9 : memref<!tpu.dma_semaphore, #tpu.memory_space<semaphore_mem>>) src(%dma_wait3A_222 : memref<1x2048xf32, #tpu.memory_space<vmem>>) dst(%dma_wait3A_219 : memref<1x2048xf32, #tpu.memory_space<hbm>>)
    %dma_wait3A_223 = arith.constant 0 : i32
    %dma_wait3A_224 = arith.constant 0 : i32
    %dma_wait3A_225 = tpu.memref_slice %arg7[%dma_wait3A_223, %dma_wait3A_224] : memref<48x2048xf32, #tpu.memory_space<vmem>> -> memref<1x2048xf32, #tpu.memory_space<vmem>>
    %dma_wait3A_226 = arith.constant 0 : i32
    %dma_wait3A_227 = tpu.memref_slice %arg4[%mul3A_2, %dma_wait3A_226] : memref<32768x2048xf32, #tpu.memory_space<hbm>> -> memref<1x2048xf32, #tpu.memory_space<hbm>>
    %dma_wait3A_228 = arith.constant 0 : i32
    %dma_wait3A_229 = tpu.memref_slice %arg4[%mul3A_2, %dma_wait3A_228] : memref<32768x2048xf32, #tpu.memory_space<hbm>> -> memref<1x2048xf32, #tpu.memory_space<hbm>>
    %dma_wait3A_230 = arith.constant 0 : i32
    %dma_wait3A_231 = arith.constant 0 : i32
    %dma_wait3A_232 = tpu.memref_slice %arg7[%dma_wait3A_230, %dma_wait3A_231] : memref<48x2048xf32, #tpu.memory_space<vmem>> -> memref<1x2048xf32, #tpu.memory_space<vmem>>
    tpu.wait_dma2 semaphore(%arg9 : memref<!tpu.dma_semaphore, #tpu.memory_space<semaphore_mem>>) src(%dma_wait3A_232 : memref<1x2048xf32, #tpu.memory_space<vmem>>) dst(%dma_wait3A_229 : memref<1x2048xf32, #tpu.memory_space<hbm>>)
    %dma_wait3A_233 = arith.constant 0 : i32
    %dma_wait3A_234 = arith.constant 0 : i32
    %dma_wait3A_235 = tpu.memref_slice %arg7[%dma_wait3A_233, %dma_wait3A_234] : memref<48x2048xf32, #tpu.memory_space<vmem>> -> memref<1x2048xf32, #tpu.memory_space<vmem>>
    %dma_wait3A_236 = arith.constant 0 : i32
    %dma_wait3A_237 = tpu.memref_slice %arg4[%mul3A_2, %dma_wait3A_236] : memref<32768x2048xf32, #tpu.memory_space<hbm>> -> memref<1x2048xf32, #tpu.memory_space<hbm>>
    %dma_wait3A_238 = arith.constant 0 : i32
    %dma_wait3A_239 = tpu.memref_slice %arg4[%mul3A_2, %dma_wait3A_238] : memref<32768x2048xf32, #tpu.memory_space<hbm>> -> memref<1x2048xf32, #tpu.memory_space<hbm>>
    %dma_wait3A_240 = arith.constant 0 : i32
    %dma_wait3A_241 = arith.constant 0 : i32
    %dma_wait3A_242 = tpu.memref_slice %arg7[%dma_wait3A_240, %dma_wait3A_241] : memref<48x2048xf32, #tpu.memory_space<vmem>> -> memref<1x2048xf32, #tpu.memory_space<vmem>>
    tpu.wait_dma2 semaphore(%arg9 : memref<!tpu.dma_semaphore, #tpu.memory_space<semaphore_mem>>) src(%dma_wait3A_242 : memref<1x2048xf32, #tpu.memory_space<vmem>>) dst(%dma_wait3A_239 : memref<1x2048xf32, #tpu.memory_space<hbm>>)
    %dma_wait3A_243 = arith.constant 0 : i32
    %dma_wait3A_244 = arith.constant 0 : i32
    %dma_wait3A_245 = tpu.memref_slice %arg7[%dma_wait3A_243, %dma_wait3A_244] : memref<48x2048xf32, #tpu.memory_space<vmem>> -> memref<1x2048xf32, #tpu.memory_space<vmem>>
    %dma_wait3A_246 = arith.constant 0 : i32
    %dma_wait3A_247 = tpu.memref_slice %arg4[%mul3A_2, %dma_wait3A_246] : memref<32768x2048xf32, #tpu.memory_space<hbm>> -> memref<1x2048xf32, #tpu.memory_space<hbm>>
    %dma_wait3A_248 = arith.constant 0 : i32
    %dma_wait3A_249 = tpu.memref_slice %arg4[%mul3A_2, %dma_wait3A_248] : memref<32768x2048xf32, #tpu.memory_space<hbm>> -> memref<1x2048xf32, #tpu.memory_space<hbm>>
    %dma_wait3A_250 = arith.constant 0 : i32
    %dma_wait3A_251 = arith.constant 0 : i32
    %dma_wait3A_252 = tpu.memref_slice %arg7[%dma_wait3A_250, %dma_wait3A_251] : memref<48x2048xf32, #tpu.memory_space<vmem>> -> memref<1x2048xf32, #tpu.memory_space<vmem>>
    tpu.wait_dma2 semaphore(%arg9 : memref<!tpu.dma_semaphore, #tpu.memory_space<semaphore_mem>>) src(%dma_wait3A_252 : memref<1x2048xf32, #tpu.memory_space<vmem>>) dst(%dma_wait3A_249 : memref<1x2048xf32, #tpu.memory_space<hbm>>)
    return
  }
}

</mosaic_0001>

<sc_bundles>
// kernel: kernel.3.cloned.1.call-start
scs
__scs_entry_jumppad:
0x0: {  	(pc) =	sbr.rel $0x88, $3  }
0x1: {  	(tag) =	ssettag $0x0;
	lr =	simm.s32 $0x1  }
0x2: {  	[smem:$0x3F9E] =	sst lr;
	_ =	strace $0xD0000000  }
0x3: {  	_ = 	snop  }
0x4: {  	_ = 	snop  }
0x5: {  	_ = 	snop  }
0x6: {  	_ = 	snop  }
0x7: {  	_ = 	snop  }
__scs_overlays_trampoline_lowered:
0x8: {  	[smem:$0x3FAD] =	sst s0  }
0x9: {  	[smem:$0x3FAE] =	sst s1  }
0xa: {  	[smem:$0x3FAF] =	sst s2  }
0xb: {  	[smem:$0x3FB0] =	sst s3  }
0xc: {  	[smem:$0x3FB1] =	sst s4  }
0xd: {  	[smem:$0x3FB2] =	sst s5  }
0xe: {  	[smem:$0x3FB3] =	sst s6  }
0xf: {  	[smem:$0x3FB4] =	sst s7  }
0x10: {  	[smem:$0x3FB5] =	sst s8  }
0x11: {  	[smem:$0x3FB6] =	sst s9;
	s0 =	simm.s32 @!p0 $0x0  }
0x12: {  	s1 =	sld [smem:$0x3F9C];
	s0 =	simm.s32 @p0 $0x1  }
0x13: {  	[smem:$0x3FB7] =	sst s0;
	s0 =	simm.s32 @!p1 $0x0  }
0x14: {  	s2 =	sld [smem:$0x3F9B];
	s0 =	simm.s32 @p1 $0x1  }
0x15: {  	[smem:$0x3FB8] =	sst s0;
	s0 =	simm.s32 @!p2 $0x0  }
0x16: {  	s3 =	sld [smem:$0x3FDB];
	s0 =	simm.s32 @p2 $0x1  }
0x17: {  	s4 =	simm.s32 $0x1BF5;
	[smem:$0x3FBA] =	sst s0  }
0x18: {  	s0 =	sld [smem:$0x3F9D];
	_ =	swait.ge [sflag:s4], $0x0  }
0x19: {  	s7 =	sld [smem:$0x3F9E]  }
0x1a: {  	s8 =	sadd.s32 $0xFFFFE003, lr  }
0x1b: {  	s9 =	sadd.s32 $0xFFFFFEF7, lr;
	s5 =	simm.s32 $0xFFFFFFFF;
	p2 =	slt.u32 s8, $0xFFFFF086  }
0x1c: {  	p1 =	slt.u32 s9, $0xF7A;
	s5 =	simm.s32 @!p2 $0x0  }
0x1d: {  	s5 =	simm.s32 @p1 $0x1;
	p0 =	seq.s32 s7, s2  }
0x1e: {  	s7 =	smul.u32 @!p0 $0xF7A, s2;
	p2 =	seq.s32 @!p0 s5, $0x0  }
0x1f: {  	s9 =	smul.u32 $0xF7A, s1;
	s8 =	simm.s32 @!p0 $0x1BF5;
	p2 =	por !p2, p0  }
0x20: {  	[sflag:s8] =	ssyncset.s32 @!p0 $0xFFFFF086;
	s6 =	sadd.s32 @!p0 s3, s7;
	s7 =	simm.s32 @!p0 $0x108  }
0x21: {  	s3 =	sadd.s32 s3, s9;
	s6 =	sadd.s32 @!p0 $0x88, s6;
	s7 =	simm.s32 @p2 $0x1082  }
0x22: {  	[simem:s7], [sflag:s8] =	dma.local @!p0 [hbm:s6], $0xF7A  }
0x23: {  	s9 =	sor.u32 $0xD0000000, s2;
	s6 =	simm.s32 $0x108;
	_ =	swait.ge @!p0 [sflag:s8], $0x0  }
0x24: {  	s3 =	sadd.s32 $0x88, s3;
	s6 =	simm.s32 @!p1 $0x1082;
	[sflag:s4] =	ssyncset.s32 $0xFFFFF086  }
0x25: {  	[simem:s6], [sflag:s4] =	dma.local [hbm:s3], $0xF7A  }
0x26: {  	[smem:$0x3F9E] =	sst s1;
	(tag) =	ssettag s2;
	_ =	strace s9  }
0x27: {  	s1 =	sld [smem:$0x3FAE]  }
0x28: {  	s2 =	sld [smem:$0x3FAF]  }
0x29: {  	s4 =	sld [smem:$0x3FB1]  }
0x2a: {  	p0 =	seq.s32 s5, $0x0;
	s5 =	sld [smem:$0x3FB2]  }
0x2b: {  	s6 =	sld [smem:$0x3FB3]  }
0x2c: {  	s7 =	sld [smem:$0x3FB4]  }
0x2d: {  	s3 =	simm.s32 $0x108;
	s8 =	sld [smem:$0x3FB5]  }
0x2e: {  	s3 =	simm.s32 @!p0 $0x1082;
	s9 =	sld [smem:$0x3FB6]  }
0x2f: {  	lr =	sadd.s32 s0, s3;
	s0 =	sld [smem:$0x3FAD]  }
0x30: {  	s3 =	sld [smem:$0x3FB0]  }
0x31: {  	[smem:$0x3FB9] =	sst s10  }
0x32: {  	s10 =	sld [smem:$0x3FB7];
	_ =	sdelay $0x3  }
0x33: {  	p0 =	seq.s32 s10, $0x1;
	s10 =	sld [smem:$0x3FB9];
	_ =	sdelay $0x3  }
0x34: {  	[smem:$0x3FB9] =	sst s10  }
0x35: {  	s10 =	sld [smem:$0x3FB8];
	_ =	sdelay $0x3  }
0x36: {  	p1 =	seq.s32 s10, $0x1;
	s10 =	sld [smem:$0x3FB9];
	_ =	sdelay $0x3  }
0x37: {  	[smem:$0x3FB9] =	sst s10  }
0x38: {  	s10 =	sld [smem:$0x3FBA]  }
0x39: {  	_ = 	snop;
	(pc) =	sbr.ind lr, $3  }
0x3a: {  	_ = 	snop  }
0x3b: {  	_ = 	snop  }
0x3c: {  	p2 =	seq.s32 s10, $0x1;
	s10 =	sld [smem:$0x3FB9]  }
0x3d: {  	_ =	shalt  }
0x3e: {  	_ =	shalt  }
0x3f: {  	_ =	shalt  }
0x40: {  	_ =	shalt  }
0x41: {  	_ =	shalt  }
0x42: {  	_ =	shalt  }
0x43: {  	_ =	shalt  }
0x44: {  	_ =	shalt  }
0x45: {  	_ =	shalt  }
0x46: {  	_ =	shalt  }
0x47: {  	_ =	shalt  }
0x48: {  	_ =	shalt  }
0x49: {  	_ =	shalt  }
0x4a: {  	_ =	shalt  }
0x4b: {  	_ =	shalt  }
0x4c: {  	_ =	shalt  }
0x4d: {  	_ =	shalt  }
0x4e: {  	_ =	shalt  }
0x4f: {  	_ =	shalt  }
0x50: {  	_ =	shalt  }
0x51: {  	_ =	shalt  }
0x52: {  	_ =	shalt  }
0x53: {  	_ =	shalt  }
0x54: {  	_ =	shalt  }
0x55: {  	_ =	shalt  }
0x56: {  	_ =	shalt  }
0x57: {  	_ =	shalt  }
0x58: {  	_ =	shalt  }
0x59: {  	_ =	shalt  }
0x5a: {  	_ =	shalt  }
0x5b: {  	_ =	shalt  }
0x5c: {  	_ =	shalt  }
0x5d: {  	_ =	shalt  }
0x5e: {  	_ =	shalt  }
0x5f: {  	_ =	shalt  }
0x60: {  	_ =	shalt  }
0x61: {  	_ =	shalt  }
0x62: {  	_ =	shalt  }
0x63: {  	_ =	shalt  }
0x64: {  	_ =	shalt  }
0x65: {  	_ =	shalt  }
0x66: {  	_ =	shalt  }
0x67: {  	_ =	shalt  }
0x68: {  	_ =	shalt  }
0x69: {  	_ =	shalt  }
0x6a: {  	_ =	shalt  }
0x6b: {  	_ =	shalt  }
0x6c: {  	_ =	shalt  }
0x6d: {  	_ =	shalt  }
0x6e: {  	_ =	shalt  }
0x6f: {  	_ =	shalt  }
0x70: {  	_ =	shalt  }
0x71: {  	_ =	shalt  }
0x72: {  	_ =	shalt  }
0x73: {  	_ =	shalt  }
0x74: {  	_ =	shalt  }
0x75: {  	_ =	shalt  }
0x76: {  	_ =	shalt  }
0x77: {  	_ =	shalt  }
0x78: {  	_ =	shalt  }
0x79: {  	_ =	shalt  }
0x7a: {  	_ =	shalt  }
0x7b: {  	_ =	shalt  }
0x7c: {  	_ =	shalt  }
0x7d: {  	_ =	shalt  }
0x7e: {  	_ =	shalt  }
0x7f: {  	_ =	shalt  }
0x80: {  	_ =	shalt  }
0x81: {  	_ =	shalt  }
0x82: {  	_ =	shalt  }
0x83: {  	_ =	shalt  }
0x84: {  	_ =	shalt  }
0x85: {  	_ =	shalt  }
0x86: {  	_ =	shalt  }
0x87: {  	_ =	shalt  }
.Lfunc_end0:
.L_simem_size_0:
called_computation_lowered:
.L_overlay_start_0:
0x88: {  	s2 =	sld [smem:$0x3FD9]  }
0x89: {  	s3 =	sld [smem:$0x3FFE];
	_ =	sdelay $0x1  }
0x8a: {  	s1 =	srdreg.scid  }
0x8b: {  	s0 =	sand.u32 $0x1, s1  }
0x8c: {  	s17 =	sshll.u32 s0, $0xA;
	s2 =	sadd.s32 s3, s2  }
0x8d: {  	s2 =	sadd.s32 s2, s17  }
0x8e: {  	[smem:$0x3FC5] =	sst s2  }
0x8f: {  	_ = 	snop  }
0x90: {  	s2 =	sld [smem:$0x3FC7]  }
0x91: {  	s18 =	sld [smem:$0x3FD0];
	(tm) =	ssettm $0x1  }
0x92: {  	s4 =	sld [smem:$0x3FFB];
	_ =	sdelay $0x3  }
0x93: {  	_ =	strace s4  }
0x94: {  	s4 =	sld [smem:$0x3FFC];
	_ =	sdelay $0x3  }
0x95: {  	_ =	strace s4  }
0x96: {  	s4 =	sld [smem:$0x3FFD];
	_ =	sdelay $0x3  }
0x97: {  	_ =	strace s4  }
0x98: {  	_ =	strace $0x8FFFFFFF  }
0x99: {  	s19 =	sld [smem:$0x3FDB];
	_ =	sdelay $0x1  }
0x9a: {  	s5 =	simm.s32 $_scs_section_size  }
0x9b: {  	s6 =	simm.s32 $_size__tile_overlayer_lowered;
	s7 =	simm.s32 $_tile_overlayer_lowered  }
0x9c: {  	s22 =	simm.s32 $0x1BFF;
	s21 =	sshll.u32 s7, $0x1;
	s4 =	sadd.s32 s5, s19  }
0x9d: {  	s8 =	simm.s32 $0x0;
	s20 =	sshll.u32 s6, $0x1;
	s6 =	sadd.s32 s21, s4  }
0x9e: {  	[timem:s8], [sflag:s22] =	dma.local [hbm:s6], s20  }
0x9f: {  	_ =	swait.ge [sflag:s22], s20  }
0xa0: {  	s5 =	ssub.s32 $0x0, s20;
	[sflag:s22] =	ssyncset.done $0x0  }
0xa1: {  	[sflag:s22] =	ssyncadd.s32 s5;
	_ =	sdelay $0x1  }
0xa2: {  	s23 =	simm.s32 $0x1B8B  }
0xa3: {  	_ =	swait.ge [sflag:s23], $0x1  }
0xa4: {  	[sflag:s23] =	ssyncset.done $0x0  }
0xa5: {  	s25 =	simm.s32 $0x1B8E;
	s24 =	sld [smem:$0x3FFE];
	[sflag:s23] =	ssyncadd.s32 $0xFFFFFFFF  }
0xa6: {  	s26 =	simm.s32 $execute0_lowered;
	[smem:$0x3FD2] =	sst s25  }
0xa7: {  	s6 =	sshll.u32 s26, $0x1;
	_ =	strace $0x80000046;
	[dreg:$0x1] =	wrdreg $0xFFFFFFFF  }
0xa8: {  	s28 =	simm.s32 $_size_execute0_lowered;
	s4 =	sadd.s32 s4, s6;
	[dreg:$0x0] =	wrdreg $0x0  }
0xa9: {  	s6 =	sshll.u32 s28, $0x1;
	[dreg:$0x2] =	wrdreg s4  }
0xaa: {  	[dreg:$0x3] =	wrdreg s6  }
0xab: {  	[dreg:$0x4] =	wrdreg $0xC0  }
0xac: {  	_ =	task [dreg:s8], $0x5FFFF  }
0xad: {  	[dreg:$0x1] =	wrdreg $0xFFFFFFFF  }
0xae: {  	[dreg:$0x0] =	wrdreg $0x60  }
0xaf: {  	[dreg:$0x2] =	wrdreg s24  }
0xb0: {  	[dreg:$0x3] =	wrdreg s2  }
0xb1: {  	[dreg:$0x4] =	wrdreg s18  }
0xb2: {  	[dreg:$0x5] =	wrdreg $0x9  }
0xb3: {  	_ =	task.clear_ibuf [dreg:s8], $0x6FFFF;
	_ =	strace $0x90000046  }
0xb4: {  	s29 =	simm.s32 $0x9;
	_ =	strace $0x80000048  }
0xb5: {  	_ =	swait.ge [sflag:s29], $0x1  }
0xb6: {  	[sflag:s29] =	ssyncadd.s32 $0xFFFFFFFF  }
0xb7: {  	_ =	strace $0x90000048  }
0xb8: {  	_ =	sfence  }
0xb9: {  	s30 =	sld [smem:$0x0];
	_ =	sdelay $0x2  }
0xba: {  	s31 =	sshll.u32 s1, $0xD;
	s1 =	sshrl.u32 s1, $0x2  }
0xbb: {  	s3 =	sand.u32 $0x4000, s31;
	s1 =	sadd.s32 s1, s30  }
0xbc: {  	s0 =	sor.u32 s3, s0;
	s1 =	sshll.u32 s1, $0x11  }
0xbd: {  	s0 =	sor.u32 s1, s0  }
0xbe: {  	s0 =	sadd.s32 $0x8F2B, s0  }
0xbf: {  	[sflag:s0] =	ssyncadd.remote.s32 $0x1  }
0xc0: {  	_ =	sfence.sel $0xFFFF  }
0xc1: {  	[dreg:$0x0] =	wrdreg $0xFFFFFFFF;
	(pc) =	sbr.abs _section_cstart, $3  }
0xc2: {  	[dreg:$0x1] =	wrdreg $0xFFFFFFFF  }
0xc3: {  	_ =	task.clear_ibuf [dreg:s8], $0x2FFFF;
	_ =	strace $0x9FFFFFFF  }
0xc4: {  	(tm) =	ssettm $0x7FFFFFFF  }
0xc5: {  	_ =	shalt  }
tec
execute0_lowered:
.L_overlay_start_1:
0x0: {  	(tag) =	ssettag $0x1  }
0x1: {  	v0 =	vimm.f32 $1.500000000e+01;
	vm0 =	vcmask $0x300  }
0x2: {  	s4 =	rddreg [dreg:$0x0];
	vm14 =	vcmask $0x704;
	v0 =	vsel vm0, $0x0, v0  }
0x3: {  	s1 =	rddreg [dreg:$0x1];
	vm15 =	vcmask $0xB08;
	v0 =	vsel vm14, $0x3F800000, v0  }
0x4: {  	s2 =	rddreg [dreg:$0x2];
	vm4 =	vcmask $0xF0C;
	v0 =	vsel vm15, $0x40000000, v0  }
0x5: {  	s0 =	rddreg [dreg:$0x3];
	s3 =	simm.s32 $0x0;
	vm5 =	vcmask $0x1310;
	s6 =	srdreg.scid;
	v0 =	vsel vm4, $0x40400000, v0  }
0x6: {  	vm6 =	vcmask $0x1714;
	s10 =	simm.s32 $0x0;
	[smem:$0x7FF] =	sst s3;
	s5 =	sadd.s32 $0x10, s2;
	v0 =	vsel vm5, $0x40800000, v0  }
0x7: {  	vm7 =	vcmask $0x1B18;
	s7 =	sadd.s32 $0x20, s2;
	_ =	strace $0x80000047;
	[dreg:$0x4] =	wrdreg s5;
	v0 =	vsel vm6, $0x40A00000, v0  }
0x8: {  	vm8 =	vcmask $0x1F1C;
	s4 =	sadd.s32 $0x400, s4;
	s23 =	sadd.s32 $0x30, s2;
	[dreg:$0x5] =	wrdreg s7;
	v0 =	vsel vm7, $0x40C00000, v0  }
0x9: {  	vm9 =	vcmask $0x2320;
	s6 =	sand.u32 $0x1, s6;
	s24 =	sadd.s32 $0x40, s2;
	[dreg:$0x6] =	wrdreg s23;
	v0 =	vsel vm8, $0x40E00000, v0  }
0xa: {  	vm10 =	vcmask $0x2724;
	s25 =	sadd.s32 $0x50, s2;
	s26 =	sadd.s32 $0x60, s2;
	[dreg:$0x7] =	wrdreg s24;
	v0 =	vsel vm9, $0x41000000, v0  }
0xb: {  	vm11 =	vcmask $0x2B28;
	s28 =	sadd.s32 $0x70, s2;
	s30 =	sadd.s32 $0x800, s2;
	[dreg:$0x8] =	wrdreg s25;
	v0 =	vsel vm10, $0x41100000, v0  }
0xc: {  	vm12 =	vcmask $0x2F2C;
	s31 =	sadd.s32 $0x870, s2;
	s5 =	stileid.u32;
	[dreg:$0x9] =	wrdreg s26;
	v0 =	vsel vm11, $0x41200000, v0  }
0xd: {  	vm13 =	vcmask $0x3330;
	s8 =	ssub.s32 $0x2, s6;
	[dreg:$0xa] =	wrdreg s28;
	s6 =	sshll.u32 s6, $0x8;
	v0 =	vsel vm12, $0x41300000, v0  }
0xe: {  	[dreg:$0xb] =	wrdreg s30;
	vm14 =	vcmask $0x3734;
	s9 =	sshrl.u32 s8, $0x1;
	s29 =	sshll.u32 s5, $0x9;
	v0 =	vsel vm13, $0x41400000, v0  }
0xf: {  	[dreg:$0xc] =	wrdreg s31;
	vm15 =	vcmask $0x3B38;
	s8 =	ssub.s32 s8, s9;
	s6 =	sor.u32 s6, s29;
	v0 =	vsel vm14, $0x41500000, v0  }
0x10: {  	s9 =	simm.s32 $0x2;
	s7 =	smax.u32 s8, $0x1;
	s8 =	simm.s32 $0x3;
	v0 =	vsel vm15, $0x41600000, v0  }
.LBB2_1:
0x11: {  	[tilespmem:s3], [sflag:$0x3] =	stream.linear.gather [hbm4b:s4+s3], $0x400, $0x38;
	[tilespmem:$0x18800] =	vst v63  }
0x12: {  	_ =	swait.ge [sflag:s8], $0x400  }
0x13: {  	[sflag:s8] =	ssyncset.done $0x0  }
0x14: {  	s11 =	scvt.s32.f32 s6;
	[sflag:s8] =	ssyncadd.s32 $0xFFFFFC00  }
0x15: {  	v1 =	vld [tilespmem:$0x80]  }
0x16: {  	v3 =	vadd.f32 s11, v0  }
0x17: {  	v2 =	vld [tilespmem:$0x0]  }
0x18: {  	v3 =	vmul.f32 $1.220703130e-04, v3  }
0x19: {  	s12 =	sadd.s32 $0x10, s6  }
0x1a: {  	s31 =	scvt.s32.f32 s12;
	v3 =	vmul.f32 v3, v1;
	_ =	sdelay $0x1  }
0x1b: {  	v4 =	vadd.f32 s31, v0;
	v3 =	vadd.f32 v3, v2  }
0x1c: {  	s13 =	simm.s32 $0x80  }
0x1d: {  	s14 =	sadd.s32 $0x10, s12;
	s12 =	simm.s32 $0x0;
	s11 =	simm.s32 $0x40;
	v4 =	vmul.f32 $1.220703130e-04, v4;
	v3 =	vmul.f32 $1.000000000e+04, v3  }
.LBB2_2:
0x1e: {  	s15 =	scvt.s32.f32 s14  }
0x1f: {  	p0 =	sne.s32 s13, $0x3C0;
	v4 =	vmul.f32 v4, v1;
	v3 =	vtrunc.f32 v3;
	s16 =	smov.u32 s13;
	s13 =	sadd.s32 $0x40, s13  }
.Ltmp0:
0x20: {  	v3 =	vcvt.f32.s32 v3;
	(pc) =	sbr.rel @p0 .LBB2_2-.Ltmp0, $4  }
0x21: {  	v5 =	vadd.f32 s15, v0;
	v6 =	vadd.f32 v4, v2;
	s15 =	sshra.s32 s12, $0x2;
	s12 =	smov.u32 s11;
	s11 =	smov.u32 s16  }
0x22: {  	[tilespmem:s15+$0x400] =	vst v3  }
0x23: {  	v4 =	vmul.f32 $1.220703130e-04, v5;
	v3 =	vmul.f32 $1.000000000e+04, v6  }
0x24: {  	s14 =	sadd.s32 $0x10, s14  }
0x25: {  	v1 =	vmul.f32 v4, v1;
	_ =	sdelay $0x1  }
0x26: {  	v1 =	vadd.f32 v1, v2;
	_ =	sdelay $0x1  }
0x27: {  	v1 =	vmul.f32 $1.000000000e+04, v1  }
0x28: {  	v2 =	vtrunc.f32 v3  }
0x29: {  	v2 =	vcvt.f32.s32 v2;
	v1 =	vtrunc.f32 v1  }
0x2a: {  	s12 =	sshra.s32 s12, $0x2;
	v1 =	vcvt.f32.s32 v1  }
0x2b: {  	s11 =	sshra.s32 s11, $0x2;
	s29 =	sadd.s32 $0x0, s6;
	[tilespmem:s12+$0x400] =	vst v2  }
0x2c: {  	s30 =	scvt.s32.f32 s29;
	[tilespmem:s11+$0x400] =	vst v1  }
0x2d: {  	v1 =	vld [tilespmem:$0x180]  }
0x2e: {  	v3 =	vadd.f32 s30, v0  }
0x2f: {  	v2 =	vld [tilespmem:$0x100]  }
0x30: {  	v3 =	vmul.f32 $1.220703130e-04, v3  }
0x31: {  	s31 =	sadd.s32 $0x10, s6  }
0x32: {  	s11 =	scvt.s32.f32 s31;
	v3 =	vmul.f32 v3, v1;
	_ =	sdelay $0x1  }
0x33: {  	v4 =	vadd.f32 s11, v0;
	v3 =	vadd.f32 v3, v2;
	_ =	sdelay $0x1  }
0x34: {  	s13 =	simm.s32 $0x20;
	s12 =	simm.s32 $0x0;
	s11 =	simm.s32 $0x10;
	v4 =	vmul.f32 $1.220703130e-04, v4;
	v3 =	vmul.f32 $1.000000000e+04, v3  }
.LBB2_4:
0x35: {  	s14 =	sadd.s32 s13, s6  }
0x36: {  	p0 =	sne.s32 s13, $0xF0;
	s15 =	smov.u32 s13;
	s13 =	sadd.s32 $0x10, s13  }
.Ltmp1:
0x37: {  	s14 =	scvt.s32.f32 s14;
	v4 =	vmul.f32 v4, v1;
	v3 =	vtrunc.f32 v3;
	(pc) =	sbr.rel @p0 .LBB2_4-.Ltmp1, $4  }
0x38: {  	v3 =	vcvt.f32.s32 v3  }
0x39: {  	v5 =	vadd.f32 s14, v0;
	v6 =	vadd.f32 v4, v2;
	s14 =	sand.u32 $0xF0, s12;
	s12 =	smov.u32 s11;
	s11 =	smov.u32 s15  }
0x3a: {  	[tilespmem:s14+$0x500] =	vst v3  }
0x3b: {  	v4 =	vmul.f32 $1.220703130e-04, v5;
	v3 =	vmul.f32 $1.000000000e+04, v6  }
0x3c: {  	_ = 	snop  }
0x3d: {  	v1 =	vmul.f32 v4, v1;
	_ =	sdelay $0x1  }
0x3e: {  	v1 =	vadd.f32 v1, v2;
	_ =	sdelay $0x1  }
0x3f: {  	v1 =	vmul.f32 $1.000000000e+04, v1  }
0x40: {  	v2 =	vtrunc.f32 v3  }
0x41: {  	v2 =	vcvt.f32.s32 v2;
	v1 =	vtrunc.f32 v1  }
0x42: {  	s12 =	sand.u32 $0xF0, s12;
	v1 =	vcvt.f32.s32 v1  }
0x43: {  	s11 =	sand.u32 $0xF0, s11;
	s29 =	sadd.s32 $0x0, s6;
	[tilespmem:s12+$0x500] =	vst v2  }
0x44: {  	s30 =	scvt.s32.f32 s29;
	[tilespmem:s11+$0x500] =	vst v1  }
0x45: {  	v1 =	vld [tilespmem:$0x280]  }
0x46: {  	v3 =	vadd.f32 s30, v0  }
0x47: {  	v2 =	vld [tilespmem:$0x200]  }
0x48: {  	v3 =	vmul.f32 $1.220703130e-04, v3  }
0x49: {  	s31 =	sadd.s32 $0x10, s6  }
0x4a: {  	s11 =	scvt.s32.f32 s31;
	v3 =	vmul.f32 v3, v1;
	_ =	sdelay $0x1  }
0x4b: {  	v4 =	vadd.f32 s11, v0;
	v3 =	vadd.f32 v3, v2;
	_ =	sdelay $0x1  }
0x4c: {  	s13 =	simm.s32 $0x20;
	s12 =	simm.s32 $0x0;
	s11 =	simm.s32 $0x10;
	v4 =	vmul.f32 $1.220703130e-04, v4;
	v3 =	vmul.f32 $1.000000000e+04, v3  }
.LBB2_6:
0x4d: {  	s14 =	sadd.s32 s13, s6  }
0x4e: {  	p0 =	sne.s32 s13, $0xF0;
	s15 =	smov.u32 s13;
	s13 =	sadd.s32 $0x10, s13  }
.Ltmp2:
0x4f: {  	s14 =	scvt.s32.f32 s14;
	v4 =	vmul.f32 v4, v1;
	v3 =	vtrunc.f32 v3;
	(pc) =	sbr.rel @p0 .LBB2_6-.Ltmp2, $4  }
0x50: {  	v3 =	vcvt.f32.s32 v3  }
0x51: {  	v5 =	vadd.f32 s14, v0;
	v6 =	vadd.f32 v4, v2;
	s14 =	sand.u32 $0xF0, s12;
	s12 =	smov.u32 s11;
	s11 =	smov.u32 s15  }
0x52: {  	[tilespmem:s14+$0x600] =	vst v3  }
0x53: {  	v4 =	vmul.f32 $1.220703130e-04, v5;
	v3 =	vmul.f32 $1.000000000e+04, v6  }
0x54: {  	_ = 	snop  }
0x55: {  	v1 =	vmul.f32 v4, v1;
	_ =	sdelay $0x1  }
0x56: {  	v1 =	vadd.f32 v1, v2;
	_ =	sdelay $0x1  }
0x57: {  	v1 =	vmul.f32 $1.000000000e+04, v1  }
0x58: {  	v2 =	vtrunc.f32 v3  }
0x59: {  	v2 =	vcvt.f32.s32 v2;
	v1 =	vtrunc.f32 v1  }
0x5a: {  	s12 =	sand.u32 $0xF0, s12;
	v1 =	vcvt.f32.s32 v1  }
0x5b: {  	s11 =	sand.u32 $0xF0, s11;
	s29 =	sadd.s32 $0x0, s6;
	[tilespmem:s12+$0x600] =	vst v2  }
0x5c: {  	s30 =	scvt.s32.f32 s29;
	[tilespmem:s11+$0x600] =	vst v1  }
0x5d: {  	v1 =	vld [tilespmem:$0x380]  }
0x5e: {  	v3 =	vadd.f32 s30, v0  }
0x5f: {  	v2 =	vld [tilespmem:$0x300]  }
0x60: {  	v3 =	vmul.f32 $1.220703130e-04, v3  }
0x61: {  	s31 =	sadd.s32 $0x10, s6  }
0x62: {  	s11 =	scvt.s32.f32 s31;
	v3 =	vmul.f32 v3, v1;
	_ =	sdelay $0x1  }
0x63: {  	v4 =	vadd.f32 s11, v0;
	v3 =	vadd.f32 v3, v2  }
0x64: {  	s14 =	simm.s32 $0x20  }
0x65: {  	s13 =	simm.s32 $0x0;
	s12 =	simm.s32 $0x10;
	s11 =	simm.s32 $0x0;
	v4 =	vmul.f32 $1.220703130e-04, v4;
	v3 =	vmul.f32 $1.000000000e+04, v3  }
.LBB2_8:
0x66: {  	s15 =	sadd.s32 s14, s6  }
0x67: {  	p0 =	sne.s32 s14, $0xF0;
	s16 =	smov.u32 s14;
	s14 =	sadd.s32 $0x10, s14  }
.Ltmp3:
0x68: {  	s15 =	scvt.s32.f32 s15;
	v4 =	vmul.f32 v4, v1;
	v3 =	vtrunc.f32 v3;
	(pc) =	sbr.rel @p0 .LBB2_8-.Ltmp3, $4  }
0x69: {  	v3 =	vcvt.f32.s32 v3  }
0x6a: {  	v5 =	vadd.f32 s15, v0;
	v6 =	vadd.f32 v4, v2;
	s15 =	sand.u32 $0xF0, s13;
	s13 =	smov.u32 s12;
	s12 =	smov.u32 s16  }
0x6b: {  	[tilespmem:s15+$0x700] =	vst v3  }
0x6c: {  	v4 =	vmul.f32 $1.220703130e-04, v5;
	v3 =	vmul.f32 $1.000000000e+04, v6  }
0x6d: {  	_ = 	snop  }
0x6e: {  	v1 =	vmul.f32 v4, v1;
	_ =	sdelay $0x1  }
0x6f: {  	v1 =	vadd.f32 v1, v2;
	_ =	sdelay $0x1  }
0x70: {  	v1 =	vmul.f32 $1.000000000e+04, v1  }
0x71: {  	v2 =	vtrunc.f32 v3  }
0x72: {  	v2 =	vcvt.f32.s32 v2;
	v1 =	vtrunc.f32 v1  }
0x73: {  	s13 =	sand.u32 $0xF0, s13;
	v1 =	vcvt.f32.s32 v1  }
0x74: {  	s12 =	sand.u32 $0xF0, s12;
	[tilespmem:s13+$0x700] =	vst v2  }
0x75: {  	s16 =	simm.s32 $0xFFFFFFFF;
	s15 =	simm.s32 $0xFFFFFFFF;
	[tilespmem:s12+$0x700] =	vst v1  }
.LBB2_10:
0x76: {  	s18 =	sshrl.u32 s11, $0x4  }
0x77: {  	s17 =	sshll.u32 s18, $0x8  }
0x78: {  	v1 =	vld [tilespmem:s17+$0x400]  }
0x79: {  	v2 =	vld [tilespmem:s17+$0x4F0];
	_ =	sdelay $0x3  }
0x7a: {  	(v2sf) =	vpush v1, $0x0  }
0x7b: {  	(v2sf) =	vpush v2, $0xF;
	_ =	sdelay $0xc  }
0x7c: {  	s14 =	sand.u32 $0xF, s11  }
0x7d: {  	s24 =	sshll.u32 s14, $0x4;
	s20 =	smin.u32 s14, $0xE;
	s12 =	spop (v2sf)  }
0x7e: {  	s13 =	sor.u32 $0xF0, s17;
	s20 =	sshll.u32 s20, $0x4;
	s19 =	spop (v2sf)  }
0x7f: {  	p0 =	sgt.s32 s12, s19;
	s19 =	sor.u32 s24, s17;
	s12 =	ssub.s32 s13, s24  }
0x80: {  	s25 =	sadd.s32 $0x10, s20;
	s19 =	smov.u32 @p0 s12  }
0x81: {  	s13 =	ssub.s32 s13, s25;
	s12 =	sadd.s32 s17, s25;
	v1 =	vld [tilespmem:s19+$0x400]  }
0x82: {  	s12 =	smov.u32 @p0 s13  }
0x83: {  	v2 =	vld [tilespmem:s12+$0x400];
	_ =	sdelay $0x2  }
0x84: {  	(v2sf) =	vpush v1, $0x0  }
0x85: {  	(v2sf) =	vpush v1, $0xF  }
0x86: {  	(v2sf) =	vpush v2, $0x0  }
0x87: {  	(v2sf) =	vpush v2, $0xF;
	_ =	sdelay $0xb  }
0x88: {  	s20 =	spop (v2sf)  }
0x89: {  	s13 =	spop (v2sf)  }
0x8a: {  	p1 =	seq.s32 s11, $0x0;
	s12 =	spop (v2sf)  }
0x8b: {  	s22 =	simm.s32 @!p1 $0x2;
	s21 =	spop (v2sf)  }
0x8c: {  	_ =	swait.ge @!p1 [sflag:s22], $0x800  }
0x8d: {  	[sflag:s22] =	ssyncset.done @!p1 $0x0  }
0x8e: {  	[sflag:s22] =	ssyncadd.s32 @!p1 $0xFFFFF800  }
0x8f: {  	_ =	swait.ge @!p1 [sflag:s22], $0x800  }
0x90: {  	[sflag:s22] =	ssyncset.done @!p1 $0x0  }
0x91: {  	[sflag:s22] =	ssyncadd.s32 @!p1 $0xFFFFF800  }
0x92: {  	_ =	swait.ge @!p1 [sflag:s22], $0x800  }
0x93: {  	[sflag:s22] =	ssyncset.done @!p1 $0x0  }
0x94: {  	[sflag:s22] =	ssyncadd.s32 @!p1 $0xFFFFF800  }
0x95: {  	_ =	swait.ge @!p1 [sflag:s22], $0x800  }
0x96: {  	[sflag:s22] =	ssyncset.done @!p1 $0x0  }
0x97: {  	[sflag:s22] =	ssyncadd.s32 @!p1 $0xFFFFF800  }
0x98: {  	_ =	swait.ge @!p1 [sflag:s22], $0x800  }
0x99: {  	[sflag:s22] =	ssyncset.done @!p1 $0x0  }
0x9a: {  	[sflag:s22] =	ssyncadd.s32 @!p1 $0xFFFFF800  }
0x9b: {  	_ =	swait.ge @!p1 [sflag:s22], $0x800  }
0x9c: {  	[sflag:s22] =	ssyncset.done @!p1 $0x0  }
0x9d: {  	[sflag:s22] =	ssyncadd.s32 @!p1 $0xFFFFF800  }
0x9e: {  	_ =	swait.ge @!p1 [sflag:s22], $0x800  }
0x9f: {  	[sflag:s22] =	ssyncset.done @!p1 $0x0  }
0xa0: {  	[sflag:s22] =	ssyncadd.s32 @!p1 $0xFFFFF800  }
0xa1: {  	_ =	swait.ge @!p1 [sflag:s22], $0x800  }
0xa2: {  	[sflag:s22] =	ssyncset.done @!p1 $0x0  }
0xa3: {  	[sflag:s22] =	ssyncadd.s32 @!p1 $0xFFFFF800  }
0xa4: {  	_ =	swait.ge @!p1 [sflag:s22], $0x800  }
0xa5: {  	[sflag:s22] =	ssyncset.done @!p1 $0x0  }
0xa6: {  	[sflag:s22] =	ssyncadd.s32 @!p1 $0xFFFFF800  }
0xa7: {  	_ =	swait.ge @!p1 [sflag:s22], $0x800  }
0xa8: {  	[sflag:s22] =	ssyncset.done @!p1 $0x0  }
0xa9: {  	p0 =	seq.s32 s14, $0x0;
	p2 =	sgt.s32 s20, s13;
	[sflag:s22] =	ssyncadd.s32 @!p1 $0xFFFFF800  }
0xaa: {  	s14 =	smov.u32 s13;
	p3 =	slt.s32 s20, s13;
	_ =	swait.ge @!p1 [sflag:s22], $0x800  }
0xab: {  	s23 =	smov.u32 s13;
	s14 =	smov.u32 @p2 s20;
	[sflag:s22] =	ssyncset.done @!p1 $0x0  }
0xac: {  	s23 =	smov.u32 @p3 s20;
	p2 =	sgt.s32 s12, s21;
	[sflag:s22] =	ssyncadd.s32 @!p1 $0xFFFFF800  }
0xad: {  	s23 =	sshrl.u32 s23, $0x3;
	s21 =	smov.u32 @p2 s12;
	_ =	swait.ge @!p1 [sflag:s22], $0x800  }
0xae: {  	s12 =	sshrl.u32 s14, $0x3;
	p2 =	sgt.s32 s21, s14;
	[sflag:s22] =	ssyncset.done @!p1 $0x0  }
0xaf: {  	s14 =	smov.u32 @p2 s21;
	s21 =	sadd.s32 $0xFFFFFFFF, s23;
	[sflag:s22] =	ssyncadd.s32 @!p1 $0xFFFFF800  }
0xb0: {  	s14 =	sshrl.u32 s14, $0x3;
	s15 =	smov.u32 @p0 s21;
	_ =	swait.ge @!p1 [sflag:s22], $0x800  }
0xb1: {  	p2 =	sge.s32 s15, s14;
	[sflag:s22] =	ssyncset.done @!p1 $0x0  }
0xb2: {  	s23 =	sadd.s32 @!p2 $0x1, s15;
	[sflag:s22] =	ssyncadd.s32 @!p1 $0xFFFFF800  }
0xb3: {  	s24 =	smulhi.u32 @!p2 $0x2AAAAAAB, s23;
	s25 =	sshra.s32 @!p2 s23, $0x1F;
	_ =	swait.ge @!p1 [sflag:s22], $0x800  }
0xb4: {  	s25 =	smul.u32 @!p2 $0x2AAAAAAB, s25;
	[sflag:s22] =	ssyncset.done @!p1 $0x0  }
0xb5: {  	s26 =	simm.s32 $0x1;
	p3 =	slt.s32 s15, s14;
	[sflag:s22] =	ssyncadd.s32 @!p1 $0xFFFFF800  }
0xb6: {  	s26 =	simm.s32 @!p3 $0x0;
	s24 =	sadd.s32 @!p2 s25, s24;
	_ =	swait.ge @!p1 [sflag:s22], $0x800  }
0xb7: {  	s15 =	sadd.s32 s26, s15;
	s25 =	sshrl.u32 @!p2 s24, $0x1F;
	[sflag:s22] =	ssyncset.done @!p1 $0x0  }
0xb8: {  	p3 =	sge.s32 s15, s14;
	s24 =	sadd.s32 @!p2 s25, s24;
	[sflag:s22] =	ssyncadd.s32 @!p1 $0xFFFFF800  }
0xb9: {  	s25 =	sadd.s32 @!p3 $0x1, s15;
	s24 =	smul.u32 @!p2 $0x6, s24;
	_ =	swait.ge @!p1 [sflag:s22], $0x800  }
0xba: {  	s26 =	smulhi.u32 @!p3 $0x2AAAAAAB, s25;
	s28 =	sshra.s32 @!p3 s25, $0x1F;
	[sflag:s22] =	ssyncset.done @!p1 $0x0  }
0xbb: {  	[sflag:s22] =	ssyncadd.s32 @!p1 $0xFFFFF800;
	s22 =	smul.u32 @!p3 $0x2AAAAAAB, s28  }
0xbc: {  	s30 =	simm.s32 @!p2 $0x0;
	p1 =	slt.s32 s15, s14;
	s28 =	simm.s32 $0x1  }
0xbd: {  	s24 =	ssub.s32 @!p2 s23, s24;
	s28 =	simm.s32 @!p1 $0x0;
	s22 =	sadd.s32 @!p3 s22, s26  }
0xbe: {  	s23 =	sshll.u32 @!p2 s23, $0xB;
	s15 =	sadd.s32 s28, s15;
	s26 =	sshrl.u32 @!p3 s22, $0x1F  }
0xbf: {  	s23 =	sand.u32 @!p2 $0x1FFFF800, s23;
	p1 =	sge.s32 s15, s14;
	s22 =	sadd.s32 @!p3 s26, s22  }
0xc0: {  	s24 =	sshll.u32 @!p2 s24, $0x10;
	s26 =	sadd.s32 @!p1 $0x1, s15;
	s22 =	smul.u32 @!p3 $0x6, s22  }
0xc1: {  	s24 =	sshra.s32 @!p2 s24, $0x2;
	s28 =	smulhi.u32 @!p1 $0x2AAAAAAB, s26;
	s29 =	sshra.s32 @!p1 s26, $0x1F  }
0xc2: {  	s23 =	sadd.s32 @!p2 s1, s23;
	s24 =	sor.u32 @!p2 $0x800, s24;
	s29 =	smul.u32 @!p1 $0x2AAAAAAB, s29  }
0xc3: {  	[tilespmem:s24], [sflag:$0x1] =	stream.linear.gather @!p2 [hbm4b:s23+s30], $0x4000, $0x38;
	[tilespmem:$0x18800] =	vst v63  }
0xc4: {  	s23 =	sshll.u32 @!p3 s25, $0xB;
	s22 =	ssub.s32 @!p3 s25, s22;
	s24 =	sadd.s32 @!p1 s29, s28  }
0xc5: {  	s23 =	sand.u32 @!p3 $0x1FFFF800, s23;
	s22 =	sshll.u32 @!p3 s22, $0x10;
	s25 =	sshrl.u32 @!p1 s24, $0x1F  }
0xc6: {  	s23 =	sadd.s32 @!p3 s1, s23;
	s22 =	sshra.s32 @!p3 s22, $0x2;
	s24 =	sadd.s32 @!p1 s25, s24  }
0xc7: {  	s22 =	sor.u32 @!p3 $0x800, s22;
	s25 =	simm.s32 @!p3 $0x0;
	s24 =	smul.u32 @!p1 $0x6, s24  }
0xc8: {  	[tilespmem:s22], [sflag:$0x1] =	stream.linear.gather @!p3 [hbm4b:s23+s25], $0x4000, $0x38;
	[tilespmem:$0x18800] =	vst v63  }
0xc9: {  	s22 =	ssub.s32 @!p1 s26, s24  }
0xca: {  	s23 =	sshll.u32 @!p1 s26, $0xB;
	s22 =	sshll.u32 @!p1 s22, $0x10  }
0xcb: {  	s23 =	sand.u32 @!p1 $0x1FFFF800, s23;
	s22 =	sshra.s32 @!p1 s22, $0x2  }
0xcc: {  	s23 =	sadd.s32 @!p1 s1, s23;
	s24 =	simm.s32 @!p1 $0x0;
	s22 =	sor.u32 @!p1 $0x800, s22  }
0xcd: {  	[tilespmem:s22], [sflag:$0x1] =	stream.linear.gather @!p1 [hbm4b:s23+s24], $0x4000, $0x38;
	[tilespmem:$0x18800] =	vst v63  }
0xce: {  	p1 =	slt.s32 s15, s14;
	s22 =	simm.s32 $0x1  }
0xcf: {  	s22 =	simm.s32 @!p1 $0x0  }
0xd0: {  	s15 =	sadd.s32 s22, s15  }
0xd1: {  	p2 =	sge.s32 s15, s14  }
0xd2: {  	s22 =	sadd.s32 @!p2 $0x1, s15  }
0xd3: {  	s23 =	smulhi.u32 @!p2 $0x2AAAAAAB, s22;
	s24 =	sshra.s32 @!p2 s22, $0x1F  }
0xd4: {  	s25 =	simm.s32 $0x1;
	p1 =	slt.s32 s15, s14;
	s24 =	smul.u32 @!p2 $0x2AAAAAAB, s24  }
0xd5: {  	s25 =	simm.s32 @!p1 $0x0  }
0xd6: {  	s15 =	sadd.s32 s25, s15;
	s23 =	sadd.s32 @!p2 s24, s23  }
0xd7: {  	p1 =	sge.s32 s15, s14;
	s24 =	sshrl.u32 @!p2 s23, $0x1F  }
0xd8: {  	s23 =	sadd.s32 @!p2 s24, s23;
	s24 =	sadd.s32 @!p1 $0x1, s15  }
0xd9: {  	s25 =	smulhi.u32 @!p1 $0x2AAAAAAB, s24;
	s26 =	sshra.s32 @!p1 s24, $0x1F  }
0xda: {  	s28 =	simm.s32 $0x1;
	p3 =	slt.s32 s15, s14;
	s26 =	smul.u32 @!p1 $0x2AAAAAAB, s26  }
0xdb: {  	s28 =	simm.s32 @!p3 $0x0;
	s23 =	smul.u32 @!p2 $0x6, s23  }
0xdc: {  	s30 =	simm.s32 @!p2 $0x0;
	s15 =	sadd.s32 s28, s15;
	s25 =	sadd.s32 @!p1 s26, s25  }
0xdd: {  	s23 =	ssub.s32 @!p2 s22, s23;
	s22 =	sshll.u32 @!p2 s22, $0xB;
	s26 =	sshrl.u32 @!p1 s25, $0x1F  }
0xde: {  	p3 =	sge.s32 s15, s14;
	s22 =	sand.u32 @!p2 $0x1FFFF800, s22;
	s25 =	sadd.s32 @!p1 s26, s25  }
0xdf: {  	s23 =	sshll.u32 @!p2 s23, $0x10;
	s26 =	sadd.s32 @!p3 $0x1, s15;
	s25 =	smul.u32 @!p1 $0x6, s25  }
0xe0: {  	s23 =	sshra.s32 @!p2 s23, $0x2;
	s28 =	smulhi.u32 @!p3 $0x2AAAAAAB, s26;
	s29 =	sshra.s32 @!p3 s26, $0x1F  }
0xe1: {  	s22 =	sadd.s32 @!p2 s1, s22;
	s23 =	sor.u32 @!p2 $0x800, s23;
	s29 =	smul.u32 @!p3 $0x2AAAAAAB, s29  }
0xe2: {  	[tilespmem:s23], [sflag:$0x1] =	stream.linear.gather @!p2 [hbm4b:s22+s30], $0x4000, $0x38;
	[tilespmem:$0x18800] =	vst v63  }
0xe3: {  	s23 =	sshll.u32 @!p1 s24, $0xB;
	s22 =	ssub.s32 @!p1 s24, s25;
	s24 =	sadd.s32 @!p3 s29, s28  }
0xe4: {  	s23 =	sand.u32 @!p1 $0x1FFFF800, s23;
	s22 =	sshll.u32 @!p1 s22, $0x10;
	s25 =	sshrl.u32 @!p3 s24, $0x1F  }
0xe5: {  	s23 =	sadd.s32 @!p1 s1, s23;
	s22 =	sshra.s32 @!p1 s22, $0x2;
	s24 =	sadd.s32 @!p3 s25, s24  }
0xe6: {  	s22 =	sor.u32 @!p1 $0x800, s22;
	s25 =	simm.s32 @!p1 $0x0;
	s24 =	smul.u32 @!p3 $0x6, s24  }
0xe7: {  	[tilespmem:s22], [sflag:$0x1] =	stream.linear.gather @!p1 [hbm4b:s23+s25], $0x4000, $0x38;
	[tilespmem:$0x18800] =	vst v63  }
0xe8: {  	s22 =	ssub.s32 @!p3 s26, s24  }
0xe9: {  	s16 =	smov.u32 @p0 s21;
	s23 =	sshll.u32 @!p3 s26, $0xB;
	s22 =	sshll.u32 @!p3 s22, $0x10  }
0xea: {  	p0 =	sge.s32 s16, s12;
	s21 =	sand.u32 @!p3 $0x1FFFF800, s23;
	s22 =	sshra.s32 @!p3 s22, $0x2  }
0xeb: {  	s23 =	simm.s32 @!p3 $0x0;
	s21 =	sadd.s32 @!p3 s1, s21;
	s22 =	sor.u32 @!p3 $0x800, s22  }
0xec: {  	[tilespmem:s22], [sflag:$0x1] =	stream.linear.gather @!p3 [hbm4b:s21+s23], $0x4000, $0x38;
	[tilespmem:$0x18800] =	vst v63  }
0xed: {  	p1 =	slt.s32 s16, s12;
	s21 =	simm.s32 @!p0 $0x1;
	s22 =	simm.s32 $0x1  }
0xee: {  	s18 =	sshll.u32 s18, $0xD;
	_ =	swait.ge @!p0 [sflag:s21], $0x4000;
	s22 =	simm.s32 @!p1 $0x0  }
0xef: {  	s18 =	sor.u32 s6, s18;
	[sflag:s21] =	ssyncset.done @!p0 $0x0;
	s16 =	sadd.s32 s22, s16  }
0xf0: {  	s17 =	ssub.s32 s19, s17;
	[sflag:s21] =	ssyncadd.s32 @!p0 $0xFFFFC000;
	p0 =	sge.s32 s16, s12  }
0xf1: {  	s22 =	simm.s32 $0x1;
	p1 =	slt.s32 s16, s12;
	s21 =	simm.s32 @!p0 $0x1  }
0xf2: {  	s26 =	smulhi.u32 $0xAAAAAAAB, s20;
	s22 =	simm.s32 @!p1 $0x0;
	_ =	swait.ge @!p0 [sflag:s21], $0x4000  }
0xf3: {  	s16 =	sadd.s32 s22, s16;
	s22 =	simm.s32 $0x1;
	[sflag:s21] =	ssyncset.done @!p0 $0x0  }
0xf4: {  	p1 =	slt.s32 s16, s12;
	[sflag:s21] =	ssyncadd.s32 @!p0 $0xFFFFC000;
	p0 =	sge.s32 s16, s12  }
0xf5: {  	s28 =	sshrl.u32 s26, $0x5;
	s22 =	simm.s32 @!p1 $0x0;
	s21 =	simm.s32 @!p0 $0x1  }
0xf6: {  	s16 =	sadd.s32 s22, s16;
	s22 =	simm.s32 $0x1;
	_ =	swait.ge @!p0 [sflag:s21], $0x4000  }
0xf7: {  	p1 =	sge.s32 s16, s12;
	p2 =	slt.s32 s16, s12;
	[sflag:s21] =	ssyncset.done @!p0 $0x0  }
0xf8: {  	s22 =	simm.s32 @!p2 $0x0;
	[sflag:s21] =	ssyncadd.s32 @!p0 $0xFFFFC000;
	s21 =	simm.s32 @!p1 $0x1  }
0xf9: {  	s16 =	sadd.s32 s22, s16;
	s22 =	simm.s32 $0x1;
	_ =	swait.ge @!p1 [sflag:s21], $0x4000  }
0xfa: {  	p2 =	sge.s32 s16, s12;
	p0 =	slt.s32 s16, s12;
	[sflag:s21] =	ssyncset.done @!p1 $0x0  }
0xfb: {  	s22 =	simm.s32 @!p0 $0x0;
	[sflag:s21] =	ssyncadd.s32 @!p1 $0xFFFFC000;
	s21 =	simm.s32 @!p2 $0x1  }
0xfc: {  	s16 =	sadd.s32 s22, s16;
	s22 =	smul.u32 $0x30, s28;
	_ =	swait.ge @!p2 [sflag:s21], $0x4000  }
0xfd: {  	s17 =	sadd.s32 s17, s18;
	[sflag:s21] =	ssyncset.done @!p2 $0x0  }
0xfe: {  	p0 =	sge.s32 s16, s12;
	s29 =	ssub.s32 s20, s22;
	[sflag:s21] =	ssyncadd.s32 @!p2 $0xFFFFC000  }
0xff: {  	s21 =	simm.s32 @!p0 $0x1;
	s30 =	sshll.u32 s29, $0xB;
	s19 =	sshll.u32 s29, $0x7  }
0x100: {  	s18 =	sshll.u32 s17, $0x8;
	_ =	swait.ge @!p0 [sflag:s21], $0x4000;
	s19 =	sor.u32 s19, s30  }
0x101: {  	[sflag:s21] =	ssyncset.done @!p0 $0x0;
	s20 =	sand.u32 $0x1C380, s19;
	s19 =	sand.u32 $0x1FFFFF00, s18  }
0x102: {  	[sflag:s21] =	ssyncadd.s32 @!p0 $0xFFFFC000;
	s31 =	sor.u32 $0x800, s20;
	s22 =	sadd.s32 s2, s19  }
0x103: {  	[hbm4b:s22+s3] =	stream.linear.scatter [tilespmem:s31], [sflag:$0x2], $0x80, $0x38;
	[tilespmem:$0x18800] =	vst v63  }
0x104: {  	s23 =	sor.u32 $0xC00, s20;
	s24 =	sadd.s32 $0x80, s22  }
0x105: {  	[hbm4b:s24+s3] =	stream.linear.scatter [tilespmem:s23], [sflag:$0x2], $0x80, $0x38;
	[tilespmem:$0x18800] =	vst v63  }
0x106: {  	s25 =	sor.u32 $0x1000, s20;
	s26 =	sadd.s32 $0x100, s22  }
0x107: {  	[hbm4b:s26+s3] =	stream.linear.scatter [tilespmem:s25], [sflag:$0x2], $0x80, $0x38;
	[tilespmem:$0x18800] =	vst v63  }
0x108: {  	s28 =	sor.u32 $0x1400, s20;
	s29 =	sadd.s32 $0x180, s22  }
0x109: {  	[hbm4b:s29+s3] =	stream.linear.scatter [tilespmem:s28], [sflag:$0x2], $0x80, $0x38;
	[tilespmem:$0x18800] =	vst v63  }
0x10a: {  	s30 =	sor.u32 $0x1800, s20;
	s31 =	sadd.s32 $0x200, s22  }
0x10b: {  	(v2sf) =	vpush v1, $0x1;
	[hbm4b:s31+s3] =	stream.linear.scatter [tilespmem:s30], [sflag:$0x2], $0x80, $0x38;
	[tilespmem:$0x18800] =	vst v63  }
0x10c: {  	s23 =	sor.u32 $0x1C00, s20;
	s24 =	sadd.s32 $0x280, s22  }
0x10d: {  	[hbm4b:s24+s3] =	stream.linear.scatter [tilespmem:s23], [sflag:$0x2], $0x80, $0x38;
	[tilespmem:$0x18800] =	vst v63  }
0x10e: {  	s25 =	sor.u32 $0x2000, s20;
	s26 =	sadd.s32 $0x300, s22  }
0x10f: {  	[hbm4b:s26+s3] =	stream.linear.scatter [tilespmem:s25], [sflag:$0x2], $0x80, $0x38;
	[tilespmem:$0x18800] =	vst v63  }
0x110: {  	s28 =	sor.u32 $0x2400, s20;
	s29 =	sadd.s32 $0x380, s22  }
0x111: {  	[hbm4b:s29+s3] =	stream.linear.scatter [tilespmem:s28], [sflag:$0x2], $0x80, $0x38;
	[tilespmem:$0x18800] =	vst v63  }
0x112: {  	s30 =	sor.u32 $0x2800, s20;
	s31 =	sadd.s32 $0x400, s22  }
0x113: {  	[hbm4b:s31+s3] =	stream.linear.scatter [tilespmem:s30], [sflag:$0x2], $0x80, $0x38;
	[tilespmem:$0x18800] =	vst v63  }
0x114: {  	s23 =	sor.u32 $0x2C00, s20;
	s24 =	sadd.s32 $0x480, s22  }
0x115: {  	[hbm4b:s24+s3] =	stream.linear.scatter [tilespmem:s23], [sflag:$0x2], $0x80, $0x38;
	[tilespmem:$0x18800] =	vst v63  }
0x116: {  	s25 =	sor.u32 $0x3000, s20;
	s26 =	sadd.s32 $0x500, s22  }
0x117: {  	[hbm4b:s26+s3] =	stream.linear.scatter [tilespmem:s25], [sflag:$0x2], $0x80, $0x38;
	[tilespmem:$0x18800] =	vst v63  }
0x118: {  	s28 =	sor.u32 $0x3400, s20;
	s29 =	sadd.s32 $0x580, s22  }
0x119: {  	[hbm4b:s29+s3] =	stream.linear.scatter [tilespmem:s28], [sflag:$0x2], $0x80, $0x38;
	[tilespmem:$0x18800] =	vst v63  }
0x11a: {  	s30 =	sor.u32 $0x3800, s20;
	s31 =	sadd.s32 $0x600, s22;
	s26 =	spop (v2sf)  }
0x11b: {  	[hbm4b:s31+s3] =	stream.linear.scatter [tilespmem:s30], [sflag:$0x2], $0x80, $0x38;
	[tilespmem:$0x18800] =	vst v63  }
0x11c: {  	s24 =	sor.u32 $0x3C00, s20;
	s25 =	sadd.s32 $0x680, s22;
	s30 =	smulhi.u32 $0xAAAAAAAB, s26  }
0x11d: {  	[hbm4b:s25+s3] =	stream.linear.scatter [tilespmem:s24], [sflag:$0x2], $0x80, $0x38;
	[tilespmem:$0x18800] =	vst v63  }
0x11e: {  	s31 =	sshrl.u32 s30, $0x5  }
0x11f: {  	s28 =	sadd.s32 $0x4000, s20;
	s29 =	sadd.s32 $0x700, s22;
	s23 =	smul.u32 $0x30, s31  }
0x120: {  	[hbm4b:s29+s3] =	stream.linear.scatter [tilespmem:s28], [sflag:$0x2], $0x80, $0x38;
	[tilespmem:$0x18800] =	vst v63  }
0x121: {  	s20 =	sadd.s32 $0x4400, s20;
	s22 =	sadd.s32 $0x780, s22;
	s24 =	ssub.s32 s26, s23  }
0x122: {  	[hbm4b:s22+s3] =	stream.linear.scatter [tilespmem:s20], [sflag:$0x2], $0x80, $0x38;
	[tilespmem:$0x18800] =	vst v63  }
0x123: {  	s21 =	sshll.u32 s24, $0xB;
	s20 =	sshll.u32 s24, $0x7  }
0x124: {  	s20 =	sor.u32 s20, s21  }
0x125: {  	s25 =	rddreg [dreg:$0x4];
	s20 =	sand.u32 $0x1C380, s20  }
0x126: {  	s22 =	sadd.s32 s19, s25;
	s26 =	sor.u32 $0x800, s20  }
0x127: {  	[hbm4b:s22+s3] =	stream.linear.scatter [tilespmem:s26], [sflag:$0x2], $0x80, $0x38;
	[tilespmem:$0x18800] =	vst v63  }
0x128: {  	s29 =	sadd.s32 $0x80, s22;
	s28 =	sor.u32 $0xC00, s20  }
0x129: {  	[hbm4b:s29+s3] =	stream.linear.scatter [tilespmem:s28], [sflag:$0x2], $0x80, $0x38;
	[tilespmem:$0x18800] =	vst v63  }
0x12a: {  	s31 =	sadd.s32 $0x100, s22;
	s30 =	sor.u32 $0x1000, s20  }
0x12b: {  	[hbm4b:s31+s3] =	stream.linear.scatter [tilespmem:s30], [sflag:$0x2], $0x80, $0x38;
	[tilespmem:$0x18800] =	vst v63  }
0x12c: {  	s24 =	sadd.s32 $0x180, s22;
	s23 =	sor.u32 $0x1400, s20  }
0x12d: {  	[hbm4b:s24+s3] =	stream.linear.scatter [tilespmem:s23], [sflag:$0x2], $0x80, $0x38;
	[tilespmem:$0x18800] =	vst v63  }
0x12e: {  	s25 =	sor.u32 $0x1800, s20;
	s26 =	sadd.s32 $0x200, s22  }
0x12f: {  	(v2sf) =	vpush v1, $0x2;
	[hbm4b:s26+s3] =	stream.linear.scatter [tilespmem:s25], [sflag:$0x2], $0x80, $0x38;
	[tilespmem:$0x18800] =	vst v63  }
0x130: {  	s28 =	sor.u32 $0x1C00, s20;
	s29 =	sadd.s32 $0x280, s22  }
0x131: {  	[hbm4b:s29+s3] =	stream.linear.scatter [tilespmem:s28], [sflag:$0x2], $0x80, $0x38;
	[tilespmem:$0x18800] =	vst v63  }
0x132: {  	s30 =	sor.u32 $0x2000, s20;
	s31 =	sadd.s32 $0x300, s22  }
0x133: {  	[hbm4b:s31+s3] =	stream.linear.scatter [tilespmem:s30], [sflag:$0x2], $0x80, $0x38;
	[tilespmem:$0x18800] =	vst v63  }
0x134: {  	s23 =	sor.u32 $0x2400, s20;
	s24 =	sadd.s32 $0x380, s22  }
0x135: {  	[hbm4b:s24+s3] =	stream.linear.scatter [tilespmem:s23], [sflag:$0x2], $0x80, $0x38;
	[tilespmem:$0x18800] =	vst v63  }
0x136: {  	s25 =	sor.u32 $0x2800, s20;
	s26 =	sadd.s32 $0x400, s22  }
0x137: {  	[hbm4b:s26+s3] =	stream.linear.scatter [tilespmem:s25], [sflag:$0x2], $0x80, $0x38;
	[tilespmem:$0x18800] =	vst v63  }
0x138: {  	s28 =	sor.u32 $0x2C00, s20;
	s29 =	sadd.s32 $0x480, s22  }
0x139: {  	[hbm4b:s29+s3] =	stream.linear.scatter [tilespmem:s28], [sflag:$0x2], $0x80, $0x38;
	[tilespmem:$0x18800] =	vst v63  }
0x13a: {  	s30 =	sor.u32 $0x3000, s20;
	s31 =	sadd.s32 $0x500, s22  }
0x13b: {  	[hbm4b:s31+s3] =	stream.linear.scatter [tilespmem:s30], [sflag:$0x2], $0x80, $0x38;
	[tilespmem:$0x18800] =	vst v63  }
0x13c: {  	s24 =	sor.u32 $0x3400, s20;
	s25 =	sadd.s32 $0x580, s22  }
0x13d: {  	[hbm4b:s25+s3] =	stream.linear.scatter [tilespmem:s24], [sflag:$0x2], $0x80, $0x38;
	[tilespmem:$0x18800] =	vst v63  }
0x13e: {  	s26 =	sor.u32 $0x3800, s20;
	s28 =	sadd.s32 $0x600, s22;
	s31 =	spop (v2sf)  }
0x13f: {  	[hbm4b:s28+s3] =	stream.linear.scatter [tilespmem:s26], [sflag:$0x2], $0x80, $0x38;
	[tilespmem:$0x18800] =	vst v63  }
0x140: {  	s29 =	sor.u32 $0x3C00, s20;
	s30 =	sadd.s32 $0x680, s22;
	s26 =	smulhi.u32 $0xAAAAAAAB, s31  }
0x141: {  	[hbm4b:s30+s3] =	stream.linear.scatter [tilespmem:s29], [sflag:$0x2], $0x80, $0x38;
	[tilespmem:$0x18800] =	vst v63  }
0x142: {  	s28 =	sshrl.u32 s26, $0x5  }
0x143: {  	s24 =	sadd.s32 $0x4000, s20;
	s25 =	sadd.s32 $0x700, s22;
	s23 =	smul.u32 $0x30, s28  }
0x144: {  	[hbm4b:s25+s3] =	stream.linear.scatter [tilespmem:s24], [sflag:$0x2], $0x80, $0x38;
	[tilespmem:$0x18800] =	vst v63  }
0x145: {  	s20 =	sadd.s32 $0x4400, s20;
	s22 =	sadd.s32 $0x780, s22;
	s29 =	ssub.s32 s31, s23  }
0x146: {  	[hbm4b:s22+s3] =	stream.linear.scatter [tilespmem:s20], [sflag:$0x2], $0x80, $0x38;
	[tilespmem:$0x18800] =	vst v63  }
0x147: {  	s21 =	sshll.u32 s29, $0xB;
	s20 =	sshll.u32 s29, $0x7  }
0x148: {  	s20 =	sor.u32 s20, s21  }
0x149: {  	s30 =	rddreg [dreg:$0x5];
	s20 =	sand.u32 $0x1C380, s20  }
0x14a: {  	s22 =	sadd.s32 s19, s30;
	s31 =	sor.u32 $0x800, s20  }
0x14b: {  	[hbm4b:s22+s3] =	stream.linear.scatter [tilespmem:s31], [sflag:$0x2], $0x80, $0x38;
	[tilespmem:$0x18800] =	vst v63  }
0x14c: {  	s24 =	sadd.s32 $0x80, s22;
	s23 =	sor.u32 $0xC00, s20  }
0x14d: {  	[hbm4b:s24+s3] =	stream.linear.scatter [tilespmem:s23], [sflag:$0x2], $0x80, $0x38;
	[tilespmem:$0x18800] =	vst v63  }
0x14e: {  	s26 =	sadd.s32 $0x100, s22;
	s25 =	sor.u32 $0x1000, s20  }
0x14f: {  	[hbm4b:s26+s3] =	stream.linear.scatter [tilespmem:s25], [sflag:$0x2], $0x80, $0x38;
	[tilespmem:$0x18800] =	vst v63  }
0x150: {  	s29 =	sadd.s32 $0x180, s22;
	s28 =	sor.u32 $0x1400, s20  }
0x151: {  	[hbm4b:s29+s3] =	stream.linear.scatter [tilespmem:s28], [sflag:$0x2], $0x80, $0x38;
	[tilespmem:$0x18800] =	vst v63  }
0x152: {  	s30 =	sor.u32 $0x1800, s20;
	s31 =	sadd.s32 $0x200, s22  }
0x153: {  	(v2sf) =	vpush v1, $0x3;
	[hbm4b:s31+s3] =	stream.linear.scatter [tilespmem:s30], [sflag:$0x2], $0x80, $0x38;
	[tilespmem:$0x18800] =	vst v63  }
0x154: {  	s23 =	sor.u32 $0x1C00, s20;
	s24 =	sadd.s32 $0x280, s22  }
0x155: {  	[hbm4b:s24+s3] =	stream.linear.scatter [tilespmem:s23], [sflag:$0x2], $0x80, $0x38;
	[tilespmem:$0x18800] =	vst v63  }
0x156: {  	s25 =	sor.u32 $0x2000, s20;
	s26 =	sadd.s32 $0x300, s22  }
0x157: {  	[hbm4b:s26+s3] =	stream.linear.scatter [tilespmem:s25], [sflag:$0x2], $0x80, $0x38;
	[tilespmem:$0x18800] =	vst v63  }
0x158: {  	s28 =	sor.u32 $0x2400, s20;
	s29 =	sadd.s32 $0x380, s22  }
0x159: {  	[hbm4b:s29+s3] =	stream.linear.scatter [tilespmem:s28], [sflag:$0x2], $0x80, $0x38;
	[tilespmem:$0x18800] =	vst v63  }
0x15a: {  	s30 =	sor.u32 $0x2800, s20;
	s31 =	sadd.s32 $0x400, s22  }
0x15b: {  	[hbm4b:s31+s3] =	stream.linear.scatter [tilespmem:s30], [sflag:$0x2], $0x80, $0x38;
	[tilespmem:$0x18800] =	vst v63  }
0x15c: {  	s23 =	sor.u32 $0x2C00, s20;
	s24 =	sadd.s32 $0x480, s22  }
0x15d: {  	[hbm4b:s24+s3] =	stream.linear.scatter [tilespmem:s23], [sflag:$0x2], $0x80, $0x38;
	[tilespmem:$0x18800] =	vst v63  }
0x15e: {  	s25 =	sor.u32 $0x3000, s20;
	s26 =	sadd.s32 $0x500, s22  }
0x15f: {  	[hbm4b:s26+s3] =	stream.linear.scatter [tilespmem:s25], [sflag:$0x2], $0x80, $0x38;
	[tilespmem:$0x18800] =	vst v63  }
0x160: {  	s28 =	sor.u32 $0x3400, s20;
	s29 =	sadd.s32 $0x580, s22  }
0x161: {  	[hbm4b:s29+s3] =	stream.linear.scatter [tilespmem:s28], [sflag:$0x2], $0x80, $0x38;
	[tilespmem:$0x18800] =	vst v63  }
0x162: {  	s30 =	sor.u32 $0x3800, s20;
	s31 =	sadd.s32 $0x600, s22;
	s26 =	spop (v2sf)  }
0x163: {  	[hbm4b:s31+s3] =	stream.linear.scatter [tilespmem:s30], [sflag:$0x2], $0x80, $0x38;
	[tilespmem:$0x18800] =	vst v63  }
0x164: {  	s24 =	sor.u32 $0x3C00, s20;
	s25 =	sadd.s32 $0x680, s22;
	s30 =	smulhi.u32 $0xAAAAAAAB, s26  }
0x165: {  	[hbm4b:s25+s3] =	stream.linear.scatter [tilespmem:s24], [sflag:$0x2], $0x80, $0x38;
	[tilespmem:$0x18800] =	vst v63  }
0x166: {  	s31 =	sshrl.u32 s30, $0x5  }
0x167: {  	s28 =	sadd.s32 $0x4000, s20;
	s29 =	sadd.s32 $0x700, s22;
	s23 =	smul.u32 $0x30, s31  }
0x168: {  	[hbm4b:s29+s3] =	stream.linear.scatter [tilespmem:s28], [sflag:$0x2], $0x80, $0x38;
	[tilespmem:$0x18800] =	vst v63  }
0x169: {  	s20 =	sadd.s32 $0x4400, s20;
	s22 =	sadd.s32 $0x780, s22;
	s24 =	ssub.s32 s26, s23  }
0x16a: {  	[hbm4b:s22+s3] =	stream.linear.scatter [tilespmem:s20], [sflag:$0x2], $0x80, $0x38;
	[tilespmem:$0x18800] =	vst v63  }
0x16b: {  	s21 =	sshll.u32 s24, $0xB;
	s20 =	sshll.u32 s24, $0x7  }
0x16c: {  	s20 =	sor.u32 s20, s21  }
0x16d: {  	s25 =	rddreg [dreg:$0x6];
	s20 =	sand.u32 $0x1C380, s20  }
0x16e: {  	s22 =	sadd.s32 s19, s25;
	s26 =	sor.u32 $0x800, s20  }
0x16f: {  	[hbm4b:s22+s3] =	stream.linear.scatter [tilespmem:s26], [sflag:$0x2], $0x80, $0x38;
	[tilespmem:$0x18800] =	vst v63  }
0x170: {  	s29 =	sadd.s32 $0x80, s22;
	s28 =	sor.u32 $0xC00, s20  }
0x171: {  	[hbm4b:s29+s3] =	stream.linear.scatter [tilespmem:s28], [sflag:$0x2], $0x80, $0x38;
	[tilespmem:$0x18800] =	vst v63  }
0x172: {  	s31 =	sadd.s32 $0x100, s22;
	s30 =	sor.u32 $0x1000, s20  }
0x173: {  	[hbm4b:s31+s3] =	stream.linear.scatter [tilespmem:s30], [sflag:$0x2], $0x80, $0x38;
	[tilespmem:$0x18800] =	vst v63  }
0x174: {  	s24 =	sadd.s32 $0x180, s22;
	s23 =	sor.u32 $0x1400, s20  }
0x175: {  	[hbm4b:s24+s3] =	stream.linear.scatter [tilespmem:s23], [sflag:$0x2], $0x80, $0x38;
	[tilespmem:$0x18800] =	vst v63  }
0x176: {  	s25 =	sor.u32 $0x1800, s20;
	s26 =	sadd.s32 $0x200, s22  }
0x177: {  	(v2sf) =	vpush v1, $0x4;
	[hbm4b:s26+s3] =	stream.linear.scatter [tilespmem:s25], [sflag:$0x2], $0x80, $0x38;
	[tilespmem:$0x18800] =	vst v63  }
0x178: {  	s28 =	sor.u32 $0x1C00, s20;
	s29 =	sadd.s32 $0x280, s22  }
0x179: {  	[hbm4b:s29+s3] =	stream.linear.scatter [tilespmem:s28], [sflag:$0x2], $0x80, $0x38;
	[tilespmem:$0x18800] =	vst v63  }
0x17a: {  	s30 =	sor.u32 $0x2000, s20;
	s31 =	sadd.s32 $0x300, s22  }
0x17b: {  	[hbm4b:s31+s3] =	stream.linear.scatter [tilespmem:s30], [sflag:$0x2], $0x80, $0x38;
	[tilespmem:$0x18800] =	vst v63  }
0x17c: {  	s23 =	sor.u32 $0x2400, s20;
	s24 =	sadd.s32 $0x380, s22  }
0x17d: {  	[hbm4b:s24+s3] =	stream.linear.scatter [tilespmem:s23], [sflag:$0x2], $0x80, $0x38;
	[tilespmem:$0x18800] =	vst v63  }
0x17e: {  	s25 =	sor.u32 $0x2800, s20;
	s26 =	sadd.s32 $0x400, s22  }
0x17f: {  	[hbm4b:s26+s3] =	stream.linear.scatter [tilespmem:s25], [sflag:$0x2], $0x80, $0x38;
	[tilespmem:$0x18800] =	vst v63  }
0x180: {  	s28 =	sor.u32 $0x2C00, s20;
	s29 =	sadd.s32 $0x480, s22  }
0x181: {  	[hbm4b:s29+s3] =	stream.linear.scatter [tilespmem:s28], [sflag:$0x2], $0x80, $0x38;
	[tilespmem:$0x18800] =	vst v63  }
0x182: {  	s30 =	sor.u32 $0x3000, s20;
	s31 =	sadd.s32 $0x500, s22  }
0x183: {  	[hbm4b:s31+s3] =	stream.linear.scatter [tilespmem:s30], [sflag:$0x2], $0x80, $0x38;
	[tilespmem:$0x18800] =	vst v63  }
0x184: {  	s24 =	sor.u32 $0x3400, s20;
	s25 =	sadd.s32 $0x580, s22  }
0x185: {  	[hbm4b:s25+s3] =	stream.linear.scatter [tilespmem:s24], [sflag:$0x2], $0x80, $0x38;
	[tilespmem:$0x18800] =	vst v63  }
0x186: {  	s26 =	sor.u32 $0x3800, s20;
	s28 =	sadd.s32 $0x600, s22;
	s31 =	spop (v2sf)  }
0x187: {  	[hbm4b:s28+s3] =	stream.linear.scatter [tilespmem:s26], [sflag:$0x2], $0x80, $0x38;
	[tilespmem:$0x18800] =	vst v63  }
0x188: {  	s29 =	sor.u32 $0x3C00, s20;
	s30 =	sadd.s32 $0x680, s22;
	s26 =	smulhi.u32 $0xAAAAAAAB, s31  }
0x189: {  	[hbm4b:s30+s3] =	stream.linear.scatter [tilespmem:s29], [sflag:$0x2], $0x80, $0x38;
	[tilespmem:$0x18800] =	vst v63  }
0x18a: {  	s28 =	sshrl.u32 s26, $0x5  }
0x18b: {  	s24 =	sadd.s32 $0x4000, s20;
	s25 =	sadd.s32 $0x700, s22;
	s23 =	smul.u32 $0x30, s28  }
0x18c: {  	[hbm4b:s25+s3] =	stream.linear.scatter [tilespmem:s24], [sflag:$0x2], $0x80, $0x38;
	[tilespmem:$0x18800] =	vst v63  }
0x18d: {  	s20 =	sadd.s32 $0x4400, s20;
	s22 =	sadd.s32 $0x780, s22;
	s29 =	ssub.s32 s31, s23  }
0x18e: {  	[hbm4b:s22+s3] =	stream.linear.scatter [tilespmem:s20], [sflag:$0x2], $0x80, $0x38;
	[tilespmem:$0x18800] =	vst v63  }
0x18f: {  	s21 =	sshll.u32 s29, $0xB;
	s20 =	sshll.u32 s29, $0x7  }
0x190: {  	s20 =	sor.u32 s20, s21  }
0x191: {  	s30 =	rddreg [dreg:$0x7];
	s20 =	sand.u32 $0x1C380, s20  }
0x192: {  	s22 =	sadd.s32 s19, s30;
	s31 =	sor.u32 $0x800, s20  }
0x193: {  	[hbm4b:s22+s3] =	stream.linear.scatter [tilespmem:s31], [sflag:$0x2], $0x80, $0x38;
	[tilespmem:$0x18800] =	vst v63  }
0x194: {  	s24 =	sadd.s32 $0x80, s22;
	s23 =	sor.u32 $0xC00, s20  }
0x195: {  	[hbm4b:s24+s3] =	stream.linear.scatter [tilespmem:s23], [sflag:$0x2], $0x80, $0x38;
	[tilespmem:$0x18800] =	vst v63  }
0x196: {  	s26 =	sadd.s32 $0x100, s22;
	s25 =	sor.u32 $0x1000, s20  }
0x197: {  	[hbm4b:s26+s3] =	stream.linear.scatter [tilespmem:s25], [sflag:$0x2], $0x80, $0x38;
	[tilespmem:$0x18800] =	vst v63  }
0x198: {  	s29 =	sadd.s32 $0x180, s22;
	s28 =	sor.u32 $0x1400, s20  }
0x199: {  	[hbm4b:s29+s3] =	stream.linear.scatter [tilespmem:s28], [sflag:$0x2], $0x80, $0x38;
	[tilespmem:$0x18800] =	vst v63  }
0x19a: {  	s30 =	sor.u32 $0x1800, s20;
	s31 =	sadd.s32 $0x200, s22  }
0x19b: {  	(v2sf) =	vpush v1, $0x5;
	[hbm4b:s31+s3] =	stream.linear.scatter [tilespmem:s30], [sflag:$0x2], $0x80, $0x38;
	[tilespmem:$0x18800] =	vst v63  }
0x19c: {  	s23 =	sor.u32 $0x1C00, s20;
	s24 =	sadd.s32 $0x280, s22  }
0x19d: {  	[hbm4b:s24+s3] =	stream.linear.scatter [tilespmem:s23], [sflag:$0x2], $0x80, $0x38;
	[tilespmem:$0x18800] =	vst v63  }
0x19e: {  	s25 =	sor.u32 $0x2000, s20;
	s26 =	sadd.s32 $0x300, s22  }
0x19f: {  	[hbm4b:s26+s3] =	stream.linear.scatter [tilespmem:s25], [sflag:$0x2], $0x80, $0x38;
	[tilespmem:$0x18800] =	vst v63  }
0x1a0: {  	s28 =	sor.u32 $0x2400, s20;
	s29 =	sadd.s32 $0x380, s22  }
0x1a1: {  	[hbm4b:s29+s3] =	stream.linear.scatter [tilespmem:s28], [sflag:$0x2], $0x80, $0x38;
	[tilespmem:$0x18800] =	vst v63  }
0x1a2: {  	s30 =	sor.u32 $0x2800, s20;
	s31 =	sadd.s32 $0x400, s22  }
0x1a3: {  	[hbm4b:s31+s3] =	stream.linear.scatter [tilespmem:s30], [sflag:$0x2], $0x80, $0x38;
	[tilespmem:$0x18800] =	vst v63  }
0x1a4: {  	s23 =	sor.u32 $0x2C00, s20;
	s24 =	sadd.s32 $0x480, s22  }
0x1a5: {  	[hbm4b:s24+s3] =	stream.linear.scatter [tilespmem:s23], [sflag:$0x2], $0x80, $0x38;
	[tilespmem:$0x18800] =	vst v63  }
0x1a6: {  	s25 =	sor.u32 $0x3000, s20;
	s26 =	sadd.s32 $0x500, s22  }
0x1a7: {  	[hbm4b:s26+s3] =	stream.linear.scatter [tilespmem:s25], [sflag:$0x2], $0x80, $0x38;
	[tilespmem:$0x18800] =	vst v63  }
0x1a8: {  	s28 =	sor.u32 $0x3400, s20;
	s29 =	sadd.s32 $0x580, s22  }
0x1a9: {  	[hbm4b:s29+s3] =	stream.linear.scatter [tilespmem:s28], [sflag:$0x2], $0x80, $0x38;
	[tilespmem:$0x18800] =	vst v63  }
0x1aa: {  	s30 =	sor.u32 $0x3800, s20;
	s31 =	sadd.s32 $0x600, s22;
	s26 =	spop (v2sf)  }
0x1ab: {  	[hbm4b:s31+s3] =	stream.linear.scatter [tilespmem:s30], [sflag:$0x2], $0x80, $0x38;
	[tilespmem:$0x18800] =	vst v63  }
0x1ac: {  	s24 =	sor.u32 $0x3C00, s20;
	s25 =	sadd.s32 $0x680, s22;
	s30 =	smulhi.u32 $0xAAAAAAAB, s26  }
0x1ad: {  	[hbm4b:s25+s3] =	stream.linear.scatter [tilespmem:s24], [sflag:$0x2], $0x80, $0x38;
	[tilespmem:$0x18800] =	vst v63  }
0x1ae: {  	s31 =	sshrl.u32 s30, $0x5  }
0x1af: {  	s28 =	sadd.s32 $0x4000, s20;
	s29 =	sadd.s32 $0x700, s22;
	s23 =	smul.u32 $0x30, s31  }
0x1b0: {  	[hbm4b:s29+s3] =	stream.linear.scatter [tilespmem:s28], [sflag:$0x2], $0x80, $0x38;
	[tilespmem:$0x18800] =	vst v63  }
0x1b1: {  	s20 =	sadd.s32 $0x4400, s20;
	s22 =	sadd.s32 $0x780, s22;
	s24 =	ssub.s32 s26, s23  }
0x1b2: {  	[hbm4b:s22+s3] =	stream.linear.scatter [tilespmem:s20], [sflag:$0x2], $0x80, $0x38;
	[tilespmem:$0x18800] =	vst v63  }
0x1b3: {  	s21 =	sshll.u32 s24, $0xB;
	s20 =	sshll.u32 s24, $0x7  }
0x1b4: {  	s20 =	sor.u32 s20, s21  }
0x1b5: {  	s25 =	rddreg [dreg:$0x8];
	s20 =	sand.u32 $0x1C380, s20  }
0x1b6: {  	s22 =	sadd.s32 s19, s25;
	s26 =	sor.u32 $0x800, s20  }
0x1b7: {  	[hbm4b:s22+s3] =	stream.linear.scatter [tilespmem:s26], [sflag:$0x2], $0x80, $0x38;
	[tilespmem:$0x18800] =	vst v63  }
0x1b8: {  	s29 =	sadd.s32 $0x80, s22;
	s28 =	sor.u32 $0xC00, s20  }
0x1b9: {  	[hbm4b:s29+s3] =	stream.linear.scatter [tilespmem:s28], [sflag:$0x2], $0x80, $0x38;
	[tilespmem:$0x18800] =	vst v63  }
0x1ba: {  	s31 =	sadd.s32 $0x100, s22;
	s30 =	sor.u32 $0x1000, s20  }
0x1bb: {  	[hbm4b:s31+s3] =	stream.linear.scatter [tilespmem:s30], [sflag:$0x2], $0x80, $0x38;
	[tilespmem:$0x18800] =	vst v63  }
0x1bc: {  	s24 =	sadd.s32 $0x180, s22;
	s23 =	sor.u32 $0x1400, s20  }
0x1bd: {  	[hbm4b:s24+s3] =	stream.linear.scatter [tilespmem:s23], [sflag:$0x2], $0x80, $0x38;
	[tilespmem:$0x18800] =	vst v63  }
0x1be: {  	s25 =	sor.u32 $0x1800, s20;
	s26 =	sadd.s32 $0x200, s22  }
0x1bf: {  	(v2sf) =	vpush v1, $0x6;
	[hbm4b:s26+s3] =	stream.linear.scatter [tilespmem:s25], [sflag:$0x2], $0x80, $0x38;
	[tilespmem:$0x18800] =	vst v63  }
0x1c0: {  	s28 =	sor.u32 $0x1C00, s20;
	s29 =	sadd.s32 $0x280, s22  }
0x1c1: {  	[hbm4b:s29+s3] =	stream.linear.scatter [tilespmem:s28], [sflag:$0x2], $0x80, $0x38;
	[tilespmem:$0x18800] =	vst v63  }
0x1c2: {  	s30 =	sor.u32 $0x2000, s20;
	s31 =	sadd.s32 $0x300, s22  }
0x1c3: {  	[hbm4b:s31+s3] =	stream.linear.scatter [tilespmem:s30], [sflag:$0x2], $0x80, $0x38;
	[tilespmem:$0x18800] =	vst v63  }
0x1c4: {  	s23 =	sor.u32 $0x2400, s20;
	s24 =	sadd.s32 $0x380, s22  }
0x1c5: {  	[hbm4b:s24+s3] =	stream.linear.scatter [tilespmem:s23], [sflag:$0x2], $0x80, $0x38;
	[tilespmem:$0x18800] =	vst v63  }
0x1c6: {  	s25 =	sor.u32 $0x2800, s20;
	s26 =	sadd.s32 $0x400, s22  }
0x1c7: {  	[hbm4b:s26+s3] =	stream.linear.scatter [tilespmem:s25], [sflag:$0x2], $0x80, $0x38;
	[tilespmem:$0x18800] =	vst v63  }
0x1c8: {  	s28 =	sor.u32 $0x2C00, s20;
	s29 =	sadd.s32 $0x480, s22  }
0x1c9: {  	[hbm4b:s29+s3] =	stream.linear.scatter [tilespmem:s28], [sflag:$0x2], $0x80, $0x38;
	[tilespmem:$0x18800] =	vst v63  }
0x1ca: {  	s30 =	sor.u32 $0x3000, s20;
	s31 =	sadd.s32 $0x500, s22  }
0x1cb: {  	[hbm4b:s31+s3] =	stream.linear.scatter [tilespmem:s30], [sflag:$0x2], $0x80, $0x38;
	[tilespmem:$0x18800] =	vst v63  }
0x1cc: {  	s24 =	sor.u32 $0x3400, s20;
	s25 =	sadd.s32 $0x580, s22  }
0x1cd: {  	[hbm4b:s25+s3] =	stream.linear.scatter [tilespmem:s24], [sflag:$0x2], $0x80, $0x38;
	[tilespmem:$0x18800] =	vst v63  }
0x1ce: {  	s26 =	sor.u32 $0x3800, s20;
	s28 =	sadd.s32 $0x600, s22;
	s31 =	spop (v2sf)  }
0x1cf: {  	[hbm4b:s28+s3] =	stream.linear.scatter [tilespmem:s26], [sflag:$0x2], $0x80, $0x38;
	[tilespmem:$0x18800] =	vst v63  }
0x1d0: {  	s29 =	sor.u32 $0x3C00, s20;
	s30 =	sadd.s32 $0x680, s22;
	s26 =	smulhi.u32 $0xAAAAAAAB, s31  }
0x1d1: {  	[hbm4b:s30+s3] =	stream.linear.scatter [tilespmem:s29], [sflag:$0x2], $0x80, $0x38;
	[tilespmem:$0x18800] =	vst v63  }
0x1d2: {  	s28 =	sshrl.u32 s26, $0x5  }
0x1d3: {  	s24 =	sadd.s32 $0x4000, s20;
	s25 =	sadd.s32 $0x700, s22;
	s23 =	smul.u32 $0x30, s28  }
0x1d4: {  	[hbm4b:s25+s3] =	stream.linear.scatter [tilespmem:s24], [sflag:$0x2], $0x80, $0x38;
	[tilespmem:$0x18800] =	vst v63  }
0x1d5: {  	s20 =	sadd.s32 $0x4400, s20;
	s22 =	sadd.s32 $0x780, s22;
	s29 =	ssub.s32 s31, s23  }
0x1d6: {  	[hbm4b:s22+s3] =	stream.linear.scatter [tilespmem:s20], [sflag:$0x2], $0x80, $0x38;
	[tilespmem:$0x18800] =	vst v63  }
0x1d7: {  	s21 =	sshll.u32 s29, $0xB;
	s20 =	sshll.u32 s29, $0x7  }
0x1d8: {  	s20 =	sor.u32 s20, s21  }
0x1d9: {  	s30 =	rddreg [dreg:$0x9];
	s20 =	sand.u32 $0x1C380, s20  }
0x1da: {  	s22 =	sadd.s32 s19, s30;
	s31 =	sor.u32 $0x800, s20  }
0x1db: {  	[hbm4b:s22+s3] =	stream.linear.scatter [tilespmem:s31], [sflag:$0x2], $0x80, $0x38;
	[tilespmem:$0x18800] =	vst v63  }
0x1dc: {  	s24 =	sadd.s32 $0x80, s22;
	s23 =	sor.u32 $0xC00, s20  }
0x1dd: {  	[hbm4b:s24+s3] =	stream.linear.scatter [tilespmem:s23], [sflag:$0x2], $0x80, $0x38;
	[tilespmem:$0x18800] =	vst v63  }
0x1de: {  	s26 =	sadd.s32 $0x100, s22;
	s25 =	sor.u32 $0x1000, s20  }
0x1df: {  	[hbm4b:s26+s3] =	stream.linear.scatter [tilespmem:s25], [sflag:$0x2], $0x80, $0x38;
	[tilespmem:$0x18800] =	vst v63  }
0x1e0: {  	s29 =	sadd.s32 $0x180, s22;
	s28 =	sor.u32 $0x1400, s20  }
0x1e1: {  	[hbm4b:s29+s3] =	stream.linear.scatter [tilespmem:s28], [sflag:$0x2], $0x80, $0x38;
	[tilespmem:$0x18800] =	vst v63  }
0x1e2: {  	s30 =	sor.u32 $0x1800, s20;
	s31 =	sadd.s32 $0x200, s22  }
0x1e3: {  	(v2sf) =	vpush v1, $0x7;
	[hbm4b:s31+s3] =	stream.linear.scatter [tilespmem:s30], [sflag:$0x2], $0x80, $0x38;
	[tilespmem:$0x18800] =	vst v63  }
0x1e4: {  	s23 =	sor.u32 $0x1C00, s20;
	s24 =	sadd.s32 $0x280, s22  }
0x1e5: {  	[hbm4b:s24+s3] =	stream.linear.scatter [tilespmem:s23], [sflag:$0x2], $0x80, $0x38;
	[tilespmem:$0x18800] =	vst v63  }
0x1e6: {  	s25 =	sor.u32 $0x2000, s20;
	s26 =	sadd.s32 $0x300, s22  }
0x1e7: {  	[hbm4b:s26+s3] =	stream.linear.scatter [tilespmem:s25], [sflag:$0x2], $0x80, $0x38;
	[tilespmem:$0x18800] =	vst v63  }
0x1e8: {  	s28 =	sor.u32 $0x2400, s20;
	s29 =	sadd.s32 $0x380, s22  }
0x1e9: {  	[hbm4b:s29+s3] =	stream.linear.scatter [tilespmem:s28], [sflag:$0x2], $0x80, $0x38;
	[tilespmem:$0x18800] =	vst v63  }
0x1ea: {  	s30 =	sor.u32 $0x2800, s20;
	s31 =	sadd.s32 $0x400, s22  }
0x1eb: {  	[hbm4b:s31+s3] =	stream.linear.scatter [tilespmem:s30], [sflag:$0x2], $0x80, $0x38;
	[tilespmem:$0x18800] =	vst v63  }
0x1ec: {  	s23 =	sor.u32 $0x2C00, s20;
	s24 =	sadd.s32 $0x480, s22  }
0x1ed: {  	[hbm4b:s24+s3] =	stream.linear.scatter [tilespmem:s23], [sflag:$0x2], $0x80, $0x38;
	[tilespmem:$0x18800] =	vst v63  }
0x1ee: {  	s25 =	sor.u32 $0x3000, s20;
	s26 =	sadd.s32 $0x500, s22  }
0x1ef: {  	[hbm4b:s26+s3] =	stream.linear.scatter [tilespmem:s25], [sflag:$0x2], $0x80, $0x38;
	[tilespmem:$0x18800] =	vst v63  }
0x1f0: {  	s28 =	sor.u32 $0x3400, s20;
	s29 =	sadd.s32 $0x580, s22  }
0x1f1: {  	[hbm4b:s29+s3] =	stream.linear.scatter [tilespmem:s28], [sflag:$0x2], $0x80, $0x38;
	[tilespmem:$0x18800] =	vst v63  }
0x1f2: {  	s30 =	sor.u32 $0x3800, s20;
	s31 =	sadd.s32 $0x600, s22;
	s26 =	spop (v2sf)  }
0x1f3: {  	[hbm4b:s31+s3] =	stream.linear.scatter [tilespmem:s30], [sflag:$0x2], $0x80, $0x38;
	[tilespmem:$0x18800] =	vst v63  }
0x1f4: {  	s24 =	sor.u32 $0x3C00, s20;
	s25 =	sadd.s32 $0x680, s22;
	s30 =	smulhi.u32 $0xAAAAAAAB, s26  }
0x1f5: {  	[hbm4b:s25+s3] =	stream.linear.scatter [tilespmem:s24], [sflag:$0x2], $0x80, $0x38;
	[tilespmem:$0x18800] =	vst v63  }
0x1f6: {  	s31 =	sshrl.u32 s30, $0x5  }
0x1f7: {  	s28 =	sadd.s32 $0x4000, s20;
	s29 =	sadd.s32 $0x700, s22;
	s23 =	smul.u32 $0x30, s31  }
0x1f8: {  	[hbm4b:s29+s3] =	stream.linear.scatter [tilespmem:s28], [sflag:$0x2], $0x80, $0x38;
	[tilespmem:$0x18800] =	vst v63  }
0x1f9: {  	s20 =	sadd.s32 $0x4400, s20;
	s22 =	sadd.s32 $0x780, s22;
	s23 =	ssub.s32 s26, s23  }
0x1fa: {  	[hbm4b:s22+s3] =	stream.linear.scatter [tilespmem:s20], [sflag:$0x2], $0x80, $0x38;
	[tilespmem:$0x18800] =	vst v63  }
0x1fb: {  	s21 =	sshll.u32 s23, $0xB;
	s20 =	sshll.u32 s23, $0x7  }
0x1fc: {  	s20 =	sor.u32 s20, s21  }
0x1fd: {  	s24 =	rddreg [dreg:$0xa];
	s20 =	sand.u32 $0x1C380, s20  }
0x1fe: {  	s19 =	sadd.s32 s19, s24;
	s25 =	sor.u32 $0x800, s20  }
0x1ff: {  	[hbm4b:s19+s3] =	stream.linear.scatter [tilespmem:s25], [sflag:$0x2], $0x80, $0x38;
	[tilespmem:$0x18800] =	vst v63  }
0x200: {  	s22 =	sadd.s32 $0x80, s19;
	s26 =	sor.u32 $0xC00, s20  }
0x201: {  	[hbm4b:s22+s3] =	stream.linear.scatter [tilespmem:s26], [sflag:$0x2], $0x80, $0x38;
	[tilespmem:$0x18800] =	vst v63  }
0x202: {  	s29 =	sadd.s32 $0x100, s19;
	s28 =	sor.u32 $0x1000, s20  }
0x203: {  	[hbm4b:s29+s3] =	stream.linear.scatter [tilespmem:s28], [sflag:$0x2], $0x80, $0x38;
	[tilespmem:$0x18800] =	vst v63  }
0x204: {  	s31 =	sadd.s32 $0x180, s19;
	s30 =	sor.u32 $0x1400, s20  }
0x205: {  	(v2sf) =	vpush v1, $0x8;
	[hbm4b:s31+s3] =	stream.linear.scatter [tilespmem:s30], [sflag:$0x2], $0x80, $0x38;
	[tilespmem:$0x18800] =	vst v63  }
0x206: {  	s24 =	sadd.s32 $0x200, s19;
	s23 =	sor.u32 $0x1800, s20  }
0x207: {  	[hbm4b:s24+s3] =	stream.linear.scatter [tilespmem:s23], [sflag:$0x2], $0x80, $0x38;
	[tilespmem:$0x18800] =	vst v63  }
0x208: {  	s25 =	sor.u32 $0x1C00, s20;
	s26 =	sadd.s32 $0x280, s19  }
0x209: {  	[hbm4b:s26+s3] =	stream.linear.scatter [tilespmem:s25], [sflag:$0x2], $0x80, $0x38;
	[tilespmem:$0x18800] =	vst v63  }
0x20a: {  	s28 =	sor.u32 $0x2000, s20;
	s29 =	sadd.s32 $0x300, s19  }
0x20b: {  	[hbm4b:s29+s3] =	stream.linear.scatter [tilespmem:s28], [sflag:$0x2], $0x80, $0x38;
	[tilespmem:$0x18800] =	vst v63  }
0x20c: {  	s30 =	sor.u32 $0x2400, s20;
	s31 =	sadd.s32 $0x380, s19  }
0x20d: {  	[hbm4b:s31+s3] =	stream.linear.scatter [tilespmem:s30], [sflag:$0x2], $0x80, $0x38;
	[tilespmem:$0x18800] =	vst v63  }
0x20e: {  	s23 =	sor.u32 $0x2800, s20;
	s24 =	sadd.s32 $0x400, s19  }
0x20f: {  	[hbm4b:s24+s3] =	stream.linear.scatter [tilespmem:s23], [sflag:$0x2], $0x80, $0x38;
	[tilespmem:$0x18800] =	vst v63  }
0x210: {  	s25 =	sor.u32 $0x2C00, s20;
	s26 =	sadd.s32 $0x480, s19  }
0x211: {  	[hbm4b:s26+s3] =	stream.linear.scatter [tilespmem:s25], [sflag:$0x2], $0x80, $0x38;
	[tilespmem:$0x18800] =	vst v63  }
0x212: {  	s28 =	sor.u32 $0x3000, s20;
	s29 =	sadd.s32 $0x500, s19  }
0x213: {  	[hbm4b:s29+s3] =	stream.linear.scatter [tilespmem:s28], [sflag:$0x2], $0x80, $0x38;
	[tilespmem:$0x18800] =	vst v63  }
0x214: {  	s30 =	sor.u32 $0x3400, s20;
	s31 =	sadd.s32 $0x580, s19;
	s28 =	spop (v2sf)  }
0x215: {  	[hbm4b:s31+s3] =	stream.linear.scatter [tilespmem:s30], [sflag:$0x2], $0x80, $0x38;
	[tilespmem:$0x18800] =	vst v63  }
0x216: {  	s23 =	sor.u32 $0x3800, s20;
	s24 =	sadd.s32 $0x600, s19;
	s31 =	smulhi.u32 $0xAAAAAAAB, s28  }
0x217: {  	[hbm4b:s24+s3] =	stream.linear.scatter [tilespmem:s23], [sflag:$0x2], $0x80, $0x38;
	[tilespmem:$0x18800] =	vst v63  }
0x218: {  	s25 =	sor.u32 $0x3C00, s20;
	s26 =	sadd.s32 $0x680, s19;
	s24 =	sshrl.u32 s31, $0x5  }
0x219: {  	[hbm4b:s26+s3] =	stream.linear.scatter [tilespmem:s25], [sflag:$0x2], $0x80, $0x38;
	[tilespmem:$0x18800] =	vst v63  }
0x21a: {  	s29 =	sadd.s32 $0x4000, s20;
	s30 =	sadd.s32 $0x700, s19;
	s22 =	smul.u32 $0x30, s24  }
0x21b: {  	[hbm4b:s30+s3] =	stream.linear.scatter [tilespmem:s29], [sflag:$0x2], $0x80, $0x38;
	[tilespmem:$0x18800] =	vst v63  }
0x21c: {  	s20 =	sadd.s32 $0x4400, s20;
	s19 =	sadd.s32 $0x780, s19;
	s25 =	ssub.s32 s28, s22  }
0x21d: {  	[hbm4b:s19+s3] =	stream.linear.scatter [tilespmem:s20], [sflag:$0x2], $0x80, $0x38;
	[tilespmem:$0x18800] =	vst v63  }
0x21e: {  	s26 =	sshll.u32 s25, $0xB;
	s19 =	sshll.u32 s25, $0x7  }
0x21f: {  	s19 =	sor.u32 s19, s26  }
0x220: {  	s18 =	sand.u32 $0x1FFFF700, s18;
	s28 =	rddreg [dreg:$0xb];
	s19 =	sand.u32 $0x1C380, s19  }
0x221: {  	s21 =	sadd.s32 s18, s28;
	s29 =	sor.u32 $0x800, s19  }
0x222: {  	[hbm4b:s21+s3] =	stream.linear.scatter [tilespmem:s29], [sflag:$0x2], $0x80, $0x38;
	[tilespmem:$0x18800] =	vst v63  }
0x223: {  	s31 =	sadd.s32 $0x80, s21;
	s30 =	sor.u32 $0xC00, s19  }
0x224: {  	[hbm4b:s31+s3] =	stream.linear.scatter [tilespmem:s30], [sflag:$0x2], $0x80, $0x38;
	[tilespmem:$0x18800] =	vst v63  }
0x225: {  	s24 =	sadd.s32 $0x100, s21;
	s23 =	sor.u32 $0x1000, s19  }
0x226: {  	[hbm4b:s24+s3] =	stream.linear.scatter [tilespmem:s23], [sflag:$0x2], $0x80, $0x38;
	[tilespmem:$0x18800] =	vst v63  }
0x227: {  	s26 =	sadd.s32 $0x180, s21;
	s25 =	sor.u32 $0x1400, s19  }
0x228: {  	[hbm4b:s26+s3] =	stream.linear.scatter [tilespmem:s25], [sflag:$0x2], $0x80, $0x38;
	[tilespmem:$0x18800] =	vst v63  }
0x229: {  	s28 =	sor.u32 $0x1800, s19;
	s29 =	sadd.s32 $0x200, s21  }
0x22a: {  	(v2sf) =	vpush v1, $0x9;
	[hbm4b:s29+s3] =	stream.linear.scatter [tilespmem:s28], [sflag:$0x2], $0x80, $0x38;
	[tilespmem:$0x18800] =	vst v63  }
0x22b: {  	s30 =	sor.u32 $0x1C00, s19;
	s31 =	sadd.s32 $0x280, s21  }
0x22c: {  	[hbm4b:s31+s3] =	stream.linear.scatter [tilespmem:s30], [sflag:$0x2], $0x80, $0x38;
	[tilespmem:$0x18800] =	vst v63  }
0x22d: {  	s23 =	sor.u32 $0x2000, s19;
	s24 =	sadd.s32 $0x300, s21  }
0x22e: {  	[hbm4b:s24+s3] =	stream.linear.scatter [tilespmem:s23], [sflag:$0x2], $0x80, $0x38;
	[tilespmem:$0x18800] =	vst v63  }
0x22f: {  	s25 =	sor.u32 $0x2400, s19;
	s26 =	sadd.s32 $0x380, s21  }
0x230: {  	[hbm4b:s26+s3] =	stream.linear.scatter [tilespmem:s25], [sflag:$0x2], $0x80, $0x38;
	[tilespmem:$0x18800] =	vst v63  }
0x231: {  	s28 =	sor.u32 $0x2800, s19;
	s29 =	sadd.s32 $0x400, s21  }
0x232: {  	[hbm4b:s29+s3] =	stream.linear.scatter [tilespmem:s28], [sflag:$0x2], $0x80, $0x38;
	[tilespmem:$0x18800] =	vst v63  }
0x233: {  	s30 =	sor.u32 $0x2C00, s19;
	s31 =	sadd.s32 $0x480, s21  }
0x234: {  	[hbm4b:s31+s3] =	stream.linear.scatter [tilespmem:s30], [sflag:$0x2], $0x80, $0x38;
	[tilespmem:$0x18800] =	vst v63  }
0x235: {  	s22 =	sor.u32 $0x3000, s19;
	s23 =	sadd.s32 $0x500, s21;
	s24 =	sor.u32 $0x3400, s19  }
0x236: {  	[hbm4b:s23+s3] =	stream.linear.scatter [tilespmem:s22], [sflag:$0x2], $0x80, $0x38;
	[tilespmem:$0x18800] =	vst v63  }
0x237: {  	s25 =	sadd.s32 $0x580, s21;
	s26 =	sor.u32 $0x3800, s19;
	s28 =	sadd.s32 $0x600, s21  }
0x238: {  	[hbm4b:s25+s3] =	stream.linear.scatter [tilespmem:s24], [sflag:$0x2], $0x80, $0x38;
	[tilespmem:$0x18800] =	vst v63  }
0x239: {  	s29 =	sor.u32 $0x3C00, s19;
	s30 =	sadd.s32 $0x680, s21;
	s31 =	spop (v2sf)  }
0x23a: {  	[hbm4b:s28+s3] =	stream.linear.scatter [tilespmem:s26], [sflag:$0x2], $0x80, $0x38;
	[tilespmem:$0x18800] =	vst v63  }
0x23b: {  	s24 =	sadd.s32 $0x4000, s19;
	s25 =	sadd.s32 $0x700, s21;
	s26 =	smulhi.u32 $0xAAAAAAAB, s31  }
0x23c: {  	[hbm4b:s30+s3] =	stream.linear.scatter [tilespmem:s29], [sflag:$0x2], $0x80, $0x38;
	[tilespmem:$0x18800] =	vst v63  }
0x23d: {  	s19 =	sadd.s32 $0x4400, s19;
	s28 =	sshrl.u32 s26, $0x5;
	s30 =	sor.u32 $0x9, s17  }
0x23e: {  	s21 =	sadd.s32 $0x780, s21;
	s22 =	smul.u32 $0x30, s28;
	s20 =	sshll.u32 s30, $0x7  }
0x23f: {  	[hbm4b:s25+s3] =	stream.linear.scatter [tilespmem:s24], [sflag:$0x2], $0x80, $0x38;
	[tilespmem:$0x18800] =	vst v63  }
0x240: {  	s23 =	sshll.u32 s30, $0xB;
	s20 =	sand.u32 $0x380, s20;
	s29 =	ssub.s32 s31, s22  }
0x241: {  	[hbm4b:s21+s3] =	stream.linear.scatter [tilespmem:s19], [sflag:$0x2], $0x80, $0x38;
	[tilespmem:$0x18800] =	vst v63  }
0x242: {  	s22 =	sand.u32 $0xFFFFC000, s23;
	s31 =	sshll.u32 s29, $0xB;
	s19 =	sshll.u32 s29, $0x7  }
0x243: {  	s20 =	sor.u32 s20, s22;
	s19 =	sor.u32 s19, s31  }
0x244: {  	s20 =	sshrl.u32 s20, $0x3;
	s19 =	sand.u32 $0x1C380, s19  }
0x245: {  	s20 =	sadd.s32 s2, s20;
	s24 =	sor.u32 $0x800, s19  }
0x246: {  	[hbm4b:s20+s3] =	stream.linear.scatter [tilespmem:s24], [sflag:$0x2], $0x80, $0x38;
	[tilespmem:$0x18800] =	vst v63  }
0x247: {  	s25 =	sor.u32 $0xC00, s19;
	s26 =	sadd.s32 $0x80, s20  }
0x248: {  	[hbm4b:s26+s3] =	stream.linear.scatter [tilespmem:s25], [sflag:$0x2], $0x80, $0x38;
	[tilespmem:$0x18800] =	vst v63  }
0x249: {  	s28 =	sor.u32 $0x1000, s19;
	s29 =	sadd.s32 $0x100, s20  }
0x24a: {  	[hbm4b:s29+s3] =	stream.linear.scatter [tilespmem:s28], [sflag:$0x2], $0x80, $0x38;
	[tilespmem:$0x18800] =	vst v63  }
0x24b: {  	s30 =	sor.u32 $0x1400, s19;
	s31 =	sadd.s32 $0x180, s20  }
0x24c: {  	(v2sf) =	vpush v1, $0xA;
	[hbm4b:s31+s3] =	stream.linear.scatter [tilespmem:s30], [sflag:$0x2], $0x80, $0x38;
	[tilespmem:$0x18800] =	vst v63  }
0x24d: {  	s23 =	sor.u32 $0x1800, s19;
	s24 =	sadd.s32 $0x200, s20  }
0x24e: {  	[hbm4b:s24+s3] =	stream.linear.scatter [tilespmem:s23], [sflag:$0x2], $0x80, $0x38;
	[tilespmem:$0x18800] =	vst v63  }
0x24f: {  	s25 =	sor.u32 $0x1C00, s19;
	s26 =	sadd.s32 $0x280, s20  }
0x250: {  	[hbm4b:s26+s3] =	stream.linear.scatter [tilespmem:s25], [sflag:$0x2], $0x80, $0x38;
	[tilespmem:$0x18800] =	vst v63  }
0x251: {  	s28 =	sor.u32 $0x2000, s19;
	s29 =	sadd.s32 $0x300, s20  }
0x252: {  	[hbm4b:s29+s3] =	stream.linear.scatter [tilespmem:s28], [sflag:$0x2], $0x80, $0x38;
	[tilespmem:$0x18800] =	vst v63  }
0x253: {  	s30 =	sor.u32 $0x2400, s19;
	s31 =	sadd.s32 $0x380, s20  }
0x254: {  	[hbm4b:s31+s3] =	stream.linear.scatter [tilespmem:s30], [sflag:$0x2], $0x80, $0x38;
	[tilespmem:$0x18800] =	vst v63  }
0x255: {  	s23 =	sor.u32 $0x2800, s19;
	s24 =	sadd.s32 $0x400, s20  }
0x256: {  	[hbm4b:s24+s3] =	stream.linear.scatter [tilespmem:s23], [sflag:$0x2], $0x80, $0x38;
	[tilespmem:$0x18800] =	vst v63  }
0x257: {  	s25 =	sor.u32 $0x2C00, s19;
	s26 =	sadd.s32 $0x480, s20  }
0x258: {  	[hbm4b:s26+s3] =	stream.linear.scatter [tilespmem:s25], [sflag:$0x2], $0x80, $0x38;
	[tilespmem:$0x18800] =	vst v63  }
0x259: {  	s28 =	sor.u32 $0x3000, s19;
	s29 =	sadd.s32 $0x500, s20;
	s30 =	sor.u32 $0x3400, s19  }
0x25a: {  	[hbm4b:s29+s3] =	stream.linear.scatter [tilespmem:s28], [sflag:$0x2], $0x80, $0x38;
	[tilespmem:$0x18800] =	vst v63  }
0x25b: {  	s31 =	sadd.s32 $0x580, s20;
	s23 =	sor.u32 $0x3800, s19;
	s28 =	spop (v2sf)  }
0x25c: {  	[hbm4b:s31+s3] =	stream.linear.scatter [tilespmem:s30], [sflag:$0x2], $0x80, $0x38;
	[tilespmem:$0x18800] =	vst v63  }
0x25d: {  	s24 =	sadd.s32 $0x600, s20;
	s25 =	sor.u32 $0x3C00, s19;
	s31 =	smulhi.u32 $0xAAAAAAAB, s28  }
0x25e: {  	[hbm4b:s24+s3] =	stream.linear.scatter [tilespmem:s23], [sflag:$0x2], $0x80, $0x38;
	[tilespmem:$0x18800] =	vst v63  }
0x25f: {  	s26 =	sadd.s32 $0x680, s20;
	s29 =	sadd.s32 $0x4000, s19;
	s24 =	sshrl.u32 s31, $0x5  }
0x260: {  	[hbm4b:s26+s3] =	stream.linear.scatter [tilespmem:s25], [sflag:$0x2], $0x80, $0x38;
	[tilespmem:$0x18800] =	vst v63  }
0x261: {  	s19 =	sadd.s32 $0x4400, s19;
	s30 =	sadd.s32 $0x700, s20;
	s22 =	smul.u32 $0x30, s24  }
0x262: {  	[hbm4b:s30+s3] =	stream.linear.scatter [tilespmem:s29], [sflag:$0x2], $0x80, $0x38;
	[tilespmem:$0x18800] =	vst v63  }
0x263: {  	s20 =	sadd.s32 $0x780, s20;
	s26 =	sor.u32 $0xA, s17;
	s25 =	ssub.s32 s28, s22  }
0x264: {  	[hbm4b:s20+s3] =	stream.linear.scatter [tilespmem:s19], [sflag:$0x2], $0x80, $0x38;
	[tilespmem:$0x18800] =	vst v63  }
0x265: {  	s28 =	sshll.u32 s26, $0xB;
	s21 =	sshll.u32 s25, $0xB;
	s20 =	sshll.u32 s26, $0x7  }
0x266: {  	s22 =	sand.u32 $0xFFFFC000, s28;
	s19 =	sshll.u32 s25, $0x7;
	s20 =	sand.u32 $0x380, s20  }
0x267: {  	s19 =	sor.u32 s19, s21;
	s20 =	sor.u32 s20, s22  }
0x268: {  	s19 =	sand.u32 $0x1C380, s19;
	s20 =	sshrl.u32 s20, $0x3  }
0x269: {  	s29 =	sor.u32 $0x800, s19;
	s20 =	sadd.s32 s2, s20  }
0x26a: {  	[hbm4b:s20+s3] =	stream.linear.scatter [tilespmem:s29], [sflag:$0x2], $0x80, $0x38;
	[tilespmem:$0x18800] =	vst v63  }
0x26b: {  	s30 =	sor.u32 $0xC00, s19;
	s31 =	sadd.s32 $0x80, s20  }
0x26c: {  	[hbm4b:s31+s3] =	stream.linear.scatter [tilespmem:s30], [sflag:$0x2], $0x80, $0x38;
	[tilespmem:$0x18800] =	vst v63  }
0x26d: {  	s23 =	sor.u32 $0x1000, s19;
	s24 =	sadd.s32 $0x100, s20  }
0x26e: {  	[hbm4b:s24+s3] =	stream.linear.scatter [tilespmem:s23], [sflag:$0x2], $0x80, $0x38;
	[tilespmem:$0x18800] =	vst v63  }
0x26f: {  	s25 =	sor.u32 $0x1400, s19;
	s26 =	sadd.s32 $0x180, s20  }
0x270: {  	[hbm4b:s26+s3] =	stream.linear.scatter [tilespmem:s25], [sflag:$0x2], $0x80, $0x38;
	[tilespmem:$0x18800] =	vst v63  }
0x271: {  	s28 =	sor.u32 $0x1800, s19;
	s29 =	sadd.s32 $0x200, s20  }
0x272: {  	(v2sf) =	vpush v1, $0xB;
	[hbm4b:s29+s3] =	stream.linear.scatter [tilespmem:s28], [sflag:$0x2], $0x80, $0x38;
	[tilespmem:$0x18800] =	vst v63  }
0x273: {  	s30 =	sor.u32 $0x1C00, s19;
	s31 =	sadd.s32 $0x280, s20  }
0x274: {  	[hbm4b:s31+s3] =	stream.linear.scatter [tilespmem:s30], [sflag:$0x2], $0x80, $0x38;
	[tilespmem:$0x18800] =	vst v63  }
0x275: {  	s23 =	sor.u32 $0x2000, s19;
	s24 =	sadd.s32 $0x300, s20  }
0x276: {  	[hbm4b:s24+s3] =	stream.linear.scatter [tilespmem:s23], [sflag:$0x2], $0x80, $0x38;
	[tilespmem:$0x18800] =	vst v63  }
0x277: {  	s25 =	sor.u32 $0x2400, s19;
	s26 =	sadd.s32 $0x380, s20  }
0x278: {  	[hbm4b:s26+s3] =	stream.linear.scatter [tilespmem:s25], [sflag:$0x2], $0x80, $0x38;
	[tilespmem:$0x18800] =	vst v63  }
0x279: {  	s28 =	sor.u32 $0x2800, s19;
	s29 =	sadd.s32 $0x400, s20  }
0x27a: {  	[hbm4b:s29+s3] =	stream.linear.scatter [tilespmem:s28], [sflag:$0x2], $0x80, $0x38;
	[tilespmem:$0x18800] =	vst v63  }
0x27b: {  	s30 =	sor.u32 $0x2C00, s19;
	s31 =	sadd.s32 $0x480, s20  }
0x27c: {  	[hbm4b:s31+s3] =	stream.linear.scatter [tilespmem:s30], [sflag:$0x2], $0x80, $0x38;
	[tilespmem:$0x18800] =	vst v63  }
0x27d: {  	s22 =	sor.u32 $0x3000, s19;
	s23 =	sadd.s32 $0x500, s20  }
0x27e: {  	[hbm4b:s23+s3] =	stream.linear.scatter [tilespmem:s22], [sflag:$0x2], $0x80, $0x38;
	[tilespmem:$0x18800] =	vst v63  }
0x27f: {  	s24 =	sor.u32 $0x3400, s19;
	s25 =	sadd.s32 $0x580, s20  }
0x280: {  	[hbm4b:s25+s3] =	stream.linear.scatter [tilespmem:s24], [sflag:$0x2], $0x80, $0x38;
	[tilespmem:$0x18800] =	vst v63  }
0x281: {  	s26 =	sor.u32 $0x3800, s19;
	s28 =	sadd.s32 $0x600, s20;
	s31 =	spop (v2sf)  }
0x282: {  	[hbm4b:s28+s3] =	stream.linear.scatter [tilespmem:s26], [sflag:$0x2], $0x80, $0x38;
	[tilespmem:$0x18800] =	vst v63  }
0x283: {  	s29 =	sor.u32 $0x3C00, s19;
	s30 =	sadd.s32 $0x680, s20;
	s26 =	smulhi.u32 $0xAAAAAAAB, s31  }
0x284: {  	[hbm4b:s30+s3] =	stream.linear.scatter [tilespmem:s29], [sflag:$0x2], $0x80, $0x38;
	[tilespmem:$0x18800] =	vst v63  }
0x285: {  	s24 =	sadd.s32 $0x4000, s19;
	s28 =	sshrl.u32 s26, $0x5  }
0x286: {  	s25 =	sadd.s32 $0x700, s20;
	s19 =	sadd.s32 $0x4400, s19;
	s22 =	smul.u32 $0x30, s28  }
0x287: {  	[hbm4b:s25+s3] =	stream.linear.scatter [tilespmem:s24], [sflag:$0x2], $0x80, $0x38;
	[tilespmem:$0x18800] =	vst v63  }
0x288: {  	s20 =	sadd.s32 $0x780, s20;
	s30 =	sor.u32 $0xB, s17;
	s29 =	ssub.s32 s31, s22  }
0x289: {  	[hbm4b:s20+s3] =	stream.linear.scatter [tilespmem:s19], [sflag:$0x2], $0x80, $0x38;
	[tilespmem:$0x18800] =	vst v63  }
0x28a: {  	s31 =	sshll.u32 s30, $0xB;
	s21 =	sshll.u32 s29, $0xB;
	s20 =	sshll.u32 s30, $0x7  }
0x28b: {  	s19 =	sshll.u32 s29, $0x7;
	s22 =	sand.u32 $0xFFFFC000, s31;
	s20 =	sand.u32 $0x380, s20  }
0x28c: {  	s19 =	sor.u32 s19, s21;
	s20 =	sor.u32 s20, s22  }
0x28d: {  	s19 =	sand.u32 $0x1C380, s19;
	s20 =	sshrl.u32 s20, $0x3  }
0x28e: {  	s22 =	sor.u32 $0x800, s19;
	s20 =	sadd.s32 s2, s20  }
0x28f: {  	[hbm4b:s20+s3] =	stream.linear.scatter [tilespmem:s22], [sflag:$0x2], $0x80, $0x38;
	[tilespmem:$0x18800] =	vst v63  }
0x290: {  	s23 =	sor.u32 $0xC00, s19;
	s24 =	sadd.s32 $0x80, s20  }
0x291: {  	[hbm4b:s24+s3] =	stream.linear.scatter [tilespmem:s23], [sflag:$0x2], $0x80, $0x38;
	[tilespmem:$0x18800] =	vst v63  }
0x292: {  	s25 =	sor.u32 $0x1000, s19;
	s26 =	sadd.s32 $0x100, s20  }
0x293: {  	[hbm4b:s26+s3] =	stream.linear.scatter [tilespmem:s25], [sflag:$0x2], $0x80, $0x38;
	[tilespmem:$0x18800] =	vst v63  }
0x294: {  	s28 =	sor.u32 $0x1400, s19;
	s29 =	sadd.s32 $0x180, s20  }
0x295: {  	(v2sf) =	vpush v1, $0xC;
	[hbm4b:s29+s3] =	stream.linear.scatter [tilespmem:s28], [sflag:$0x2], $0x80, $0x38;
	[tilespmem:$0x18800] =	vst v63  }
0x296: {  	s30 =	sor.u32 $0x1800, s19;
	s31 =	sadd.s32 $0x200, s20  }
0x297: {  	[hbm4b:s31+s3] =	stream.linear.scatter [tilespmem:s30], [sflag:$0x2], $0x80, $0x38;
	[tilespmem:$0x18800] =	vst v63  }
0x298: {  	s23 =	sor.u32 $0x1C00, s19;
	s24 =	sadd.s32 $0x280, s20  }
0x299: {  	[hbm4b:s24+s3] =	stream.linear.scatter [tilespmem:s23], [sflag:$0x2], $0x80, $0x38;
	[tilespmem:$0x18800] =	vst v63  }
0x29a: {  	s25 =	sor.u32 $0x2000, s19;
	s26 =	sadd.s32 $0x300, s20  }
0x29b: {  	[hbm4b:s26+s3] =	stream.linear.scatter [tilespmem:s25], [sflag:$0x2], $0x80, $0x38;
	[tilespmem:$0x18800] =	vst v63  }
0x29c: {  	s28 =	sor.u32 $0x2400, s19;
	s29 =	sadd.s32 $0x380, s20  }
0x29d: {  	[hbm4b:s29+s3] =	stream.linear.scatter [tilespmem:s28], [sflag:$0x2], $0x80, $0x38;
	[tilespmem:$0x18800] =	vst v63  }
0x29e: {  	s30 =	sor.u32 $0x2800, s19;
	s31 =	sadd.s32 $0x400, s20  }
0x29f: {  	[hbm4b:s31+s3] =	stream.linear.scatter [tilespmem:s30], [sflag:$0x2], $0x80, $0x38;
	[tilespmem:$0x18800] =	vst v63  }
0x2a0: {  	s23 =	sor.u32 $0x2C00, s19;
	s24 =	sadd.s32 $0x480, s20  }
0x2a1: {  	[hbm4b:s24+s3] =	stream.linear.scatter [tilespmem:s23], [sflag:$0x2], $0x80, $0x38;
	[tilespmem:$0x18800] =	vst v63  }
0x2a2: {  	s25 =	sor.u32 $0x3000, s19;
	s26 =	sadd.s32 $0x500, s20;
	s28 =	sor.u32 $0x3400, s19  }
0x2a3: {  	[hbm4b:s26+s3] =	stream.linear.scatter [tilespmem:s25], [sflag:$0x2], $0x80, $0x38;
	[tilespmem:$0x18800] =	vst v63  }
0x2a4: {  	s29 =	sadd.s32 $0x580, s20;
	s30 =	sor.u32 $0x3800, s19;
	s25 =	spop (v2sf)  }
0x2a5: {  	[hbm4b:s29+s3] =	stream.linear.scatter [tilespmem:s28], [sflag:$0x2], $0x80, $0x38;
	[tilespmem:$0x18800] =	vst v63  }
0x2a6: {  	s31 =	sadd.s32 $0x600, s20;
	s23 =	sor.u32 $0x3C00, s19;
	s29 =	smulhi.u32 $0xAAAAAAAB, s25  }
0x2a7: {  	[hbm4b:s31+s3] =	stream.linear.scatter [tilespmem:s30], [sflag:$0x2], $0x80, $0x38;
	[tilespmem:$0x18800] =	vst v63  }
0x2a8: {  	s24 =	sadd.s32 $0x680, s20;
	s26 =	sadd.s32 $0x4000, s19;
	s30 =	sshrl.u32 s29, $0x5  }
0x2a9: {  	[hbm4b:s24+s3] =	stream.linear.scatter [tilespmem:s23], [sflag:$0x2], $0x80, $0x38;
	[tilespmem:$0x18800] =	vst v63  }
0x2aa: {  	s19 =	sadd.s32 $0x4400, s19;
	s28 =	sadd.s32 $0x700, s20;
	s22 =	smul.u32 $0x30, s30  }
0x2ab: {  	[hbm4b:s28+s3] =	stream.linear.scatter [tilespmem:s26], [sflag:$0x2], $0x80, $0x38;
	[tilespmem:$0x18800] =	vst v63  }
0x2ac: {  	s20 =	sadd.s32 $0x780, s20;
	s31 =	ssub.s32 s25, s22;
	s22 =	sor.u32 $0xC, s17  }
0x2ad: {  	[hbm4b:s20+s3] =	stream.linear.scatter [tilespmem:s19], [sflag:$0x2], $0x80, $0x38;
	[tilespmem:$0x18800] =	vst v63  }
0x2ae: {  	s21 =	sshll.u32 s31, $0xB;
	s23 =	sshll.u32 s22, $0xB;
	s20 =	sshll.u32 s22, $0x7  }
0x2af: {  	s19 =	sshll.u32 s31, $0x7;
	s22 =	sand.u32 $0xFFFFC000, s23;
	s20 =	sand.u32 $0x380, s20  }
0x2b0: {  	s19 =	sor.u32 s19, s21;
	s20 =	sor.u32 s20, s22  }
0x2b1: {  	s19 =	sand.u32 $0x1C380, s19;
	s20 =	sshrl.u32 s20, $0x3  }
0x2b2: {  	s24 =	sor.u32 $0x800, s19;
	s20 =	sadd.s32 s2, s20  }
0x2b3: {  	[hbm4b:s20+s3] =	stream.linear.scatter [tilespmem:s24], [sflag:$0x2], $0x80, $0x38;
	[tilespmem:$0x18800] =	vst v63  }
0x2b4: {  	s25 =	sor.u32 $0xC00, s19;
	s26 =	sadd.s32 $0x80, s20  }
0x2b5: {  	[hbm4b:s26+s3] =	stream.linear.scatter [tilespmem:s25], [sflag:$0x2], $0x80, $0x38;
	[tilespmem:$0x18800] =	vst v63  }
0x2b6: {  	s28 =	sor.u32 $0x1000, s19;
	s29 =	sadd.s32 $0x100, s20  }
0x2b7: {  	[hbm4b:s29+s3] =	stream.linear.scatter [tilespmem:s28], [sflag:$0x2], $0x80, $0x38;
	[tilespmem:$0x18800] =	vst v63  }
0x2b8: {  	s30 =	sor.u32 $0x1400, s19;
	s31 =	sadd.s32 $0x180, s20  }
0x2b9: {  	(v2sf) =	vpush v1, $0xD;
	[hbm4b:s31+s3] =	stream.linear.scatter [tilespmem:s30], [sflag:$0x2], $0x80, $0x38;
	[tilespmem:$0x18800] =	vst v63  }
0x2ba: {  	s23 =	sor.u32 $0x1800, s19;
	s24 =	sadd.s32 $0x200, s20  }
0x2bb: {  	[hbm4b:s24+s3] =	stream.linear.scatter [tilespmem:s23], [sflag:$0x2], $0x80, $0x38;
	[tilespmem:$0x18800] =	vst v63  }
0x2bc: {  	s25 =	sor.u32 $0x1C00, s19;
	s26 =	sadd.s32 $0x280, s20  }
0x2bd: {  	[hbm4b:s26+s3] =	stream.linear.scatter [tilespmem:s25], [sflag:$0x2], $0x80, $0x38;
	[tilespmem:$0x18800] =	vst v63  }
0x2be: {  	s28 =	sor.u32 $0x2000, s19;
	s29 =	sadd.s32 $0x300, s20  }
0x2bf: {  	[hbm4b:s29+s3] =	stream.linear.scatter [tilespmem:s28], [sflag:$0x2], $0x80, $0x38;
	[tilespmem:$0x18800] =	vst v63  }
0x2c0: {  	s30 =	sor.u32 $0x2400, s19;
	s31 =	sadd.s32 $0x380, s20  }
0x2c1: {  	[hbm4b:s31+s3] =	stream.linear.scatter [tilespmem:s30], [sflag:$0x2], $0x80, $0x38;
	[tilespmem:$0x18800] =	vst v63  }
0x2c2: {  	s23 =	sor.u32 $0x2800, s19;
	s24 =	sadd.s32 $0x400, s20  }
0x2c3: {  	[hbm4b:s24+s3] =	stream.linear.scatter [tilespmem:s23], [sflag:$0x2], $0x80, $0x38;
	[tilespmem:$0x18800] =	vst v63  }
0x2c4: {  	s25 =	sor.u32 $0x2C00, s19;
	s26 =	sadd.s32 $0x480, s20  }
0x2c5: {  	[hbm4b:s26+s3] =	stream.linear.scatter [tilespmem:s25], [sflag:$0x2], $0x80, $0x38;
	[tilespmem:$0x18800] =	vst v63  }
0x2c6: {  	s28 =	sor.u32 $0x3000, s19;
	s29 =	sadd.s32 $0x500, s20;
	s30 =	sor.u32 $0x3400, s19  }
0x2c7: {  	[hbm4b:s29+s3] =	stream.linear.scatter [tilespmem:s28], [sflag:$0x2], $0x80, $0x38;
	[tilespmem:$0x18800] =	vst v63  }
0x2c8: {  	s31 =	sadd.s32 $0x580, s20;
	s23 =	sor.u32 $0x3800, s19;
	s28 =	spop (v2sf)  }
0x2c9: {  	[hbm4b:s31+s3] =	stream.linear.scatter [tilespmem:s30], [sflag:$0x2], $0x80, $0x38;
	[tilespmem:$0x18800] =	vst v63  }
0x2ca: {  	s24 =	sadd.s32 $0x600, s20;
	s25 =	sor.u32 $0x3C00, s19;
	s31 =	smulhi.u32 $0xAAAAAAAB, s28  }
0x2cb: {  	[hbm4b:s24+s3] =	stream.linear.scatter [tilespmem:s23], [sflag:$0x2], $0x80, $0x38;
	[tilespmem:$0x18800] =	vst v63  }
0x2cc: {  	s26 =	sadd.s32 $0x680, s20;
	s29 =	sadd.s32 $0x4000, s19;
	s24 =	sshrl.u32 s31, $0x5  }
0x2cd: {  	[hbm4b:s26+s3] =	stream.linear.scatter [tilespmem:s25], [sflag:$0x2], $0x80, $0x38;
	[tilespmem:$0x18800] =	vst v63  }
0x2ce: {  	s19 =	sadd.s32 $0x4400, s19;
	s30 =	sadd.s32 $0x700, s20;
	s22 =	smul.u32 $0x30, s24  }
0x2cf: {  	[hbm4b:s30+s3] =	stream.linear.scatter [tilespmem:s29], [sflag:$0x2], $0x80, $0x38;
	[tilespmem:$0x18800] =	vst v63  }
0x2d0: {  	s20 =	sadd.s32 $0x780, s20;
	s26 =	sor.u32 $0xD, s17;
	s25 =	ssub.s32 s28, s22  }
0x2d1: {  	[hbm4b:s20+s3] =	stream.linear.scatter [tilespmem:s19], [sflag:$0x2], $0x80, $0x38;
	[tilespmem:$0x18800] =	vst v63  }
0x2d2: {  	s28 =	sshll.u32 s26, $0xB;
	s21 =	sshll.u32 s25, $0xB;
	s20 =	sshll.u32 s26, $0x7  }
0x2d3: {  	s22 =	sand.u32 $0xFFFFC000, s28;
	s19 =	sshll.u32 s25, $0x7;
	s20 =	sand.u32 $0x380, s20  }
0x2d4: {  	s19 =	sor.u32 s19, s21;
	s20 =	sor.u32 s20, s22  }
0x2d5: {  	s19 =	sand.u32 $0x1C380, s19;
	s20 =	sshrl.u32 s20, $0x3  }
0x2d6: {  	s29 =	sor.u32 $0x800, s19;
	s20 =	sadd.s32 s2, s20  }
0x2d7: {  	[hbm4b:s20+s3] =	stream.linear.scatter [tilespmem:s29], [sflag:$0x2], $0x80, $0x38;
	[tilespmem:$0x18800] =	vst v63  }
0x2d8: {  	s30 =	sor.u32 $0xC00, s19;
	s31 =	sadd.s32 $0x80, s20  }
0x2d9: {  	[hbm4b:s31+s3] =	stream.linear.scatter [tilespmem:s30], [sflag:$0x2], $0x80, $0x38;
	[tilespmem:$0x18800] =	vst v63  }
0x2da: {  	s23 =	sor.u32 $0x1000, s19;
	s24 =	sadd.s32 $0x100, s20  }
0x2db: {  	[hbm4b:s24+s3] =	stream.linear.scatter [tilespmem:s23], [sflag:$0x2], $0x80, $0x38;
	[tilespmem:$0x18800] =	vst v63  }
0x2dc: {  	s25 =	sor.u32 $0x1400, s19;
	s26 =	sadd.s32 $0x180, s20  }
0x2dd: {  	(v2sf) =	vpush v1, $0xE;
	[hbm4b:s26+s3] =	stream.linear.scatter [tilespmem:s25], [sflag:$0x2], $0x80, $0x38;
	[tilespmem:$0x18800] =	vst v63  }
0x2de: {  	s28 =	sor.u32 $0x1800, s19;
	s29 =	sadd.s32 $0x200, s20  }
0x2df: {  	[hbm4b:s29+s3] =	stream.linear.scatter [tilespmem:s28], [sflag:$0x2], $0x80, $0x38;
	[tilespmem:$0x18800] =	vst v63  }
0x2e0: {  	s30 =	sor.u32 $0x1C00, s19;
	s31 =	sadd.s32 $0x280, s20  }
0x2e1: {  	[hbm4b:s31+s3] =	stream.linear.scatter [tilespmem:s30], [sflag:$0x2], $0x80, $0x38;
	[tilespmem:$0x18800] =	vst v63  }
0x2e2: {  	s23 =	sor.u32 $0x2000, s19;
	s24 =	sadd.s32 $0x300, s20  }
0x2e3: {  	[hbm4b:s24+s3] =	stream.linear.scatter [tilespmem:s23], [sflag:$0x2], $0x80, $0x38;
	[tilespmem:$0x18800] =	vst v63  }
0x2e4: {  	s17 =	sor.u32 $0xE, s17;
	s25 =	sor.u32 $0x2400, s19;
	s26 =	sadd.s32 $0x380, s20  }
0x2e5: {  	[hbm4b:s26+s3] =	stream.linear.scatter [tilespmem:s25], [sflag:$0x2], $0x80, $0x38;
	[tilespmem:$0x18800] =	vst v63  }
0x2e6: {  	s22 =	sor.u32 $0x3000, s19;
	s28 =	sor.u32 $0x2800, s19;
	s29 =	sadd.s32 $0x400, s20  }
0x2e7: {  	[hbm4b:s29+s3] =	stream.linear.scatter [tilespmem:s28], [sflag:$0x2], $0x80, $0x38;
	[tilespmem:$0x18800] =	vst v63  }
0x2e8: {  	s30 =	sor.u32 $0x2C00, s19;
	s31 =	sadd.s32 $0x480, s20;
	s23 =	sadd.s32 $0x500, s20  }
0x2e9: {  	[hbm4b:s31+s3] =	stream.linear.scatter [tilespmem:s30], [sflag:$0x2], $0x80, $0x38;
	[tilespmem:$0x18800] =	vst v63  }
0x2ea: {  	s24 =	sor.u32 $0x3400, s19;
	s25 =	sadd.s32 $0x580, s20;
	s26 =	sor.u32 $0x3800, s19  }
0x2eb: {  	[hbm4b:s23+s3] =	stream.linear.scatter [tilespmem:s22], [sflag:$0x2], $0x80, $0x38;
	[tilespmem:$0x18800] =	vst v63  }
0x2ec: {  	s28 =	sadd.s32 $0x600, s20;
	s29 =	sor.u32 $0x3C00, s19;
	s31 =	spop (v2sf)  }
0x2ed: {  	[hbm4b:s25+s3] =	stream.linear.scatter [tilespmem:s24], [sflag:$0x2], $0x80, $0x38;
	[tilespmem:$0x18800] =	vst v63  }
0x2ee: {  	s30 =	sadd.s32 $0x680, s20;
	s23 =	sadd.s32 $0x4000, s19;
	s25 =	smulhi.u32 $0xAAAAAAAB, s31  }
0x2ef: {  	[hbm4b:s28+s3] =	stream.linear.scatter [tilespmem:s26], [sflag:$0x2], $0x80, $0x38;
	[tilespmem:$0x18800] =	vst v63  }
0x2f0: {  	s19 =	sadd.s32 $0x4400, s19;
	s24 =	sadd.s32 $0x700, s20;
	s26 =	sshrl.u32 s25, $0x5  }
0x2f1: {  	[hbm4b:s30+s3] =	stream.linear.scatter [tilespmem:s29], [sflag:$0x2], $0x80, $0x38;
	[tilespmem:$0x18800] =	vst v63  }
0x2f2: {  	s20 =	sadd.s32 $0x780, s20;
	s22 =	smul.u32 $0x30, s26;
	s30 =	sshll.u32 s17, $0xB  }
0x2f3: {  	[hbm4b:s24+s3] =	stream.linear.scatter [tilespmem:s23], [sflag:$0x2], $0x80, $0x38;
	[tilespmem:$0x18800] =	vst v63  }
0x2f4: {  	s17 =	sshll.u32 s17, $0x7;
	s28 =	ssub.s32 s31, s22;
	s21 =	sand.u32 $0xFFFFC000, s30  }
0x2f5: {  	[hbm4b:s20+s3] =	stream.linear.scatter [tilespmem:s19], [sflag:$0x2], $0x80, $0x38;
	[tilespmem:$0x18800] =	vst v63  }
0x2f6: {  	s17 =	sand.u32 $0x380, s17;
	s29 =	sshll.u32 s28, $0xB;
	s19 =	sshll.u32 s28, $0x7  }
0x2f7: {  	s17 =	sor.u32 s17, s21;
	s19 =	sor.u32 s19, s29  }
0x2f8: {  	s17 =	sshrl.u32 s17, $0x3;
	s19 =	sand.u32 $0x1C380, s19  }
0x2f9: {  	s17 =	sadd.s32 s2, s17;
	s31 =	sor.u32 $0x800, s19  }
0x2fa: {  	[hbm4b:s17+s3] =	stream.linear.scatter [tilespmem:s31], [sflag:$0x2], $0x80, $0x38;
	[tilespmem:$0x18800] =	vst v63  }
0x2fb: {  	s22 =	sadd.s32 $0x80, s17;
	s21 =	sor.u32 $0xC00, s19  }
0x2fc: {  	[hbm4b:s22+s3] =	stream.linear.scatter [tilespmem:s21], [sflag:$0x2], $0x80, $0x38;
	[tilespmem:$0x18800] =	vst v63  }
0x2fd: {  	s24 =	sadd.s32 $0x100, s17;
	s23 =	sor.u32 $0x1000, s19  }
0x2fe: {  	[hbm4b:s24+s3] =	stream.linear.scatter [tilespmem:s23], [sflag:$0x2], $0x80, $0x38;
	[tilespmem:$0x18800] =	vst v63  }
0x2ff: {  	s26 =	sadd.s32 $0x180, s17;
	s25 =	sor.u32 $0x1400, s19  }
0x300: {  	[hbm4b:s26+s3] =	stream.linear.scatter [tilespmem:s25], [sflag:$0x2], $0x80, $0x38;
	[tilespmem:$0x18800] =	vst v63  }
0x301: {  	s29 =	sadd.s32 $0x200, s17;
	s28 =	sor.u32 $0x1800, s19  }
0x302: {  	[hbm4b:s29+s3] =	stream.linear.scatter [tilespmem:s28], [sflag:$0x2], $0x80, $0x38;
	[tilespmem:$0x18800] =	vst v63  }
0x303: {  	s30 =	sor.u32 $0x1C00, s19;
	s31 =	sadd.s32 $0x280, s17  }
0x304: {  	[hbm4b:s31+s3] =	stream.linear.scatter [tilespmem:s30], [sflag:$0x2], $0x80, $0x38;
	[tilespmem:$0x18800] =	vst v63  }
0x305: {  	s21 =	sor.u32 $0x2000, s19;
	s22 =	sadd.s32 $0x300, s17  }
0x306: {  	[hbm4b:s22+s3] =	stream.linear.scatter [tilespmem:s21], [sflag:$0x2], $0x80, $0x38;
	[tilespmem:$0x18800] =	vst v63  }
0x307: {  	s23 =	sor.u32 $0x2400, s19;
	s24 =	sadd.s32 $0x380, s17  }
0x308: {  	[hbm4b:s24+s3] =	stream.linear.scatter [tilespmem:s23], [sflag:$0x2], $0x80, $0x38;
	[tilespmem:$0x18800] =	vst v63  }
0x309: {  	s25 =	sor.u32 $0x2800, s19;
	s26 =	sadd.s32 $0x400, s17  }
0x30a: {  	[hbm4b:s26+s3] =	stream.linear.scatter [tilespmem:s25], [sflag:$0x2], $0x80, $0x38;
	[tilespmem:$0x18800] =	vst v63  }
0x30b: {  	s28 =	sor.u32 $0x2C00, s19;
	s29 =	sadd.s32 $0x480, s17  }
0x30c: {  	[hbm4b:s29+s3] =	stream.linear.scatter [tilespmem:s28], [sflag:$0x2], $0x80, $0x38;
	[tilespmem:$0x18800] =	vst v63  }
0x30d: {  	s30 =	sor.u32 $0x3000, s19;
	s31 =	sadd.s32 $0x500, s17  }
0x30e: {  	[hbm4b:s31+s3] =	stream.linear.scatter [tilespmem:s30], [sflag:$0x2], $0x80, $0x38;
	[tilespmem:$0x18800] =	vst v63  }
0x30f: {  	s22 =	sor.u32 $0x3400, s19;
	s23 =	sadd.s32 $0x580, s17;
	s31 =	smulhi.u32 $0xAAAAAAAB, s13  }
0x310: {  	[hbm4b:s23+s3] =	stream.linear.scatter [tilespmem:s22], [sflag:$0x2], $0x80, $0x38;
	[tilespmem:$0x18800] =	vst v63  }
0x311: {  	s22 =	sshrl.u32 s31, $0x5  }
0x312: {  	s24 =	sor.u32 $0x3800, s19;
	s25 =	sadd.s32 $0x600, s17;
	s20 =	smul.u32 $0x30, s22  }
0x313: {  	[hbm4b:s25+s3] =	stream.linear.scatter [tilespmem:s24], [sflag:$0x2], $0x80, $0x38;
	[tilespmem:$0x18800] =	vst v63  }
0x314: {  	s26 =	sor.u32 $0x3C00, s19;
	s28 =	sadd.s32 $0x680, s17;
	s13 =	ssub.s32 s13, s20  }
0x315: {  	[hbm4b:s28+s3] =	stream.linear.scatter [tilespmem:s26], [sflag:$0x2], $0x80, $0x38;
	[tilespmem:$0x18800] =	vst v63  }
0x316: {  	s29 =	sadd.s32 $0x4000, s19;
	s23 =	sshll.u32 s13, $0xB;
	s13 =	sshll.u32 s13, $0x7  }
0x317: {  	s19 =	sadd.s32 $0x4400, s19;
	s30 =	sadd.s32 $0x700, s17;
	s13 =	sor.u32 s13, s23  }
0x318: {  	[hbm4b:s30+s3] =	stream.linear.scatter [tilespmem:s29], [sflag:$0x2], $0x80, $0x38;
	[tilespmem:$0x18800] =	vst v63  }
0x319: {  	s17 =	sadd.s32 $0x780, s17;
	s24 =	rddreg [dreg:$0xc];
	s13 =	sand.u32 $0x1C380, s13  }
0x31a: {  	[hbm4b:s17+s3] =	stream.linear.scatter [tilespmem:s19], [sflag:$0x2], $0x80, $0x38;
	[tilespmem:$0x18800] =	vst v63  }
0x31b: {  	s18 =	sadd.s32 s18, s24;
	s25 =	sor.u32 $0x800, s13  }
0x31c: {  	[hbm4b:s18+s3] =	stream.linear.scatter [tilespmem:s25], [sflag:$0x2], $0x80, $0x38;
	[tilespmem:$0x18800] =	vst v63  }
0x31d: {  	s26 =	sor.u32 $0xC00, s13;
	s19 =	sadd.s32 $0x80, s18  }
0x31e: {  	[hbm4b:s19+s3] =	stream.linear.scatter [tilespmem:s26], [sflag:$0x2], $0x80, $0x38;
	[tilespmem:$0x18800] =	vst v63  }
0x31f: {  	s29 =	sadd.s32 $0x100, s18;
	s28 =	sor.u32 $0x1000, s13  }
0x320: {  	[hbm4b:s29+s3] =	stream.linear.scatter [tilespmem:s28], [sflag:$0x2], $0x80, $0x38;
	[tilespmem:$0x18800] =	vst v63  }
0x321: {  	s31 =	sadd.s32 $0x180, s18;
	s30 =	sor.u32 $0x1400, s13  }
0x322: {  	[hbm4b:s31+s3] =	stream.linear.scatter [tilespmem:s30], [sflag:$0x2], $0x80, $0x38;
	[tilespmem:$0x18800] =	vst v63  }
0x323: {  	s20 =	sadd.s32 $0x200, s18;
	s19 =	sor.u32 $0x1800, s13  }
0x324: {  	[hbm4b:s20+s3] =	stream.linear.scatter [tilespmem:s19], [sflag:$0x2], $0x80, $0x38;
	[tilespmem:$0x18800] =	vst v63  }
0x325: {  	s22 =	sadd.s32 $0x280, s18;
	s21 =	sor.u32 $0x1C00, s13  }
0x326: {  	[hbm4b:s22+s3] =	stream.linear.scatter [tilespmem:s21], [sflag:$0x2], $0x80, $0x38;
	[tilespmem:$0x18800] =	vst v63  }
0x327: {  	s24 =	sadd.s32 $0x300, s18;
	s23 =	sor.u32 $0x2000, s13  }
0x328: {  	[hbm4b:s24+s3] =	stream.linear.scatter [tilespmem:s23], [sflag:$0x2], $0x80, $0x38;
	[tilespmem:$0x18800] =	vst v63  }
0x329: {  	s11 =	sadd.s32 $0x1, s11;
	s25 =	sor.u32 $0x2400, s13;
	s26 =	sadd.s32 $0x380, s18  }
0x32a: {  	[hbm4b:s26+s3] =	stream.linear.scatter [tilespmem:s25], [sflag:$0x2], $0x80, $0x38;
	[tilespmem:$0x18800] =	vst v63  }
0x32b: {  	p1 =	slt.s32 s16, s12;
	s28 =	sor.u32 $0x2800, s13;
	s29 =	sadd.s32 $0x400, s18  }
0x32c: {  	[hbm4b:s29+s3] =	stream.linear.scatter [tilespmem:s28], [sflag:$0x2], $0x80, $0x38;
	[tilespmem:$0x18800] =	vst v63  }
0x32d: {  	s12 =	simm.s32 $0x1;
	s30 =	sor.u32 $0x2C00, s13;
	s31 =	sadd.s32 $0x480, s18  }
0x32e: {  	[hbm4b:s31+s3] =	stream.linear.scatter [tilespmem:s30], [sflag:$0x2], $0x80, $0x38;
	[tilespmem:$0x18800] =	vst v63  }
0x32f: {  	p0 =	slt.s32 s15, s14;
	s20 =	sor.u32 $0x3000, s13;
	s21 =	sadd.s32 $0x500, s18  }
0x330: {  	[hbm4b:s21+s3] =	stream.linear.scatter [tilespmem:s20], [sflag:$0x2], $0x80, $0x38;
	[tilespmem:$0x18800] =	vst v63  }
0x331: {  	s14 =	simm.s32 $0x1;
	s22 =	sor.u32 $0x3400, s13;
	s23 =	sadd.s32 $0x580, s18  }
0x332: {  	[hbm4b:s23+s3] =	stream.linear.scatter [tilespmem:s22], [sflag:$0x2], $0x80, $0x38;
	[tilespmem:$0x18800] =	vst v63  }
0x333: {  	s14 =	simm.s32 @!p0 $0x0;
	s24 =	sor.u32 $0x3800, s13;
	s25 =	sadd.s32 $0x600, s18  }
0x334: {  	[hbm4b:s25+s3] =	stream.linear.scatter [tilespmem:s24], [sflag:$0x2], $0x80, $0x38;
	[tilespmem:$0x18800] =	vst v63  }
0x335: {  	p0 =	sne.s32 s11, $0x40;
	s26 =	sor.u32 $0x3C00, s13;
	s28 =	sadd.s32 $0x680, s18  }
0x336: {  	[hbm4b:s28+s3] =	stream.linear.scatter [tilespmem:s26], [sflag:$0x2], $0x80, $0x38;
	[tilespmem:$0x18800] =	vst v63  }
.Ltmp4:
0x337: {  	s12 =	simm.s32 @!p1 $0x0;
	(pc) =	sbr.rel @p0 .LBB2_10-.Ltmp4, $4  }
0x338: {  	s16 =	sadd.s32 s12, s16;
	s29 =	sadd.s32 $0x4000, s13;
	s30 =	sadd.s32 $0x700, s18  }
0x339: {  	[hbm4b:s30+s3] =	stream.linear.scatter [tilespmem:s29], [sflag:$0x2], $0x80, $0x38;
	[tilespmem:$0x18800] =	vst v63  }
0x33a: {  	s15 =	sadd.s32 s14, s15;
	s13 =	sadd.s32 $0x4400, s13;
	s31 =	sadd.s32 $0x780, s18  }
0x33b: {  	[hbm4b:s31+s3] =	stream.linear.scatter [tilespmem:s13], [sflag:$0x2], $0x80, $0x38;
	[tilespmem:$0x18800] =	vst v63  }
0x33c: {  	_ =	swait.ge [sflag:s9], $0x800  }
0x33d: {  	[sflag:s9] =	ssyncset.done $0x0  }
0x33e: {  	[sflag:s9] =	ssyncadd.s32 $0xFFFFF800  }
0x33f: {  	_ =	swait.ge [sflag:s9], $0x800  }
0x340: {  	[sflag:s9] =	ssyncset.done $0x0  }
0x341: {  	[sflag:s9] =	ssyncadd.s32 $0xFFFFF800  }
0x342: {  	_ =	swait.ge [sflag:s9], $0x800  }
0x343: {  	[sflag:s9] =	ssyncset.done $0x0  }
0x344: {  	[sflag:s9] =	ssyncadd.s32 $0xFFFFF800  }
0x345: {  	_ =	swait.ge [sflag:s9], $0x800  }
0x346: {  	[sflag:s9] =	ssyncset.done $0x0  }
0x347: {  	[sflag:s9] =	ssyncadd.s32 $0xFFFFF800  }
0x348: {  	_ =	swait.ge [sflag:s9], $0x800  }
0x349: {  	[sflag:s9] =	ssyncset.done $0x0  }
0x34a: {  	[sflag:s9] =	ssyncadd.s32 $0xFFFFF800  }
0x34b: {  	_ =	swait.ge [sflag:s9], $0x800  }
0x34c: {  	[sflag:s9] =	ssyncset.done $0x0  }
0x34d: {  	[sflag:s9] =	ssyncadd.s32 $0xFFFFF800  }
0x34e: {  	_ =	swait.ge [sflag:s9], $0x800  }
0x34f: {  	[sflag:s9] =	ssyncset.done $0x0  }
0x350: {  	[sflag:s9] =	ssyncadd.s32 $0xFFFFF800  }
0x351: {  	_ =	swait.ge [sflag:s9], $0x800  }
0x352: {  	[sflag:s9] =	ssyncset.done $0x0  }
0x353: {  	[sflag:s9] =	ssyncadd.s32 $0xFFFFF800  }
0x354: {  	_ =	swait.ge [sflag:s9], $0x800  }
0x355: {  	[sflag:s9] =	ssyncset.done $0x0  }
0x356: {  	[sflag:s9] =	ssyncadd.s32 $0xFFFFF800  }
0x357: {  	_ =	swait.ge [sflag:s9], $0x800  }
0x358: {  	[sflag:s9] =	ssyncset.done $0x0  }
0x359: {  	[sflag:s9] =	ssyncadd.s32 $0xFFFFF800  }
0x35a: {  	_ =	swait.ge [sflag:s9], $0x800  }
0x35b: {  	[sflag:s9] =	ssyncset.done $0x0  }
0x35c: {  	[sflag:s9] =	ssyncadd.s32 $0xFFFFF800  }
0x35d: {  	_ =	swait.ge [sflag:s9], $0x800  }
0x35e: {  	[sflag:s9] =	ssyncset.done $0x0  }
0x35f: {  	[sflag:s9] =	ssyncadd.s32 $0xFFFFF800  }
0x360: {  	_ =	swait.ge [sflag:s9], $0x800  }
0x361: {  	[sflag:s9] =	ssyncset.done $0x0  }
0x362: {  	[sflag:s9] =	ssyncadd.s32 $0xFFFFF800  }
0x363: {  	_ =	swait.ge [sflag:s9], $0x800  }
0x364: {  	[sflag:s9] =	ssyncset.done $0x0  }
0x365: {  	s10 =	sadd.s32 $0x1, s10;
	[sflag:s9] =	ssyncadd.s32 $0xFFFFF800  }
0x366: {  	p0 =	sne.s32 s10, s7;
	_ =	swait.ge [sflag:s9], $0x800  }
.Ltmp5:
0x367: {  	[sflag:s9] =	ssyncset.done $0x0;
	(pc) =	sbr.rel @p0 .LBB2_1-.Ltmp5, $4  }
0x368: {  	[sflag:s9] =	ssyncadd.s32 $0xFFFFF800  }
0x369: {  	_ =	swait.ge [sflag:s9], $0x800  }
0x36a: {  	[sflag:s9] =	ssyncset.done $0x0  }
0x36b: {  	[sflag:s9] =	ssyncadd.s32 $0xFFFFF800  }
0x36c: {  	_ =	sfence.sel $0x180000  }
0x36d: {  	[bflag:$0x0] =	sbarrier.arrive $0xFFFF  }
0x36e: {  	p0 =	sne.s32 s5, $0x0;
	_ =	strace $0x90000047  }
0x36f: {  	s0 =	sadd.s32 @!p0 $0x100000, s0;
	[bflag:$0x2] =	sbarrier.arrive $0xFFFF  }
0x370: {  	[sflag:s0] =	ssyncadd.tile.s32 @!p0 $0x1;
	_ =	shalt  }
.Lfunc_end2:
_tile_overlayer_lowered:
.L_overlay_start_2:
0x371: {  	(tag) =	ssettag $0x2  }
0x372: {  	s0 =	rddreg [dreg:$0x0];
	s2 =	stileid.u32  }
0x373: {  	s1 =	rddreg [dreg:$0x1];
	p0 =	sne.s32 s2, $0x0  }
0x374: {  	s3 =	rddreg [dreg:$0x2];
	[bflag:$0x3] =	sbarrier.arrive $0xFFFF;
	s2 =	simm.s32 @!p0 $0x1C03  }
0x375: {  	[timem:s3], [sflag:s2] =	dma.local @!p0 [hbm:s0], s1  }
0x376: {  	s0 =	simm.s32 @!p0 $0x3  }
0x377: {  	_ =	swait.ge @!p0 [sflag:s0], s1  }
0x378: {  	s1 =	ssub.s32 @!p0 $0x0, s1;
	[sflag:s0] =	ssyncset.done @!p0 $0x0  }
0x379: {  	[sflag:s0] =	ssyncadd.s32 @!p0 s1  }
0x37a: {  	[bflag:$0x3] =	sbarrier.arrive $0xFFFF  }
0x37b: {  	_ =	shalt  }

</sc_bundles>
